<compile_context>
chip_gen: v7x
topology: tpu7x:2x2x1
jax: 0.10.2.dev20260603
libtpu: 0.0.44.dev20260713+nightly
codegen_flags: <defaults>
</compile_context>

<pallas_src>
import functools

import jax
import jax.numpy as jnp
import numpy as np
from jax import lax
from jax.experimental import pallas as pl
from jax.experimental.pallas import tpu as pltpu
from jax.experimental.pallas import tpu_sc as plsc

_SIZE = 100000
_N_ROWS = 1024
_SMOOTHING = 0.1
_CONF = 1.0 - _SMOOTHING
_SVAL = _SMOOTHING / (_SIZE - 2)

_S32 = np.float32(_SVAL)
_ENT = float(
    (_SIZE - 2) * np.float64(np.float32(_S32 * np.float32(np.log(_S32))))
    + np.float64(np.float32(np.float32(_CONF) * np.float32(np.log(np.float32(_CONF)))))
)

_NC = 2
_NS = 16
_NW = _NC * _NS
_CR = 32
_CSPLIT = 48000
_TC_BC = 2000
_TC_NBLK = (_SIZE - _CSPLIT) // _TC_BC
_NCHUNK = _CSPLIT // _CR
_BASE_K = _NCHUNK // _NW
_EXTRA = _NCHUNK % _NW
_NBUF = 3
_NACC = 8
_NGRP = _N_ROWS // 16
_NFLAG = 128


def _sc_body(xt_hbm, tgt_hbm, out_hbm,
             b0, b1, b2, tgt_v, mask_v, flag_v, tot_v, gt_v, g0_v, res_v,
             s0, s1, s2):
    bufs = (b0, b1, b2)
    sems = (s0, s1, s2)
    cid = lax.axis_index("c")
    sid = lax.axis_index("s")
    wid = sid * _NC + cid
    nk = _BASE_K + jnp.where(wid < _EXTRA, 1, 0)

    pltpu.sync_copy(tgt_hbm.at[pl.ds(0, _N_ROWS)], tgt_v)

    zero16 = jnp.zeros((16,), jnp.float32)
    zero16i = jnp.zeros((16,), jnp.int32)
    one16i = jnp.ones((16,), jnp.int32)
    tot_v[...] = zero16
    gt_v[...] = zero16
    g0_v[...] = zero16

    iota16 = lax.iota(jnp.int32, 16)
    widv = jnp.full((16,), wid, jnp.int32)

    for i in range(_NFLAG // 16):
        flag_v[pl.ds(i * 16, 16)] = zero16i

    def prol(g, c):
        tv = tgt_v[pl.ds(g * 16, 16)]
        nz = tv != 0
        mask_v[pl.ds(g * 16, 16)] = jnp.where(nz, 1.0, 0.0)
        ch = lax.shift_right_logical(tv, 5)
        mine = nz & (tv < _CSPLIT) & ((ch & 31) == widv)
        lc = lax.shift_right_logical(ch, 5)
        plsc.store_scatter(flag_v, [lc], one16i, mask=mine)
        return c
    lax.fori_loop(0, _NGRP, prol, 0)

    def start_chunk(k, buf, sem):
        ci = wid + k * _NW
        pltpu.make_async_copy(xt_hbm.at[pl.ds(ci * _CR, _CR)], buf, sem).start()

    for b in range(_NBUF):
        start_chunk(b, bufs[b], sems[b])

    def chunk_body(k, c):
        b = k % _NBUF
        ci = wid + k * _NW

        def with_buf(buf, sem):
            pltpu.make_async_copy(
                xt_hbm.at[pl.ds(0, _CR)], buf, sem).wait()

            def inner(bb, accs, buf=buf):
                mv = mask_v[pl.ds(bb, 16)]
                out = list(accs)
                for cls in range(_CR):
                    out[cls % _NACC] = (
                        out[cls % _NACC] + buf[cls, pl.ds(bb, 16)] * mv)
                return tuple(out)
            accs = plsc.parallel_loop(
                0, _N_ROWS, 16, unroll=2,
                carry=(zero16,) * _NACC)(inner)
            vs = list(accs)
            while len(vs) > 1:
                nxt = [vs[p] + vs[p + 1] for p in range(0, len(vs) - 1, 2)]
                if len(vs) % 2:
                    nxt.append(vs[-1])
                vs = nxt
            tot_v[...] = tot_v[...] + vs[0]

            grp = flag_v[pl.ds((k >> 4) << 4, 16)]
            hit = jnp.any((grp != 0) & (iota16 == (k & 15)))

            @pl.when(hit)
            def _(buf=buf):
                civ = jnp.full((16,), ci, jnp.int32)

                def scan(g, c2, buf=buf):
                    tv = tgt_v[pl.ds(g * 16, 16)]
                    sel = (tv != 0) & (
                        lax.shift_right_logical(tv, 5) == civ)
                    cls = tv & (_CR - 1)
                    bidx = g * 16 + iota16
                    gv = plsc.load_gather(buf, [cls, bidx])
                    gt_v[...] = gt_v[...] + jnp.where(sel, gv, 0.0)
                    return c2
                lax.fori_loop(0, _NGRP, scan, 0)

            @pl.when(ci == 0)
            def _(buf=buf):
                def col0(g, c2, buf=buf):
                    g0_v[...] = (g0_v[...]
                                 + buf[0, pl.ds(g * 16, 16)]
                                 * mask_v[pl.ds(g * 16, 16)])
                    return c2
                lax.fori_loop(0, _NGRP, col0, 0)

            kn = k + _NBUF

            @pl.when(kn < nk)
            def _(kn=kn, buf=buf, sem=sem):
                start_chunk(kn, buf, sem)

        for bb in range(_NBUF):
            @pl.when(b == bb)
            def _(bb=bb):
                with_buf(bufs[bb], sems[bb])
        return c

    lax.fori_loop(0, nk, chunk_body, 0)

    cnt = zero16

    def cnt_loop(g, c):
        return c + mask_v[pl.ds(g * 16, 16)]
    cnt = lax.fori_loop(0, _NGRP, cnt_loop, cnt)
    w0 = widv == 0
    cnt = jnp.where(w0, cnt, 0.0)

    sval = jnp.float32(_SVAL)
    res = (cnt * jnp.float32(_ENT)
           - sval * tot_v[...]
           + sval * g0_v[...]
           + jnp.float32(_SVAL - _CONF) * gt_v[...])
    res_v[...] = res
    pltpu.sync_copy(res_v, out_hbm.at[pl.ds(wid * 16, 16)])


def _tc_body(xt_ref, tgt_ref, out_ref):
    i = pl.program_id(0)

    @pl.when(i == 0)
    def _():
        out_ref[...] = jnp.zeros((1, 2), jnp.float32)

    xb = xt_ref[...]
    tg = tgt_ref[...]
    m = jnp.where(tg != 0, 1.0, 0.0).astype(jnp.float32)
    s_part = jnp.sum(xb * m)
    cls = (lax.broadcasted_iota(jnp.int32, (_TC_BC, _N_ROWS), 0)
           + _CSPLIT + i * _TC_BC)
    g_part = jnp.sum(jnp.where(cls == tg, xb, 0.0))
    out_ref[...] = out_ref[...] + jnp.concatenate(
        [s_part.reshape(1, 1), g_part.reshape(1, 1)], axis=1)


@jax.jit
def kernel(x, target):
    tgt = target.astype(jnp.int32)
    xt = x.T
    mesh = plsc.VectorSubcoreMesh(core_axis_name="c", subcore_axis_name="s")
    f = functools.partial(
        pl.kernel,
        mesh=mesh,
        compiler_params=pltpu.CompilerParams(needs_layout_passes=False),
        out_type=jax.ShapeDtypeStruct((_NW * 16,), jnp.float32),
        scratch_types=[
            pltpu.VMEM((_CR, _N_ROWS), jnp.float32),
            pltpu.VMEM((_CR, _N_ROWS), jnp.float32),
            pltpu.VMEM((_CR, _N_ROWS), jnp.float32),
            pltpu.VMEM((_N_ROWS,), jnp.int32),
            pltpu.VMEM((_N_ROWS,), jnp.float32),
            pltpu.VMEM((_NFLAG,), jnp.int32),
            pltpu.VMEM((16,), jnp.float32),
            pltpu.VMEM((16,), jnp.float32),
            pltpu.VMEM((16,), jnp.float32),
            pltpu.VMEM((16,), jnp.float32),
            pltpu.SemaphoreType.DMA,
            pltpu.SemaphoreType.DMA,
            pltpu.SemaphoreType.DMA,
        ],
    )(_sc_body)
    partials = f(xt, tgt)

    tcres = pl.pallas_call(
        _tc_body,
        grid=(_TC_NBLK,),
        out_shape=jax.ShapeDtypeStruct((1, 2), jnp.float32),
        in_specs=[
            pl.BlockSpec((_TC_BC, _N_ROWS),
                         lambda i: (_CSPLIT // _TC_BC + i, 0)),
            pl.BlockSpec((1, _N_ROWS), lambda i: (0, 0)),
        ],
        out_specs=pl.BlockSpec((1, 2), lambda i: (0, 0)),
    )(xt, tgt.reshape(1, _N_ROWS))

    return (jnp.sum(partials)
            - jnp.float32(_SVAL) * tcres[0, 0]
            + jnp.float32(_SVAL - _CONF) * tcres[0, 1])

# --- scband reference (transcript-rebuilt; emitter-appended) ---
"""Pipeline reference for scband-label-smoothing-11605001633813 (READ-ONLY COPY).

The authoritative reference and input builder live on the scoring server;
editing this copy changes nothing except your own understanding.
"""

import jax, jax.numpy as jnp
import numpy as np

SIZE = 100000
PADDING_IDX = 0
SMOOTHING = 0.1
CONFIDENCE = 1.0 - SMOOTHING


def setup_inputs(seed: int = 0) -> dict:
    key = jax.random.key(seed)
    k1, k2 = jax.random.split(key)
    x = jax.random.normal(k1, (1024, SIZE), dtype=jnp.float32)
    target = jax.random.randint(k2, (1024,), 0, SIZE, dtype=jnp.int64 if jax.config.jax_enable_x64 else jnp.int32)
    return {"x": x, "target": target}


def reference(x, target):
    # Faithful translation of LabelSmoothing.forward with KLDivLoss(reduction='sum')
    N = x.shape[0]
    true_dist = jnp.full((N, SIZE), SMOOTHING / (SIZE - 2), dtype=x.dtype)
    # scatter_(1, target.unsqueeze(1), confidence)
    true_dist = true_dist.at[jnp.arange(N), target].set(CONFIDENCE)
    # true_dist[:, padding_idx] = 0
    true_dist = true_dist.at[:, PADDING_IDX].set(0.0)
    # index_fill_(0, rows where target == padding_idx, 0.0)
    pad_mask = (target == PADDING_IDX)
    true_dist = jnp.where(pad_mask[:, None], 0.0, true_dist)
    # KLDivLoss(reduction='sum'): sum(t * (log t - x)), with 0 contribution where t == 0
    loss = jnp.sum(jax.scipy.special.xlogy(true_dist, true_dist) - true_dist * x)
    return loss

if __name__ == "__main__":
    import jax
    _d = setup_inputs()
    print(jax.jit(kernel)(*tuple(_d.values())))

</pallas_src>

<mosaic_0001>
#map = affine_map<(d0, d1) -> (0, 0)>
#map1 = affine_map<(d0, d1) -> (0)>
module attributes {stable_mosaic.version = 14 : i64} {
  func.func @_sc_body(%arg0: i32, %arg1: i32, %arg2: memref<100000x1024xf32, #tpu.memory_space<hbm>>, %arg3: memref<1024xi32, #tpu.memory_space<hbm>>, %arg4: memref<512xf32, #tpu.memory_space<hbm>>, %arg5: memref<32x1024xf32, #tpu.memory_space<vmem>>, %arg6: memref<32x1024xf32, #tpu.memory_space<vmem>>, %arg7: memref<32x1024xf32, #tpu.memory_space<vmem>>, %arg8: memref<1024xi32, #tpu.memory_space<vmem>>, %arg9: memref<1024xf32, #tpu.memory_space<vmem>>, %arg10: memref<128xi32, #tpu.memory_space<vmem>>, %arg11: memref<16xf32, #tpu.memory_space<vmem>>, %arg12: memref<16xf32, #tpu.memory_space<vmem>>, %arg13: memref<16xf32, #tpu.memory_space<vmem>>, %arg14: memref<16xf32, #tpu.memory_space<vmem>>, %arg15: memref<!tpu.dma_semaphore, #tpu.memory_space<semaphore_mem>>, %arg16: memref<!tpu.dma_semaphore, #tpu.memory_space<semaphore_mem>>, %arg17: memref<!tpu.dma_semaphore, #tpu.memory_space<semaphore_mem>>) attributes {dimension_semantics = [#tpu.dimension_semantics<core_parallel>, #tpu.dimension_semantics<subcore_parallel>], iteration_bounds = array<i64: 2, 16>, scalar_prefetch = 0 : i64, scratch_operands = 13 : i64, tpu.core_type = #tpu.core_type<sc_vector_subcore>, window_params = [{transform_indices = #map}, {transform_indices = #map1}, {transform_indices = #map1}]} {
    %mul3A = arith.constant 2 : i32
    %mul3A_0 = arith.muli %arg1, %mul3A : i32
    %add3A = arith.addi %mul3A_0, %arg0 : i32
    %lt3A = arith.constant 28 : i32
    %lt3A_1 = arith.cmpi slt, %add3A, %lt3A : i32
    %jit3A = arith.constant 1 : i32
    %jit3A_2 = arith.constant 0 : i32
    %select_n3A = arith.select %lt3A_1, %jit3A, %jit3A_2 : i32
    %add3A_3 = arith.constant 46 : i32
    %add3A_4 = arith.addi %add3A_3, %select_n3A : i32
    "tpu.region"() ({
      %run_scoped3A = tpu.sem_alloc : memref<!tpu.dma_semaphore, #tpu.memory_space<semaphore_mem>>
      %dma_start3A_103 = arith.constant 0 : i32
      %dma_start3A_104 = tpu.memref_slice %arg3[%dma_start3A_103] : memref<1024xi32, #tpu.memory_space<hbm>> -> memref<1024xi32, #tpu.memory_space<hbm>>
      %dma_start3A_105 = arith.constant 0 : i32
      %dma_start3A_106 = tpu.memref_slice %arg3[%dma_start3A_105] : memref<1024xi32, #tpu.memory_space<hbm>> -> memref<1024xi32, #tpu.memory_space<hbm>>
      tpu.enqueue_dma source(%dma_start3A_106 : memref<1024xi32, #tpu.memory_space<hbm>>) target(%arg8 : memref<1024xi32, #tpu.memory_space<vmem>>) target_semaphore(%run_scoped3A : memref<!tpu.dma_semaphore, #tpu.memory_space<semaphore_mem>>)
      %dma_wait3A = arith.constant 0 : i32
      %dma_wait3A_107 = tpu.memref_slice %arg3[%dma_wait3A] : memref<1024xi32, #tpu.memory_space<hbm>> -> memref<1024xi32, #tpu.memory_space<hbm>>
      %dma_wait3A_108 = arith.constant 0 : i32
      %dma_wait3A_109 = tpu.memref_slice %arg3[%dma_wait3A_108] : memref<1024xi32, #tpu.memory_space<hbm>> -> memref<1024xi32, #tpu.memory_space<hbm>>
      tpu.wait_dma2 semaphore(%run_scoped3A : memref<!tpu.dma_semaphore, #tpu.memory_space<semaphore_mem>>) src(%dma_wait3A_109 : memref<1024xi32, #tpu.memory_space<hbm>>) dst(%arg8 : memref<1024xi32, #tpu.memory_space<vmem>>)
      tpu.yield
    }) : () -> ()
    %broadcast_in_dim3A = arith.constant 0.000000e+00 : f32
    %broadcast_in_dim3A_5 = vector.broadcast %broadcast_in_dim3A : f32 to vector<16xf32>
    %broadcast_in_dim3A_6 = arith.constant 0 : i32
    %broadcast_in_dim3A_7 = vector.broadcast %broadcast_in_dim3A_6 : i32 to vector<16xi32>
    %broadcast_in_dim3A_8 = arith.constant 1 : i32
    %broadcast_in_dim3A_9 = vector.broadcast %broadcast_in_dim3A_8 : i32 to vector<16xi32>
    %swap3A = arith.constant 0 : index
    %swap3A_10 = tpu.vector_load %arg11[%swap3A] {strides = array<i32>} : memref<16xf32, #tpu.memory_space<vmem>>, vector<16xf32>,
    tpu.vector_store %arg11[%swap3A], %broadcast_in_dim3A_5 {strides = array<i32>} : memref<16xf32, #tpu.memory_space<vmem>>, vector<16xf32>,
    %swap3A_11 = arith.constant 0 : index
    %swap3A_12 = tpu.vector_load %arg12[%swap3A_11] {strides = array<i32>} : memref<16xf32, #tpu.memory_space<vmem>>, vector<16xf32>,
    tpu.vector_store %arg12[%swap3A_11], %broadcast_in_dim3A_5 {strides = array<i32>} : memref<16xf32, #tpu.memory_space<vmem>>, vector<16xf32>,
    %swap3A_13 = arith.constant 0 : index
    %swap3A_14 = tpu.vector_load %arg13[%swap3A_13] {strides = array<i32>} : memref<16xf32, #tpu.memory_space<vmem>>, vector<16xf32>,
    tpu.vector_store %arg13[%swap3A_13], %broadcast_in_dim3A_5 {strides = array<i32>} : memref<16xf32, #tpu.memory_space<vmem>>, vector<16xf32>,
    %iota3A = tpu.iota {dimensions = array<i32: 0>} : vector<16xi32>
    %broadcast_in_dim3A_15 = vector.broadcast %add3A : i32 to vector<16xi32>
    %swap3A_16 = arith.constant 0 : index
    %swap3A_17 = tpu.vector_load %arg10[%swap3A_16] {strides = array<i32>} : memref<128xi32, #tpu.memory_space<vmem>>, vector<16xi32>,
    tpu.vector_store %arg10[%swap3A_16], %broadcast_in_dim3A_7 {strides = array<i32>} : memref<128xi32, #tpu.memory_space<vmem>>, vector<16xi32>,
    %swap3A_18 = arith.constant 16 : index
    %swap3A_19 = tpu.vector_load %arg10[%swap3A_18] {strides = array<i32>} : memref<128xi32, #tpu.memory_space<vmem>>, vector<16xi32>,
    tpu.vector_store %arg10[%swap3A_18], %broadcast_in_dim3A_7 {strides = array<i32>} : memref<128xi32, #tpu.memory_space<vmem>>, vector<16xi32>,
    %swap3A_20 = arith.constant 32 : index
    %swap3A_21 = tpu.vector_load %arg10[%swap3A_20] {strides = array<i32>} : memref<128xi32, #tpu.memory_space<vmem>>, vector<16xi32>,
    tpu.vector_store %arg10[%swap3A_20], %broadcast_in_dim3A_7 {strides = array<i32>} : memref<128xi32, #tpu.memory_space<vmem>>, vector<16xi32>,
    %swap3A_22 = arith.constant 48 : index
    %swap3A_23 = tpu.vector_load %arg10[%swap3A_22] {strides = array<i32>} : memref<128xi32, #tpu.memory_space<vmem>>, vector<16xi32>,
    tpu.vector_store %arg10[%swap3A_22], %broadcast_in_dim3A_7 {strides = array<i32>} : memref<128xi32, #tpu.memory_space<vmem>>, vector<16xi32>,
    %swap3A_24 = arith.constant 64 : index
    %swap3A_25 = tpu.vector_load %arg10[%swap3A_24] {strides = array<i32>} : memref<128xi32, #tpu.memory_space<vmem>>, vector<16xi32>,
    tpu.vector_store %arg10[%swap3A_24], %broadcast_in_dim3A_7 {strides = array<i32>} : memref<128xi32, #tpu.memory_space<vmem>>, vector<16xi32>,
    %swap3A_26 = arith.constant 80 : index
    %swap3A_27 = tpu.vector_load %arg10[%swap3A_26] {strides = array<i32>} : memref<128xi32, #tpu.memory_space<vmem>>, vector<16xi32>,
    tpu.vector_store %arg10[%swap3A_26], %broadcast_in_dim3A_7 {strides = array<i32>} : memref<128xi32, #tpu.memory_space<vmem>>, vector<16xi32>,
    %swap3A_28 = arith.constant 96 : index
    %swap3A_29 = tpu.vector_load %arg10[%swap3A_28] {strides = array<i32>} : memref<128xi32, #tpu.memory_space<vmem>>, vector<16xi32>,
    tpu.vector_store %arg10[%swap3A_28], %broadcast_in_dim3A_7 {strides = array<i32>} : memref<128xi32, #tpu.memory_space<vmem>>, vector<16xi32>,
    %swap3A_30 = arith.constant 112 : index
    %swap3A_31 = tpu.vector_load %arg10[%swap3A_30] {strides = array<i32>} : memref<128xi32, #tpu.memory_space<vmem>>, vector<16xi32>,
    tpu.vector_store %arg10[%swap3A_30], %broadcast_in_dim3A_7 {strides = array<i32>} : memref<128xi32, #tpu.memory_space<vmem>>, vector<16xi32>,
    %scan3A = arith.constant 0 : i32
    %scan3A_32 = arith.constant 0 : i32
    %scan3A_33 = arith.constant 64 : i32
    %scan3A_34 = arith.addi %scan3A_32, %scan3A_33 : i32
    %scan3A_35 = arith.constant 1 : i32
    scf.for %scan3A_103 = %scan3A_32 to %scan3A_34 step %scan3A_35  : i32 {
      %mul3A_104 = arith.constant 16 : i32
      %mul3A_105 = arith.muli %scan3A_103, %mul3A_104 : i32
      %get3A_106 = arith.index_cast %mul3A_105 : i32 to index
      %get3A_107 = tpu.vector_load %arg8[%get3A_106] {strides = array<i32>} : memref<1024xi32, #tpu.memory_space<vmem>>, vector<16xi32>,
      %ne3A = arith.constant 0 : i32
      %ne3A_108 = vector.broadcast %ne3A : i32 to vector<16xi32>
      %ne3A_109 = arith.cmpi ne, %get3A_107, %ne3A_108 : vector<16xi32>
      %jit3A_110 = arith.constant 1.000000e+00 : f32
      %jit3A_111 = arith.constant 0.000000e+00 : f32
      %broadcast_in_dim3A_112 = vector.broadcast %jit3A_110 : f32 to vector<16xf32>
      %broadcast_in_dim3A_113 = vector.broadcast %jit3A_111 : f32 to vector<16xf32>
      %select_n3A_114 = arith.select %ne3A_109, %broadcast_in_dim3A_112, %broadcast_in_dim3A_113 : vector<16xi1>, vector<16xf32>
      %mul3A_115 = arith.constant 16 : i32
      %mul3A_116 = arith.muli %scan3A_103, %mul3A_115 : i32
      %swap3A_117 = arith.index_cast %mul3A_116 : i32 to index
      %swap3A_118 = tpu.vector_load %arg9[%swap3A_117] {strides = array<i32>} : memref<1024xf32, #tpu.memory_space<vmem>>, vector<16xf32>,
      tpu.vector_store %arg9[%swap3A_117], %select_n3A_114 {strides = array<i32>} : memref<1024xf32, #tpu.memory_space<vmem>>, vector<16xf32>,
      %shift_right_logical3A = arith.constant 5 : i32
      %shift_right_logical3A_119 = vector.broadcast %shift_right_logical3A : i32 to vector<16xi32>
      %shift_right_logical3A_120 = arith.shrui %get3A_107, %shift_right_logical3A_119 : vector<16xi32>
      %lt3A_121 = arith.constant 48000 : i32
      %lt3A_122 = vector.broadcast %lt3A_121 : i32 to vector<16xi32>
      %lt3A_123 = arith.cmpi slt, %get3A_107, %lt3A_122 : vector<16xi32>
      %and3A = arith.andi %ne3A_109, %lt3A_123 : vector<16xi1>
      %and3A_124 = arith.constant 31 : i32
      %and3A_125 = vector.broadcast %and3A_124 : i32 to vector<16xi32>
      %and3A_126 = arith.andi %shift_right_logical3A_120, %and3A_125 : vector<16xi32>
      %eq3A_127 = arith.cmpi eq, %and3A_126, %broadcast_in_dim3A_15 : vector<16xi32>
      %and3A_128 = arith.andi %and3A, %eq3A_127 : vector<16xi1>
      %shift_right_logical3A_129 = arith.constant 5 : i32
      %shift_right_logical3A_130 = vector.broadcast %shift_right_logical3A_129 : i32 to vector<16xi32>
      %shift_right_logical3A_131 = arith.shrui %shift_right_logical3A_120, %shift_right_logical3A_130 : vector<16xi32>
      tpu.vector_store_idx %arg10[%shift_right_logical3A_131], %broadcast_in_dim3A_9 masked %and3A_128 : memref<128xi32, #tpu.memory_space<vmem>>[vector<16xi32>], vector<16xi32>, vector<16xi1>
    }
    %scan3A_36 = arith.constant 64 : i32
    %add3A_37 = arith.constant 0 : i32
    %add3A_38 = arith.addi %add3A, %add3A_37 : i32
    %mul3A_39 = arith.constant 32 : i32
    %mul3A_40 = arith.muli %add3A_38, %mul3A_39 : i32
    %dma_start3A = arith.constant 0 : i32
    %dma_start3A_41 = tpu.memref_slice %arg2[%mul3A_40, %dma_start3A] : memref<100000x1024xf32, #tpu.memory_space<hbm>> -> memref<32x1024xf32, #tpu.memory_space<hbm>>
    %dma_start3A_42 = arith.constant 0 : i32
    %dma_start3A_43 = tpu.memref_slice %arg2[%mul3A_40, %dma_start3A_42] : memref<100000x1024xf32, #tpu.memory_space<hbm>> -> memref<32x1024xf32, #tpu.memory_space<hbm>>
    tpu.enqueue_dma source(%dma_start3A_43 : memref<32x1024xf32, #tpu.memory_space<hbm>>) target(%arg5 : memref<32x1024xf32, #tpu.memory_space<vmem>>) target_semaphore(%arg15 : memref<!tpu.dma_semaphore, #tpu.memory_space<semaphore_mem>>)
    %add3A_44 = arith.constant 32 : i32
    %add3A_45 = arith.addi %add3A, %add3A_44 : i32
    %mul3A_46 = arith.constant 32 : i32
    %mul3A_47 = arith.muli %add3A_45, %mul3A_46 : i32
    %dma_start3A_48 = arith.constant 0 : i32
    %dma_start3A_49 = tpu.memref_slice %arg2[%mul3A_47, %dma_start3A_48] : memref<100000x1024xf32, #tpu.memory_space<hbm>> -> memref<32x1024xf32, #tpu.memory_space<hbm>>
    %dma_start3A_50 = arith.constant 0 : i32
    %dma_start3A_51 = tpu.memref_slice %arg2[%mul3A_47, %dma_start3A_50] : memref<100000x1024xf32, #tpu.memory_space<hbm>> -> memref<32x1024xf32, #tpu.memory_space<hbm>>
    tpu.enqueue_dma source(%dma_start3A_51 : memref<32x1024xf32, #tpu.memory_space<hbm>>) target(%arg6 : memref<32x1024xf32, #tpu.memory_space<vmem>>) target_semaphore(%arg16 : memref<!tpu.dma_semaphore, #tpu.memory_space<semaphore_mem>>)
    %add3A_52 = arith.constant 64 : i32
    %add3A_53 = arith.addi %add3A, %add3A_52 : i32
    %mul3A_54 = arith.constant 32 : i32
    %mul3A_55 = arith.muli %add3A_53, %mul3A_54 : i32
    %dma_start3A_56 = arith.constant 0 : i32
    %dma_start3A_57 = tpu.memref_slice %arg2[%mul3A_55, %dma_start3A_56] : memref<100000x1024xf32, #tpu.memory_space<hbm>> -> memref<32x1024xf32, #tpu.memory_space<hbm>>
    %dma_start3A_58 = arith.constant 0 : i32
    %dma_start3A_59 = tpu.memref_slice %arg2[%mul3A_55, %dma_start3A_58] : memref<100000x1024xf32, #tpu.memory_space<hbm>> -> memref<32x1024xf32, #tpu.memory_space<hbm>>
    tpu.enqueue_dma source(%dma_start3A_59 : memref<32x1024xf32, #tpu.memory_space<hbm>>) target(%arg7 : memref<32x1024xf32, #tpu.memory_space<vmem>>) target_semaphore(%arg17 : memref<!tpu.dma_semaphore, #tpu.memory_space<semaphore_mem>>)
    %while3A = arith.constant 0 : i32
    %while3A_60 = arith.constant 0 : i32
    %while3A_61 = arith.subi %add3A_4, %while3A_60 : i32
    %while3A_62 = arith.addi %while3A_60, %while3A_61 : i32
    %while3A_63 = arith.constant 1 : i32
    %while3A_64 = arith.divsi %while3A_61, %while3A_63 : i32
    %while3A_65 = arith.muli %while3A_64, %while3A_63 : i32
    %while3A_66 = arith.addi %while3A_60, %while3A_65 : i32
    %while3A_67 = arith.constant 1 : i32
    scf.for %while3A_103 = %while3A_60 to %while3A_66 step %while3A_67  : i32 {
      %jit3A_104 = arith.constant 3 : i32
      %eq3A_105 = arith.constant 0 : i32
      %eq3A_106 = arith.cmpi eq, %jit3A_104, %eq3A_105 : i32
      %jit3A_107 = arith.constant 1 : i32
      %select_n3A_108 = arith.select %eq3A_106, %jit3A_107, %jit3A_104 : i32
      %rem3A = arith.remsi %while3A_103, %select_n3A_108 : i32
      %ne3A = arith.constant 0 : i32
      %ne3A_109 = arith.cmpi ne, %rem3A, %ne3A : i32
      %lt3A_110 = arith.constant 0 : i32
      %lt3A_111 = arith.cmpi slt, %rem3A, %lt3A_110 : i32
      %lt3A_112 = arith.constant 0 : i32
      %lt3A_113 = arith.cmpi slt, %select_n3A_108, %lt3A_112 : i32
      %ne3A_114 = arith.xori %lt3A_111, %lt3A_113 : i1
      %and3A = arith.andi %ne3A_114, %ne3A_109 : i1
      %add3A_115 = arith.addi %rem3A, %select_n3A_108 : i32
      %select_n3A_116 = arith.select %and3A, %add3A_115, %rem3A : i32
      %mul3A_117 = arith.constant 32 : i32
      %mul3A_118 = arith.muli %while3A_103, %mul3A_117 : i32
      %add3A_119 = arith.addi %add3A, %mul3A_118 : i32
      %eq3A_120 = arith.constant 0 : i32
      %eq3A_121 = arith.cmpi eq, %select_n3A_116, %eq3A_120 : i32
      %convert_element_type3A = arith.extui %eq3A_121 : i1 to i32
      %cond3A = arith.constant 0 : i32
      %cond3A_122 = arith.cmpi ne, %convert_element_type3A, %cond3A : i32
      scf.if %cond3A_122 {
        %dma_wait3A = arith.constant 0 : i32
        %dma_wait3A_133 = arith.constant 0 : i32
        %dma_wait3A_134 = tpu.memref_slice %arg2[%dma_wait3A, %dma_wait3A_133] : memref<100000x1024xf32, #tpu.memory_space<hbm>> -> memref<32x1024xf32, #tpu.memory_space<hbm>>
        %dma_wait3A_135 = arith.constant 0 : i32
        %dma_wait3A_136 = arith.constant 0 : i32
        %dma_wait3A_137 = tpu.memref_slice %arg2[%dma_wait3A_135, %dma_wait3A_136] : memref<100000x1024xf32, #tpu.memory_space<hbm>> -> memref<32x1024xf32, #tpu.memory_space<hbm>>
        tpu.wait_dma2 semaphore(%arg15 : memref<!tpu.dma_semaphore, #tpu.memory_space<semaphore_mem>>) src(%dma_wait3A_137 : memref<32x1024xf32, #tpu.memory_space<hbm>>) dst(%arg5 : memref<32x1024xf32, #tpu.memory_space<vmem>>)
        %parallel_loop3A = arith.constant 0 : i32
        %parallel_loop3A_138 = arith.constant 1024 : i32
        %parallel_loop3A_139 = arith.constant 16 : i32
        %parallel_loop3A_140:8 = scf.for %parallel_loop3A_189 = %parallel_loop3A to %parallel_loop3A_138 step %parallel_loop3A_139 iter_args(%parallel_loop3A_190 = %broadcast_in_dim3A_5, %parallel_loop3A_191 = %broadcast_in_dim3A_5, %parallel_loop3A_192 = %broadcast_in_dim3A_5, %parallel_loop3A_193 = %broadcast_in_dim3A_5, %parallel_loop3A_194 = %broadcast_in_dim3A_5, %parallel_loop3A_195 = %broadcast_in_dim3A_5, %parallel_loop3A_196 = %broadcast_in_dim3A_5, %parallel_loop3A_197 = %broadcast_in_dim3A_5) -> (vector<16xf32>, vector<16xf32>, vector<16xf32>, vector<16xf32>, vector<16xf32>, vector<16xf32>, vector<16xf32>, vector<16xf32>)  : i32 {
          %parallel_loop3A_198 = arith.index_cast %parallel_loop3A_189 : i32 to index
          %parallel_loop3A_199 = tpu.vector_load %arg9[%parallel_loop3A_198] {strides = array<i32>} : memref<1024xf32, #tpu.memory_space<vmem>>, vector<16xf32>,
          %parallel_loop3A_200 = arith.constant 0 : i32
          %parallel_loop3A_201 = arith.index_cast %parallel_loop3A_200 : i32 to index
          %parallel_loop3A_202 = arith.index_cast %parallel_loop3A_189 : i32 to index
          %parallel_loop3A_203 = tpu.vector_load %arg5[%parallel_loop3A_201, %parallel_loop3A_202] {strides = array<i32>} : memref<32x1024xf32, #tpu.memory_space<vmem>>, vector<16xf32>,
          %parallel_loop3A_204 = arith.mulf %parallel_loop3A_203, %parallel_loop3A_199 : vector<16xf32>
          %parallel_loop3A_205 = arith.addf %parallel_loop3A_190, %parallel_loop3A_204 : vector<16xf32>
          %parallel_loop3A_206 = arith.constant 1 : i32
          %parallel_loop3A_207 = arith.index_cast %parallel_loop3A_206 : i32 to index
          %parallel_loop3A_208 = arith.index_cast %parallel_loop3A_189 : i32 to index
          %parallel_loop3A_209 = tpu.vector_load %arg5[%parallel_loop3A_207, %parallel_loop3A_208] {strides = array<i32>} : memref<32x1024xf32, #tpu.memory_space<vmem>>, vector<16xf32>,
          %parallel_loop3A_210 = arith.mulf %parallel_loop3A_209, %parallel_loop3A_199 : vector<16xf32>
          %parallel_loop3A_211 = arith.addf %parallel_loop3A_191, %parallel_loop3A_210 : vector<16xf32>
          %parallel_loop3A_212 = arith.constant 2 : i32
          %parallel_loop3A_213 = arith.index_cast %parallel_loop3A_212 : i32 to index
          %parallel_loop3A_214 = arith.index_cast %parallel_loop3A_189 : i32 to index
          %parallel_loop3A_215 = tpu.vector_load %arg5[%parallel_loop3A_213, %parallel_loop3A_214] {strides = array<i32>} : memref<32x1024xf32, #tpu.memory_space<vmem>>, vector<16xf32>,
          %parallel_loop3A_216 = arith.mulf %parallel_loop3A_215, %parallel_loop3A_199 : vector<16xf32>
          %parallel_loop3A_217 = arith.addf %parallel_loop3A_192, %parallel_loop3A_216 : vector<16xf32>
          %parallel_loop3A_218 = arith.constant 3 : i32
          %parallel_loop3A_219 = arith.index_cast %parallel_loop3A_218 : i32 to index
          %parallel_loop3A_220 = arith.index_cast %parallel_loop3A_189 : i32 to index
          %parallel_loop3A_221 = tpu.vector_load %arg5[%parallel_loop3A_219, %parallel_loop3A_220] {strides = array<i32>} : memref<32x1024xf32, #tpu.memory_space<vmem>>, vector<16xf32>,
          %parallel_loop3A_222 = arith.mulf %parallel_loop3A_221, %parallel_loop3A_199 : vector<16xf32>
          %parallel_loop3A_223 = arith.addf %parallel_loop3A_193, %parallel_loop3A_222 : vector<16xf32>
          %parallel_loop3A_224 = arith.constant 4 : i32
          %parallel_loop3A_225 = arith.index_cast %parallel_loop3A_224 : i32 to index
          %parallel_loop3A_226 = arith.index_cast %parallel_loop3A_189 : i32 to index
          %parallel_loop3A_227 = tpu.vector_load %arg5[%parallel_loop3A_225, %parallel_loop3A_226] {strides = array<i32>} : memref<32x1024xf32, #tpu.memory_space<vmem>>, vector<16xf32>,
          %parallel_loop3A_228 = arith.mulf %parallel_loop3A_227, %parallel_loop3A_199 : vector<16xf32>
          %parallel_loop3A_229 = arith.addf %parallel_loop3A_194, %parallel_loop3A_228 : vector<16xf32>
          %parallel_loop3A_230 = arith.constant 5 : i32
          %parallel_loop3A_231 = arith.index_cast %parallel_loop3A_230 : i32 to index
          %parallel_loop3A_232 = arith.index_cast %parallel_loop3A_189 : i32 to index
          %parallel_loop3A_233 = tpu.vector_load %arg5[%parallel_loop3A_231, %parallel_loop3A_232] {strides = array<i32>} : memref<32x1024xf32, #tpu.memory_space<vmem>>, vector<16xf32>,
          %parallel_loop3A_234 = arith.mulf %parallel_loop3A_233, %parallel_loop3A_199 : vector<16xf32>
          %parallel_loop3A_235 = arith.addf %parallel_loop3A_195, %parallel_loop3A_234 : vector<16xf32>
          %parallel_loop3A_236 = arith.constant 6 : i32
          %parallel_loop3A_237 = arith.index_cast %parallel_loop3A_236 : i32 to index
          %parallel_loop3A_238 = arith.index_cast %parallel_loop3A_189 : i32 to index
          %parallel_loop3A_239 = tpu.vector_load %arg5[%parallel_loop3A_237, %parallel_loop3A_238] {strides = array<i32>} : memref<32x1024xf32, #tpu.memory_space<vmem>>, vector<16xf32>,
          %parallel_loop3A_240 = arith.mulf %parallel_loop3A_239, %parallel_loop3A_199 : vector<16xf32>
          %parallel_loop3A_241 = arith.addf %parallel_loop3A_196, %parallel_loop3A_240 : vector<16xf32>
          %parallel_loop3A_242 = arith.constant 7 : i32
          %parallel_loop3A_243 = arith.index_cast %parallel_loop3A_242 : i32 to index
          %parallel_loop3A_244 = arith.index_cast %parallel_loop3A_189 : i32 to index
          %parallel_loop3A_245 = tpu.vector_load %arg5[%parallel_loop3A_243, %parallel_loop3A_244] {strides = array<i32>} : memref<32x1024xf32, #tpu.memory_space<vmem>>, vector<16xf32>,
          %parallel_loop3A_246 = arith.mulf %parallel_loop3A_245, %parallel_loop3A_199 : vector<16xf32>
          %parallel_loop3A_247 = arith.addf %parallel_loop3A_197, %parallel_loop3A_246 : vector<16xf32>
          %parallel_loop3A_248 = arith.constant 8 : i32
          %parallel_loop3A_249 = arith.index_cast %parallel_loop3A_248 : i32 to index
          %parallel_loop3A_250 = arith.index_cast %parallel_loop3A_189 : i32 to index
          %parallel_loop3A_251 = tpu.vector_load %arg5[%parallel_loop3A_249, %parallel_loop3A_250] {strides = array<i32>} : memref<32x1024xf32, #tpu.memory_space<vmem>>, vector<16xf32>,
          %parallel_loop3A_252 = arith.mulf %parallel_loop3A_251, %parallel_loop3A_199 : vector<16xf32>
          %parallel_loop3A_253 = arith.addf %parallel_loop3A_205, %parallel_loop3A_252 : vector<16xf32>
          %parallel_loop3A_254 = arith.constant 9 : i32
          %parallel_loop3A_255 = arith.index_cast %parallel_loop3A_254 : i32 to index
          %parallel_loop3A_256 = arith.index_cast %parallel_loop3A_189 : i32 to index
          %parallel_loop3A_257 = tpu.vector_load %arg5[%parallel_loop3A_255, %parallel_loop3A_256] {strides = array<i32>} : memref<32x1024xf32, #tpu.memory_space<vmem>>, vector<16xf32>,
          %parallel_loop3A_258 = arith.mulf %parallel_loop3A_257, %parallel_loop3A_199 : vector<16xf32>
          %parallel_loop3A_259 = arith.addf %parallel_loop3A_211, %parallel_loop3A_258 : vector<16xf32>
          %parallel_loop3A_260 = arith.constant 10 : i32
          %parallel_loop3A_261 = arith.index_cast %parallel_loop3A_260 : i32 to index
          %parallel_loop3A_262 = arith.index_cast %parallel_loop3A_189 : i32 to index
          %parallel_loop3A_263 = tpu.vector_load %arg5[%parallel_loop3A_261, %parallel_loop3A_262] {strides = array<i32>} : memref<32x1024xf32, #tpu.memory_space<vmem>>, vector<16xf32>,
          %parallel_loop3A_264 = arith.mulf %parallel_loop3A_263, %parallel_loop3A_199 : vector<16xf32>
          %parallel_loop3A_265 = arith.addf %parallel_loop3A_217, %parallel_loop3A_264 : vector<16xf32>
          %parallel_loop3A_266 = arith.constant 11 : i32
          %parallel_loop3A_267 = arith.index_cast %parallel_loop3A_266 : i32 to index
          %parallel_loop3A_268 = arith.index_cast %parallel_loop3A_189 : i32 to index
          %parallel_loop3A_269 = tpu.vector_load %arg5[%parallel_loop3A_267, %parallel_loop3A_268] {strides = array<i32>} : memref<32x1024xf32, #tpu.memory_space<vmem>>, vector<16xf32>,
          %parallel_loop3A_270 = arith.mulf %parallel_loop3A_269, %parallel_loop3A_199 : vector<16xf32>
          %parallel_loop3A_271 = arith.addf %parallel_loop3A_223, %parallel_loop3A_270 : vector<16xf32>
          %parallel_loop3A_272 = arith.constant 12 : i32
          %parallel_loop3A_273 = arith.index_cast %parallel_loop3A_272 : i32 to index
          %parallel_loop3A_274 = arith.index_cast %parallel_loop3A_189 : i32 to index
          %parallel_loop3A_275 = tpu.vector_load %arg5[%parallel_loop3A_273, %parallel_loop3A_274] {strides = array<i32>} : memref<32x1024xf32, #tpu.memory_space<vmem>>, vector<16xf32>,
          %parallel_loop3A_276 = arith.mulf %parallel_loop3A_275, %parallel_loop3A_199 : vector<16xf32>
          %parallel_loop3A_277 = arith.addf %parallel_loop3A_229, %parallel_loop3A_276 : vector<16xf32>
          %parallel_loop3A_278 = arith.constant 13 : i32
          %parallel_loop3A_279 = arith.index_cast %parallel_loop3A_278 : i32 to index
          %parallel_loop3A_280 = arith.index_cast %parallel_loop3A_189 : i32 to index
          %parallel_loop3A_281 = tpu.vector_load %arg5[%parallel_loop3A_279, %parallel_loop3A_280] {strides = array<i32>} : memref<32x1024xf32, #tpu.memory_space<vmem>>, vector<16xf32>,
          %parallel_loop3A_282 = arith.mulf %parallel_loop3A_281, %parallel_loop3A_199 : vector<16xf32>
          %parallel_loop3A_283 = arith.addf %parallel_loop3A_235, %parallel_loop3A_282 : vector<16xf32>
          %parallel_loop3A_284 = arith.constant 14 : i32
          %parallel_loop3A_285 = arith.index_cast %parallel_loop3A_284 : i32 to index
          %parallel_loop3A_286 = arith.index_cast %parallel_loop3A_189 : i32 to index
          %parallel_loop3A_287 = tpu.vector_load %arg5[%parallel_loop3A_285, %parallel_loop3A_286] {strides = array<i32>} : memref<32x1024xf32, #tpu.memory_space<vmem>>, vector<16xf32>,
          %parallel_loop3A_288 = arith.mulf %parallel_loop3A_287, %parallel_loop3A_199 : vector<16xf32>
          %parallel_loop3A_289 = arith.addf %parallel_loop3A_241, %parallel_loop3A_288 : vector<16xf32>
          %parallel_loop3A_290 = arith.constant 15 : i32
          %parallel_loop3A_291 = arith.index_cast %parallel_loop3A_290 : i32 to index
          %parallel_loop3A_292 = arith.index_cast %parallel_loop3A_189 : i32 to index
          %parallel_loop3A_293 = tpu.vector_load %arg5[%parallel_loop3A_291, %parallel_loop3A_292] {strides = array<i32>} : memref<32x1024xf32, #tpu.memory_space<vmem>>, vector<16xf32>,
          %parallel_loop3A_294 = arith.mulf %parallel_loop3A_293, %parallel_loop3A_199 : vector<16xf32>
          %parallel_loop3A_295 = arith.addf %parallel_loop3A_247, %parallel_loop3A_294 : vector<16xf32>
          %parallel_loop3A_296 = arith.constant 16 : i32
          %parallel_loop3A_297 = arith.index_cast %parallel_loop3A_296 : i32 to index
          %parallel_loop3A_298 = arith.index_cast %parallel_loop3A_189 : i32 to index
          %parallel_loop3A_299 = tpu.vector_load %arg5[%parallel_loop3A_297, %parallel_loop3A_298] {strides = array<i32>} : memref<32x1024xf32, #tpu.memory_space<vmem>>, vector<16xf32>,
          %parallel_loop3A_300 = arith.mulf %parallel_loop3A_299, %parallel_loop3A_199 : vector<16xf32>
          %parallel_loop3A_301 = arith.addf %parallel_loop3A_253, %parallel_loop3A_300 : vector<16xf32>
          %parallel_loop3A_302 = arith.constant 17 : i32
          %parallel_loop3A_303 = arith.index_cast %parallel_loop3A_302 : i32 to index
          %parallel_loop3A_304 = arith.index_cast %parallel_loop3A_189 : i32 to index
          %parallel_loop3A_305 = tpu.vector_load %arg5[%parallel_loop3A_303, %parallel_loop3A_304] {strides = array<i32>} : memref<32x1024xf32, #tpu.memory_space<vmem>>, vector<16xf32>,
          %parallel_loop3A_306 = arith.mulf %parallel_loop3A_305, %parallel_loop3A_199 : vector<16xf32>
          %parallel_loop3A_307 = arith.addf %parallel_loop3A_259, %parallel_loop3A_306 : vector<16xf32>
          %parallel_loop3A_308 = arith.constant 18 : i32
          %parallel_loop3A_309 = arith.index_cast %parallel_loop3A_308 : i32 to index
          %parallel_loop3A_310 = arith.index_cast %parallel_loop3A_189 : i32 to index
          %parallel_loop3A_311 = tpu.vector_load %arg5[%parallel_loop3A_309, %parallel_loop3A_310] {strides = array<i32>} : memref<32x1024xf32, #tpu.memory_space<vmem>>, vector<16xf32>,
          %parallel_loop3A_312 = arith.mulf %parallel_loop3A_311, %parallel_loop3A_199 : vector<16xf32>
          %parallel_loop3A_313 = arith.addf %parallel_loop3A_265, %parallel_loop3A_312 : vector<16xf32>
          %parallel_loop3A_314 = arith.constant 19 : i32
          %parallel_loop3A_315 = arith.index_cast %parallel_loop3A_314 : i32 to index
          %parallel_loop3A_316 = arith.index_cast %parallel_loop3A_189 : i32 to index
          %parallel_loop3A_317 = tpu.vector_load %arg5[%parallel_loop3A_315, %parallel_loop3A_316] {strides = array<i32>} : memref<32x1024xf32, #tpu.memory_space<vmem>>, vector<16xf32>,
          %parallel_loop3A_318 = arith.mulf %parallel_loop3A_317, %parallel_loop3A_199 : vector<16xf32>
          %parallel_loop3A_319 = arith.addf %parallel_loop3A_271, %parallel_loop3A_318 : vector<16xf32>
          %parallel_loop3A_320 = arith.constant 20 : i32
          %parallel_loop3A_321 = arith.index_cast %parallel_loop3A_320 : i32 to index
          %parallel_loop3A_322 = arith.index_cast %parallel_loop3A_189 : i32 to index
          %parallel_loop3A_323 = tpu.vector_load %arg5[%parallel_loop3A_321, %parallel_loop3A_322] {strides = array<i32>} : memref<32x1024xf32, #tpu.memory_space<vmem>>, vector<16xf32>,
          %parallel_loop3A_324 = arith.mulf %parallel_loop3A_323, %parallel_loop3A_199 : vector<16xf32>
          %parallel_loop3A_325 = arith.addf %parallel_loop3A_277, %parallel_loop3A_324 : vector<16xf32>
          %parallel_loop3A_326 = arith.constant 21 : i32
          %parallel_loop3A_327 = arith.index_cast %parallel_loop3A_326 : i32 to index
          %parallel_loop3A_328 = arith.index_cast %parallel_loop3A_189 : i32 to index
          %parallel_loop3A_329 = tpu.vector_load %arg5[%parallel_loop3A_327, %parallel_loop3A_328] {strides = array<i32>} : memref<32x1024xf32, #tpu.memory_space<vmem>>, vector<16xf32>,
          %parallel_loop3A_330 = arith.mulf %parallel_loop3A_329, %parallel_loop3A_199 : vector<16xf32>
          %parallel_loop3A_331 = arith.addf %parallel_loop3A_283, %parallel_loop3A_330 : vector<16xf32>
          %parallel_loop3A_332 = arith.constant 22 : i32
          %parallel_loop3A_333 = arith.index_cast %parallel_loop3A_332 : i32 to index
          %parallel_loop3A_334 = arith.index_cast %parallel_loop3A_189 : i32 to index
          %parallel_loop3A_335 = tpu.vector_load %arg5[%parallel_loop3A_333, %parallel_loop3A_334] {strides = array<i32>} : memref<32x1024xf32, #tpu.memory_space<vmem>>, vector<16xf32>,
          %parallel_loop3A_336 = arith.mulf %parallel_loop3A_335, %parallel_loop3A_199 : vector<16xf32>
          %parallel_loop3A_337 = arith.addf %parallel_loop3A_289, %parallel_loop3A_336 : vector<16xf32>
          %parallel_loop3A_338 = arith.constant 23 : i32
          %parallel_loop3A_339 = arith.index_cast %parallel_loop3A_338 : i32 to index
          %parallel_loop3A_340 = arith.index_cast %parallel_loop3A_189 : i32 to index
          %parallel_loop3A_341 = tpu.vector_load %arg5[%parallel_loop3A_339, %parallel_loop3A_340] {strides = array<i32>} : memref<32x1024xf32, #tpu.memory_space<vmem>>, vector<16xf32>,
          %parallel_loop3A_342 = arith.mulf %parallel_loop3A_341, %parallel_loop3A_199 : vector<16xf32>
          %parallel_loop3A_343 = arith.addf %parallel_loop3A_295, %parallel_loop3A_342 : vector<16xf32>
          %parallel_loop3A_344 = arith.constant 24 : i32
          %parallel_loop3A_345 = arith.index_cast %parallel_loop3A_344 : i32 to index
          %parallel_loop3A_346 = arith.index_cast %parallel_loop3A_189 : i32 to index
          %parallel_loop3A_347 = tpu.vector_load %arg5[%parallel_loop3A_345, %parallel_loop3A_346] {strides = array<i32>} : memref<32x1024xf32, #tpu.memory_space<vmem>>, vector<16xf32>,
          %parallel_loop3A_348 = arith.mulf %parallel_loop3A_347, %parallel_loop3A_199 : vector<16xf32>
          %parallel_loop3A_349 = arith.addf %parallel_loop3A_301, %parallel_loop3A_348 : vector<16xf32>
          %parallel_loop3A_350 = arith.constant 25 : i32
          %parallel_loop3A_351 = arith.index_cast %parallel_loop3A_350 : i32 to index
          %parallel_loop3A_352 = arith.index_cast %parallel_loop3A_189 : i32 to index
          %parallel_loop3A_353 = tpu.vector_load %arg5[%parallel_loop3A_351, %parallel_loop3A_352] {strides = array<i32>} : memref<32x1024xf32, #tpu.memory_space<vmem>>, vector<16xf32>,
          %parallel_loop3A_354 = arith.mulf %parallel_loop3A_353, %parallel_loop3A_199 : vector<16xf32>
          %parallel_loop3A_355 = arith.addf %parallel_loop3A_307, %parallel_loop3A_354 : vector<16xf32>
          %parallel_loop3A_356 = arith.constant 26 : i32
          %parallel_loop3A_357 = arith.index_cast %parallel_loop3A_356 : i32 to index
          %parallel_loop3A_358 = arith.index_cast %parallel_loop3A_189 : i32 to index
          %parallel_loop3A_359 = tpu.vector_load %arg5[%parallel_loop3A_357, %parallel_loop3A_358] {strides = array<i32>} : memref<32x1024xf32, #tpu.memory_space<vmem>>, vector<16xf32>,
          %parallel_loop3A_360 = arith.mulf %parallel_loop3A_359, %parallel_loop3A_199 : vector<16xf32>
          %parallel_loop3A_361 = arith.addf %parallel_loop3A_313, %parallel_loop3A_360 : vector<16xf32>
          %parallel_loop3A_362 = arith.constant 27 : i32
          %parallel_loop3A_363 = arith.index_cast %parallel_loop3A_362 : i32 to index
          %parallel_loop3A_364 = arith.index_cast %parallel_loop3A_189 : i32 to index
          %parallel_loop3A_365 = tpu.vector_load %arg5[%parallel_loop3A_363, %parallel_loop3A_364] {strides = array<i32>} : memref<32x1024xf32, #tpu.memory_space<vmem>>, vector<16xf32>,
          %parallel_loop3A_366 = arith.mulf %parallel_loop3A_365, %parallel_loop3A_199 : vector<16xf32>
          %parallel_loop3A_367 = arith.addf %parallel_loop3A_319, %parallel_loop3A_366 : vector<16xf32>
          %parallel_loop3A_368 = arith.constant 28 : i32
          %parallel_loop3A_369 = arith.index_cast %parallel_loop3A_368 : i32 to index
          %parallel_loop3A_370 = arith.index_cast %parallel_loop3A_189 : i32 to index
          %parallel_loop3A_371 = tpu.vector_load %arg5[%parallel_loop3A_369, %parallel_loop3A_370] {strides = array<i32>} : memref<32x1024xf32, #tpu.memory_space<vmem>>, vector<16xf32>,
          %parallel_loop3A_372 = arith.mulf %parallel_loop3A_371, %parallel_loop3A_199 : vector<16xf32>
          %parallel_loop3A_373 = arith.addf %parallel_loop3A_325, %parallel_loop3A_372 : vector<16xf32>
          %parallel_loop3A_374 = arith.constant 29 : i32
          %parallel_loop3A_375 = arith.index_cast %parallel_loop3A_374 : i32 to index
          %parallel_loop3A_376 = arith.index_cast %parallel_loop3A_189 : i32 to index
          %parallel_loop3A_377 = tpu.vector_load %arg5[%parallel_loop3A_375, %parallel_loop3A_376] {strides = array<i32>} : memref<32x1024xf32, #tpu.memory_space<vmem>>, vector<16xf32>,
          %parallel_loop3A_378 = arith.mulf %parallel_loop3A_377, %parallel_loop3A_199 : vector<16xf32>
          %parallel_loop3A_379 = arith.addf %parallel_loop3A_331, %parallel_loop3A_378 : vector<16xf32>
          %parallel_loop3A_380 = arith.constant 30 : i32
          %parallel_loop3A_381 = arith.index_cast %parallel_loop3A_380 : i32 to index
          %parallel_loop3A_382 = arith.index_cast %parallel_loop3A_189 : i32 to index
          %parallel_loop3A_383 = tpu.vector_load %arg5[%parallel_loop3A_381, %parallel_loop3A_382] {strides = array<i32>} : memref<32x1024xf32, #tpu.memory_space<vmem>>, vector<16xf32>,
          %parallel_loop3A_384 = arith.mulf %parallel_loop3A_383, %parallel_loop3A_199 : vector<16xf32>
          %parallel_loop3A_385 = arith.addf %parallel_loop3A_337, %parallel_loop3A_384 : vector<16xf32>
          %parallel_loop3A_386 = arith.constant 31 : i32
          %parallel_loop3A_387 = arith.index_cast %parallel_loop3A_386 : i32 to index
          %parallel_loop3A_388 = arith.index_cast %parallel_loop3A_189 : i32 to index
          %parallel_loop3A_389 = tpu.vector_load %arg5[%parallel_loop3A_387, %parallel_loop3A_388] {strides = array<i32>} : memref<32x1024xf32, #tpu.memory_space<vmem>>, vector<16xf32>,
          %parallel_loop3A_390 = arith.mulf %parallel_loop3A_389, %parallel_loop3A_199 : vector<16xf32>
          %parallel_loop3A_391 = arith.addf %parallel_loop3A_343, %parallel_loop3A_390 : vector<16xf32>
          scf.yield %parallel_loop3A_349, %parallel_loop3A_355, %parallel_loop3A_361, %parallel_loop3A_367, %parallel_loop3A_373, %parallel_loop3A_379, %parallel_loop3A_385, %parallel_loop3A_391 : vector<16xf32>, vector<16xf32>, vector<16xf32>, vector<16xf32>, vector<16xf32>, vector<16xf32>, vector<16xf32>, vector<16xf32>
        } {sc.loop_unroll_factor = 2 : i64, sc.parallel_access}
        %add3A_141 = arith.addf %parallel_loop3A_140#0, %parallel_loop3A_140#1 : vector<16xf32>
        %add3A_142 = arith.addf %parallel_loop3A_140#2, %parallel_loop3A_140#3 : vector<16xf32>
        %add3A_143 = arith.addf %parallel_loop3A_140#4, %parallel_loop3A_140#5 : vector<16xf32>
        %add3A_144 = arith.addf %parallel_loop3A_140#6, %parallel_loop3A_140#7 : vector<16xf32>
        %add3A_145 = arith.addf %add3A_141, %add3A_142 : vector<16xf32>
        %add3A_146 = arith.addf %add3A_143, %add3A_144 : vector<16xf32>
        %add3A_147 = arith.addf %add3A_145, %add3A_146 : vector<16xf32>
        %get3A_148 = arith.constant 0 : index
        %get3A_149 = tpu.vector_load %arg11[%get3A_148] {strides = array<i32>} : memref<16xf32, #tpu.memory_space<vmem>>, vector<16xf32>,
        %add3A_150 = arith.addf %get3A_149, %add3A_147 : vector<16xf32>
        %swap3A_151 = arith.constant 0 : index
        %swap3A_152 = tpu.vector_load %arg11[%swap3A_151] {strides = array<i32>} : memref<16xf32, #tpu.memory_space<vmem>>, vector<16xf32>,
        tpu.vector_store %arg11[%swap3A_151], %add3A_150 {strides = array<i32>} : memref<16xf32, #tpu.memory_space<vmem>>, vector<16xf32>,
        %shift_right_arithmetic3A = arith.constant 4 : i32
        %shift_right_arithmetic3A_153 = arith.shrsi %while3A_103, %shift_right_arithmetic3A : i32
        %shift_left3A = arith.constant 4 : i32
        %shift_left3A_154 = arith.shli %shift_right_arithmetic3A_153, %shift_left3A : i32
        %get3A_155 = arith.index_cast %shift_left3A_154 : i32 to index
        %get3A_156 = tpu.vector_load %arg10[%get3A_155] {strides = array<i32>} : memref<128xi32, #tpu.memory_space<vmem>>, vector<16xi32>,
        %ne3A_157 = arith.constant 0 : i32
        %ne3A_158 = vector.broadcast %ne3A_157 : i32 to vector<16xi32>
        %ne3A_159 = arith.cmpi ne, %get3A_156, %ne3A_158 : vector<16xi32>
        %and3A_160 = arith.constant 15 : i32
        %and3A_161 = arith.andi %while3A_103, %and3A_160 : i32
        %eq3A_162 = vector.broadcast %and3A_161 : i32 to vector<16xi32>
        %eq3A_163 = arith.cmpi eq, %iota3A, %eq3A_162 : vector<16xi32>
        %and3A_164 = arith.andi %ne3A_159, %eq3A_163 : vector<16xi1>
        %reduce_or3A = arith.constant 1.000000e+00 : f32
        %reduce_or3A_165 = arith.constant 0.000000e+00 : f32
        %reduce_or3A_166 = vector.broadcast %reduce_or3A : f32 to vector<16xf32>
        %reduce_or3A_167 = vector.broadcast %reduce_or3A_165 : f32 to vector<16xf32>
        %reduce_or3A_168 = arith.select %and3A_164, %reduce_or3A_166, %reduce_or3A_167 : vector<16xi1>, vector<16xf32>
        %reduce_or3A_169 = arith.constant true
        %reduce_or3A_170 = vector.broadcast %reduce_or3A_169 : i1 to vector<16xi1>
        %reduce_or3A_171 = tpu.scan <max>, %reduce_or3A_168 masked %reduce_or3A_170 : vector<16xf32>, vector<16xi1> -> vector<16xf32>
        %reduce_or3A_172 = vector.extract %reduce_or3A_171[15] : f32 from vector<16xf32>
        %reduce_or3A_173 = arith.constant 0.000000e+00 : f32
        %reduce_or3A_174 = arith.cmpf ogt, %reduce_or3A_172, %reduce_or3A_173 : f32
        %convert_element_type3A_175 = arith.extui %reduce_or3A_174 : i1 to i32
        %cond3A_176 = arith.constant 0 : i32
        %cond3A_177 = arith.cmpi ne, %convert_element_type3A_175, %cond3A_176 : i32
        scf.if %cond3A_177 {
          %broadcast_in_dim3A_189 = vector.broadcast %add3A_119 : i32 to vector<16xi32>
          %scan3A_190 = arith.constant 0 : i32
          %scan3A_191 = arith.constant 0 : i32
          %scan3A_192 = arith.constant 64 : i32
          %scan3A_193 = arith.addi %scan3A_191, %scan3A_192 : i32
          %scan3A_194 = arith.constant 1 : i32
          scf.for %scan3A_196 = %scan3A_191 to %scan3A_193 step %scan3A_194  : i32 {
            %mul3A_197 = arith.constant 16 : i32
            %mul3A_198 = arith.muli %scan3A_196, %mul3A_197 : i32
            %get3A_199 = arith.index_cast %mul3A_198 : i32 to index
            %get3A_200 = tpu.vector_load %arg8[%get3A_199] {strides = array<i32>} : memref<1024xi32, #tpu.memory_space<vmem>>, vector<16xi32>,
            %ne3A_201 = arith.constant 0 : i32
            %ne3A_202 = vector.broadcast %ne3A_201 : i32 to vector<16xi32>
            %ne3A_203 = arith.cmpi ne, %get3A_200, %ne3A_202 : vector<16xi32>
            %shift_right_logical3A = arith.constant 5 : i32
            %shift_right_logical3A_204 = vector.broadcast %shift_right_logical3A : i32 to vector<16xi32>
            %shift_right_logical3A_205 = arith.shrui %get3A_200, %shift_right_logical3A_204 : vector<16xi32>
            %eq3A_206 = arith.cmpi eq, %shift_right_logical3A_205, %broadcast_in_dim3A_189 : vector<16xi32>
            %and3A_207 = arith.andi %ne3A_203, %eq3A_206 : vector<16xi1>
            %and3A_208 = arith.constant 31 : i32
            %and3A_209 = vector.broadcast %and3A_208 : i32 to vector<16xi32>
            %and3A_210 = arith.andi %get3A_200, %and3A_209 : vector<16xi32>
            %mul3A_211 = arith.constant 16 : i32
            %mul3A_212 = arith.muli %scan3A_196, %mul3A_211 : i32
            %add3A_213 = vector.broadcast %mul3A_212 : i32 to vector<16xi32>
            %add3A_214 = arith.addi %add3A_213, %iota3A : vector<16xi32>
            %gather3A = tpu.vector_load_idx %arg5[%and3A_210, %add3A_214] : memref<32x1024xf32, #tpu.memory_space<vmem>>[vector<16xi32>, vector<16xi32>], vector<16xf32>,
            %get3A_215 = arith.constant 0 : index
            %get3A_216 = tpu.vector_load %arg12[%get3A_215] {strides = array<i32>} : memref<16xf32, #tpu.memory_space<vmem>>, vector<16xf32>,
            %jit3A_217 = arith.constant 0.000000e+00 : f32
            %broadcast_in_dim3A_218 = vector.broadcast %jit3A_217 : f32 to vector<16xf32>
            %select_n3A_219 = arith.select %and3A_207, %gather3A, %broadcast_in_dim3A_218 : vector<16xi1>, vector<16xf32>
            %add3A_220 = arith.addf %get3A_216, %select_n3A_219 : vector<16xf32>
            %swap3A_221 = arith.constant 0 : index
            %swap3A_222 = tpu.vector_load %arg12[%swap3A_221] {strides = array<i32>} : memref<16xf32, #tpu.memory_space<vmem>>, vector<16xf32>,
            tpu.vector_store %arg12[%swap3A_221], %add3A_220 {strides = array<i32>} : memref<16xf32, #tpu.memory_space<vmem>>, vector<16xf32>,
          }
          %scan3A_195 = arith.constant 64 : i32
        } else {
        }
        %eq3A_178 = arith.constant 0 : i32
        %eq3A_179 = arith.cmpi eq, %add3A_119, %eq3A_178 : i32
        %convert_element_type3A_180 = arith.extui %eq3A_179 : i1 to i32
        %cond3A_181 = arith.constant 0 : i32
        %cond3A_182 = arith.cmpi ne, %convert_element_type3A_180, %cond3A_181 : i32
        scf.if %cond3A_182 {
          %scan3A_189 = arith.constant 0 : i32
          %scan3A_190 = arith.constant 0 : i32
          %scan3A_191 = arith.constant 64 : i32
          %scan3A_192 = arith.addi %scan3A_190, %scan3A_191 : i32
          %scan3A_193 = arith.constant 1 : i32
          scf.for %scan3A_195 = %scan3A_190 to %scan3A_192 step %scan3A_193  : i32 {
            %get3A_196 = arith.constant 0 : index
            %get3A_197 = tpu.vector_load %arg13[%get3A_196] {strides = array<i32>} : memref<16xf32, #tpu.memory_space<vmem>>, vector<16xf32>,
            %mul3A_198 = arith.constant 16 : i32
            %mul3A_199 = arith.muli %scan3A_195, %mul3A_198 : i32
            %get3A_200 = arith.constant 0 : i32
            %get3A_201 = arith.index_cast %get3A_200 : i32 to index
            %get3A_202 = arith.index_cast %mul3A_199 : i32 to index
            %get3A_203 = tpu.vector_load %arg5[%get3A_201, %get3A_202] {strides = array<i32>} : memref<32x1024xf32, #tpu.memory_space<vmem>>, vector<16xf32>,
            %mul3A_204 = arith.constant 16 : i32
            %mul3A_205 = arith.muli %scan3A_195, %mul3A_204 : i32
            %get3A_206 = arith.index_cast %mul3A_205 : i32 to index
            %get3A_207 = tpu.vector_load %arg9[%get3A_206] {strides = array<i32>} : memref<1024xf32, #tpu.memory_space<vmem>>, vector<16xf32>,
            %mul3A_208 = arith.mulf %get3A_203, %get3A_207 : vector<16xf32>
            %add3A_209 = arith.addf %get3A_197, %mul3A_208 : vector<16xf32>
            %swap3A_210 = arith.constant 0 : index
            %swap3A_211 = tpu.vector_load %arg13[%swap3A_210] {strides = array<i32>} : memref<16xf32, #tpu.memory_space<vmem>>, vector<16xf32>,
            tpu.vector_store %arg13[%swap3A_210], %add3A_209 {strides = array<i32>} : memref<16xf32, #tpu.memory_space<vmem>>, vector<16xf32>,
          }
          %scan3A_194 = arith.constant 64 : i32
        } else {
        }
        %add3A_183 = arith.constant 3 : i32
        %add3A_184 = arith.addi %while3A_103, %add3A_183 : i32
        %lt3A_185 = arith.cmpi slt, %add3A_184, %add3A_4 : i32
        %convert_element_type3A_186 = arith.extui %lt3A_185 : i1 to i32
        %cond3A_187 = arith.constant 0 : i32
        %cond3A_188 = arith.cmpi ne, %convert_element_type3A_186, %cond3A_187 : i32
        scf.if %cond3A_188 {
          %mul3A_189 = arith.constant 32 : i32
          %mul3A_190 = arith.muli %add3A_184, %mul3A_189 : i32
          %add3A_191 = arith.addi %add3A, %mul3A_190 : i32
          %mul3A_192 = arith.constant 32 : i32
          %mul3A_193 = arith.muli %add3A_191, %mul3A_192 : i32
          %dma_start3A_194 = arith.constant 0 : i32
          %dma_start3A_195 = tpu.memref_slice %arg2[%mul3A_193, %dma_start3A_194] : memref<100000x1024xf32, #tpu.memory_space<hbm>> -> memref<32x1024xf32, #tpu.memory_space<hbm>>
          %dma_start3A_196 = arith.constant 0 : i32
          %dma_start3A_197 = tpu.memref_slice %arg2[%mul3A_193, %dma_start3A_196] : memref<100000x1024xf32, #tpu.memory_space<hbm>> -> memref<32x1024xf32, #tpu.memory_space<hbm>>
          tpu.enqueue_dma source(%dma_start3A_197 : memref<32x1024xf32, #tpu.memory_space<hbm>>) target(%arg5 : memref<32x1024xf32, #tpu.memory_space<vmem>>) target_semaphore(%arg15 : memref<!tpu.dma_semaphore, #tpu.memory_space<semaphore_mem>>)
        } else {
        }
      } else {
      }
      %eq3A_123 = arith.constant 1 : i32
      %eq3A_124 = arith.cmpi eq, %select_n3A_116, %eq3A_123 : i32
      %convert_element_type3A_125 = arith.extui %eq3A_124 : i1 to i32
      %cond3A_126 = arith.constant 0 : i32
      %cond3A_127 = arith.cmpi ne, %convert_element_type3A_125, %cond3A_126 : i32
      scf.if %cond3A_127 {
        %dma_wait3A = arith.constant 0 : i32
        %dma_wait3A_133 = arith.constant 0 : i32
        %dma_wait3A_134 = tpu.memref_slice %arg2[%dma_wait3A, %dma_wait3A_133] : memref<100000x1024xf32, #tpu.memory_space<hbm>> -> memref<32x1024xf32, #tpu.memory_space<hbm>>
        %dma_wait3A_135 = arith.constant 0 : i32
        %dma_wait3A_136 = arith.constant 0 : i32
        %dma_wait3A_137 = tpu.memref_slice %arg2[%dma_wait3A_135, %dma_wait3A_136] : memref<100000x1024xf32, #tpu.memory_space<hbm>> -> memref<32x1024xf32, #tpu.memory_space<hbm>>
        tpu.wait_dma2 semaphore(%arg16 : memref<!tpu.dma_semaphore, #tpu.memory_space<semaphore_mem>>) src(%dma_wait3A_137 : memref<32x1024xf32, #tpu.memory_space<hbm>>) dst(%arg6 : memref<32x1024xf32, #tpu.memory_space<vmem>>)
        %parallel_loop3A = arith.constant 0 : i32
        %parallel_loop3A_138 = arith.constant 1024 : i32
        %parallel_loop3A_139 = arith.constant 16 : i32
        %parallel_loop3A_140:8 = scf.for %parallel_loop3A_189 = %parallel_loop3A to %parallel_loop3A_138 step %parallel_loop3A_139 iter_args(%parallel_loop3A_190 = %broadcast_in_dim3A_5, %parallel_loop3A_191 = %broadcast_in_dim3A_5, %parallel_loop3A_192 = %broadcast_in_dim3A_5, %parallel_loop3A_193 = %broadcast_in_dim3A_5, %parallel_loop3A_194 = %broadcast_in_dim3A_5, %parallel_loop3A_195 = %broadcast_in_dim3A_5, %parallel_loop3A_196 = %broadcast_in_dim3A_5, %parallel_loop3A_197 = %broadcast_in_dim3A_5) -> (vector<16xf32>, vector<16xf32>, vector<16xf32>, vector<16xf32>, vector<16xf32>, vector<16xf32>, vector<16xf32>, vector<16xf32>)  : i32 {
          %parallel_loop3A_198 = arith.index_cast %parallel_loop3A_189 : i32 to index
          %parallel_loop3A_199 = tpu.vector_load %arg9[%parallel_loop3A_198] {strides = array<i32>} : memref<1024xf32, #tpu.memory_space<vmem>>, vector<16xf32>,
          %parallel_loop3A_200 = arith.constant 0 : i32
          %parallel_loop3A_201 = arith.index_cast %parallel_loop3A_200 : i32 to index
          %parallel_loop3A_202 = arith.index_cast %parallel_loop3A_189 : i32 to index
          %parallel_loop3A_203 = tpu.vector_load %arg6[%parallel_loop3A_201, %parallel_loop3A_202] {strides = array<i32>} : memref<32x1024xf32, #tpu.memory_space<vmem>>, vector<16xf32>,
          %parallel_loop3A_204 = arith.mulf %parallel_loop3A_203, %parallel_loop3A_199 : vector<16xf32>
          %parallel_loop3A_205 = arith.addf %parallel_loop3A_190, %parallel_loop3A_204 : vector<16xf32>
          %parallel_loop3A_206 = arith.constant 1 : i32
          %parallel_loop3A_207 = arith.index_cast %parallel_loop3A_206 : i32 to index
          %parallel_loop3A_208 = arith.index_cast %parallel_loop3A_189 : i32 to index
          %parallel_loop3A_209 = tpu.vector_load %arg6[%parallel_loop3A_207, %parallel_loop3A_208] {strides = array<i32>} : memref<32x1024xf32, #tpu.memory_space<vmem>>, vector<16xf32>,
          %parallel_loop3A_210 = arith.mulf %parallel_loop3A_209, %parallel_loop3A_199 : vector<16xf32>
          %parallel_loop3A_211 = arith.addf %parallel_loop3A_191, %parallel_loop3A_210 : vector<16xf32>
          %parallel_loop3A_212 = arith.constant 2 : i32
          %parallel_loop3A_213 = arith.index_cast %parallel_loop3A_212 : i32 to index
          %parallel_loop3A_214 = arith.index_cast %parallel_loop3A_189 : i32 to index
          %parallel_loop3A_215 = tpu.vector_load %arg6[%parallel_loop3A_213, %parallel_loop3A_214] {strides = array<i32>} : memref<32x1024xf32, #tpu.memory_space<vmem>>, vector<16xf32>,
          %parallel_loop3A_216 = arith.mulf %parallel_loop3A_215, %parallel_loop3A_199 : vector<16xf32>
          %parallel_loop3A_217 = arith.addf %parallel_loop3A_192, %parallel_loop3A_216 : vector<16xf32>
          %parallel_loop3A_218 = arith.constant 3 : i32
          %parallel_loop3A_219 = arith.index_cast %parallel_loop3A_218 : i32 to index
          %parallel_loop3A_220 = arith.index_cast %parallel_loop3A_189 : i32 to index
          %parallel_loop3A_221 = tpu.vector_load %arg6[%parallel_loop3A_219, %parallel_loop3A_220] {strides = array<i32>} : memref<32x1024xf32, #tpu.memory_space<vmem>>, vector<16xf32>,
          %parallel_loop3A_222 = arith.mulf %parallel_loop3A_221, %parallel_loop3A_199 : vector<16xf32>
          %parallel_loop3A_223 = arith.addf %parallel_loop3A_193, %parallel_loop3A_222 : vector<16xf32>
          %parallel_loop3A_224 = arith.constant 4 : i32
          %parallel_loop3A_225 = arith.index_cast %parallel_loop3A_224 : i32 to index
          %parallel_loop3A_226 = arith.index_cast %parallel_loop3A_189 : i32 to index
          %parallel_loop3A_227 = tpu.vector_load %arg6[%parallel_loop3A_225, %parallel_loop3A_226] {strides = array<i32>} : memref<32x1024xf32, #tpu.memory_space<vmem>>, vector<16xf32>,
          %parallel_loop3A_228 = arith.mulf %parallel_loop3A_227, %parallel_loop3A_199 : vector<16xf32>
          %parallel_loop3A_229 = arith.addf %parallel_loop3A_194, %parallel_loop3A_228 : vector<16xf32>
          %parallel_loop3A_230 = arith.constant 5 : i32
          %parallel_loop3A_231 = arith.index_cast %parallel_loop3A_230 : i32 to index
          %parallel_loop3A_232 = arith.index_cast %parallel_loop3A_189 : i32 to index
          %parallel_loop3A_233 = tpu.vector_load %arg6[%parallel_loop3A_231, %parallel_loop3A_232] {strides = array<i32>} : memref<32x1024xf32, #tpu.memory_space<vmem>>, vector<16xf32>,
          %parallel_loop3A_234 = arith.mulf %parallel_loop3A_233, %parallel_loop3A_199 : vector<16xf32>
          %parallel_loop3A_235 = arith.addf %parallel_loop3A_195, %parallel_loop3A_234 : vector<16xf32>
          %parallel_loop3A_236 = arith.constant 6 : i32
          %parallel_loop3A_237 = arith.index_cast %parallel_loop3A_236 : i32 to index
          %parallel_loop3A_238 = arith.index_cast %parallel_loop3A_189 : i32 to index
          %parallel_loop3A_239 = tpu.vector_load %arg6[%parallel_loop3A_237, %parallel_loop3A_238] {strides = array<i32>} : memref<32x1024xf32, #tpu.memory_space<vmem>>, vector<16xf32>,
          %parallel_loop3A_240 = arith.mulf %parallel_loop3A_239, %parallel_loop3A_199 : vector<16xf32>
          %parallel_loop3A_241 = arith.addf %parallel_loop3A_196, %parallel_loop3A_240 : vector<16xf32>
          %parallel_loop3A_242 = arith.constant 7 : i32
          %parallel_loop3A_243 = arith.index_cast %parallel_loop3A_242 : i32 to index
          %parallel_loop3A_244 = arith.index_cast %parallel_loop3A_189 : i32 to index
          %parallel_loop3A_245 = tpu.vector_load %arg6[%parallel_loop3A_243, %parallel_loop3A_244] {strides = array<i32>} : memref<32x1024xf32, #tpu.memory_space<vmem>>, vector<16xf32>,
          %parallel_loop3A_246 = arith.mulf %parallel_loop3A_245, %parallel_loop3A_199 : vector<16xf32>
          %parallel_loop3A_247 = arith.addf %parallel_loop3A_197, %parallel_loop3A_246 : vector<16xf32>
          %parallel_loop3A_248 = arith.constant 8 : i32
          %parallel_loop3A_249 = arith.index_cast %parallel_loop3A_248 : i32 to index
          %parallel_loop3A_250 = arith.index_cast %parallel_loop3A_189 : i32 to index
          %parallel_loop3A_251 = tpu.vector_load %arg6[%parallel_loop3A_249, %parallel_loop3A_250] {strides = array<i32>} : memref<32x1024xf32, #tpu.memory_space<vmem>>, vector<16xf32>,
          %parallel_loop3A_252 = arith.mulf %parallel_loop3A_251, %parallel_loop3A_199 : vector<16xf32>
          %parallel_loop3A_253 = arith.addf %parallel_loop3A_205, %parallel_loop3A_252 : vector<16xf32>
          %parallel_loop3A_254 = arith.constant 9 : i32
          %parallel_loop3A_255 = arith.index_cast %parallel_loop3A_254 : i32 to index
          %parallel_loop3A_256 = arith.index_cast %parallel_loop3A_189 : i32 to index
          %parallel_loop3A_257 = tpu.vector_load %arg6[%parallel_loop3A_255, %parallel_loop3A_256] {strides = array<i32>} : memref<32x1024xf32, #tpu.memory_space<vmem>>, vector<16xf32>,
          %parallel_loop3A_258 = arith.mulf %parallel_loop3A_257, %parallel_loop3A_199 : vector<16xf32>
          %parallel_loop3A_259 = arith.addf %parallel_loop3A_211, %parallel_loop3A_258 : vector<16xf32>
          %parallel_loop3A_260 = arith.constant 10 : i32
          %parallel_loop3A_261 = arith.index_cast %parallel_loop3A_260 : i32 to index
          %parallel_loop3A_262 = arith.index_cast %parallel_loop3A_189 : i32 to index
          %parallel_loop3A_263 = tpu.vector_load %arg6[%parallel_loop3A_261, %parallel_loop3A_262] {strides = array<i32>} : memref<32x1024xf32, #tpu.memory_space<vmem>>, vector<16xf32>,
          %parallel_loop3A_264 = arith.mulf %parallel_loop3A_263, %parallel_loop3A_199 : vector<16xf32>
          %parallel_loop3A_265 = arith.addf %parallel_loop3A_217, %parallel_loop3A_264 : vector<16xf32>
          %parallel_loop3A_266 = arith.constant 11 : i32
          %parallel_loop3A_267 = arith.index_cast %parallel_loop3A_266 : i32 to index
          %parallel_loop3A_268 = arith.index_cast %parallel_loop3A_189 : i32 to index
          %parallel_loop3A_269 = tpu.vector_load %arg6[%parallel_loop3A_267, %parallel_loop3A_268] {strides = array<i32>} : memref<32x1024xf32, #tpu.memory_space<vmem>>, vector<16xf32>,
          %parallel_loop3A_270 = arith.mulf %parallel_loop3A_269, %parallel_loop3A_199 : vector<16xf32>
          %parallel_loop3A_271 = arith.addf %parallel_loop3A_223, %parallel_loop3A_270 : vector<16xf32>
          %parallel_loop3A_272 = arith.constant 12 : i32
          %parallel_loop3A_273 = arith.index_cast %parallel_loop3A_272 : i32 to index
          %parallel_loop3A_274 = arith.index_cast %parallel_loop3A_189 : i32 to index
          %parallel_loop3A_275 = tpu.vector_load %arg6[%parallel_loop3A_273, %parallel_loop3A_274] {strides = array<i32>} : memref<32x1024xf32, #tpu.memory_space<vmem>>, vector<16xf32>,
          %parallel_loop3A_276 = arith.mulf %parallel_loop3A_275, %parallel_loop3A_199 : vector<16xf32>
          %parallel_loop3A_277 = arith.addf %parallel_loop3A_229, %parallel_loop3A_276 : vector<16xf32>
          %parallel_loop3A_278 = arith.constant 13 : i32
          %parallel_loop3A_279 = arith.index_cast %parallel_loop3A_278 : i32 to index
          %parallel_loop3A_280 = arith.index_cast %parallel_loop3A_189 : i32 to index
          %parallel_loop3A_281 = tpu.vector_load %arg6[%parallel_loop3A_279, %parallel_loop3A_280] {strides = array<i32>} : memref<32x1024xf32, #tpu.memory_space<vmem>>, vector<16xf32>,
          %parallel_loop3A_282 = arith.mulf %parallel_loop3A_281, %parallel_loop3A_199 : vector<16xf32>
          %parallel_loop3A_283 = arith.addf %parallel_loop3A_235, %parallel_loop3A_282 : vector<16xf32>
          %parallel_loop3A_284 = arith.constant 14 : i32
          %parallel_loop3A_285 = arith.index_cast %parallel_loop3A_284 : i32 to index
          %parallel_loop3A_286 = arith.index_cast %parallel_loop3A_189 : i32 to index
          %parallel_loop3A_287 = tpu.vector_load %arg6[%parallel_loop3A_285, %parallel_loop3A_286] {strides = array<i32>} : memref<32x1024xf32, #tpu.memory_space<vmem>>, vector<16xf32>,
          %parallel_loop3A_288 = arith.mulf %parallel_loop3A_287, %parallel_loop3A_199 : vector<16xf32>
          %parallel_loop3A_289 = arith.addf %parallel_loop3A_241, %parallel_loop3A_288 : vector<16xf32>
          %parallel_loop3A_290 = arith.constant 15 : i32
          %parallel_loop3A_291 = arith.index_cast %parallel_loop3A_290 : i32 to index
          %parallel_loop3A_292 = arith.index_cast %parallel_loop3A_189 : i32 to index
          %parallel_loop3A_293 = tpu.vector_load %arg6[%parallel_loop3A_291, %parallel_loop3A_292] {strides = array<i32>} : memref<32x1024xf32, #tpu.memory_space<vmem>>, vector<16xf32>,
          %parallel_loop3A_294 = arith.mulf %parallel_loop3A_293, %parallel_loop3A_199 : vector<16xf32>
          %parallel_loop3A_295 = arith.addf %parallel_loop3A_247, %parallel_loop3A_294 : vector<16xf32>
          %parallel_loop3A_296 = arith.constant 16 : i32
          %parallel_loop3A_297 = arith.index_cast %parallel_loop3A_296 : i32 to index
          %parallel_loop3A_298 = arith.index_cast %parallel_loop3A_189 : i32 to index
          %parallel_loop3A_299 = tpu.vector_load %arg6[%parallel_loop3A_297, %parallel_loop3A_298] {strides = array<i32>} : memref<32x1024xf32, #tpu.memory_space<vmem>>, vector<16xf32>,
          %parallel_loop3A_300 = arith.mulf %parallel_loop3A_299, %parallel_loop3A_199 : vector<16xf32>
          %parallel_loop3A_301 = arith.addf %parallel_loop3A_253, %parallel_loop3A_300 : vector<16xf32>
          %parallel_loop3A_302 = arith.constant 17 : i32
          %parallel_loop3A_303 = arith.index_cast %parallel_loop3A_302 : i32 to index
          %parallel_loop3A_304 = arith.index_cast %parallel_loop3A_189 : i32 to index
          %parallel_loop3A_305 = tpu.vector_load %arg6[%parallel_loop3A_303, %parallel_loop3A_304] {strides = array<i32>} : memref<32x1024xf32, #tpu.memory_space<vmem>>, vector<16xf32>,
          %parallel_loop3A_306 = arith.mulf %parallel_loop3A_305, %parallel_loop3A_199 : vector<16xf32>
          %parallel_loop3A_307 = arith.addf %parallel_loop3A_259, %parallel_loop3A_306 : vector<16xf32>
          %parallel_loop3A_308 = arith.constant 18 : i32
          %parallel_loop3A_309 = arith.index_cast %parallel_loop3A_308 : i32 to index
          %parallel_loop3A_310 = arith.index_cast %parallel_loop3A_189 : i32 to index
          %parallel_loop3A_311 = tpu.vector_load %arg6[%parallel_loop3A_309, %parallel_loop3A_310] {strides = array<i32>} : memref<32x1024xf32, #tpu.memory_space<vmem>>, vector<16xf32>,
          %parallel_loop3A_312 = arith.mulf %parallel_loop3A_311, %parallel_loop3A_199 : vector<16xf32>
          %parallel_loop3A_313 = arith.addf %parallel_loop3A_265, %parallel_loop3A_312 : vector<16xf32>
          %parallel_loop3A_314 = arith.constant 19 : i32
          %parallel_loop3A_315 = arith.index_cast %parallel_loop3A_314 : i32 to index
          %parallel_loop3A_316 = arith.index_cast %parallel_loop3A_189 : i32 to index
          %parallel_loop3A_317 = tpu.vector_load %arg6[%parallel_loop3A_315, %parallel_loop3A_316] {strides = array<i32>} : memref<32x1024xf32, #tpu.memory_space<vmem>>, vector<16xf32>,
          %parallel_loop3A_318 = arith.mulf %parallel_loop3A_317, %parallel_loop3A_199 : vector<16xf32>
          %parallel_loop3A_319 = arith.addf %parallel_loop3A_271, %parallel_loop3A_318 : vector<16xf32>
          %parallel_loop3A_320 = arith.constant 20 : i32
          %parallel_loop3A_321 = arith.index_cast %parallel_loop3A_320 : i32 to index
          %parallel_loop3A_322 = arith.index_cast %parallel_loop3A_189 : i32 to index
          %parallel_loop3A_323 = tpu.vector_load %arg6[%parallel_loop3A_321, %parallel_loop3A_322] {strides = array<i32>} : memref<32x1024xf32, #tpu.memory_space<vmem>>, vector<16xf32>,
          %parallel_loop3A_324 = arith.mulf %parallel_loop3A_323, %parallel_loop3A_199 : vector<16xf32>
          %parallel_loop3A_325 = arith.addf %parallel_loop3A_277, %parallel_loop3A_324 : vector<16xf32>
          %parallel_loop3A_326 = arith.constant 21 : i32
          %parallel_loop3A_327 = arith.index_cast %parallel_loop3A_326 : i32 to index
          %parallel_loop3A_328 = arith.index_cast %parallel_loop3A_189 : i32 to index
          %parallel_loop3A_329 = tpu.vector_load %arg6[%parallel_loop3A_327, %parallel_loop3A_328] {strides = array<i32>} : memref<32x1024xf32, #tpu.memory_space<vmem>>, vector<16xf32>,
          %parallel_loop3A_330 = arith.mulf %parallel_loop3A_329, %parallel_loop3A_199 : vector<16xf32>
          %parallel_loop3A_331 = arith.addf %parallel_loop3A_283, %parallel_loop3A_330 : vector<16xf32>
          %parallel_loop3A_332 = arith.constant 22 : i32
          %parallel_loop3A_333 = arith.index_cast %parallel_loop3A_332 : i32 to index
          %parallel_loop3A_334 = arith.index_cast %parallel_loop3A_189 : i32 to index
          %parallel_loop3A_335 = tpu.vector_load %arg6[%parallel_loop3A_333, %parallel_loop3A_334] {strides = array<i32>} : memref<32x1024xf32, #tpu.memory_space<vmem>>, vector<16xf32>,
          %parallel_loop3A_336 = arith.mulf %parallel_loop3A_335, %parallel_loop3A_199 : vector<16xf32>
          %parallel_loop3A_337 = arith.addf %parallel_loop3A_289, %parallel_loop3A_336 : vector<16xf32>
          %parallel_loop3A_338 = arith.constant 23 : i32
          %parallel_loop3A_339 = arith.index_cast %parallel_loop3A_338 : i32 to index
          %parallel_loop3A_340 = arith.index_cast %parallel_loop3A_189 : i32 to index
          %parallel_loop3A_341 = tpu.vector_load %arg6[%parallel_loop3A_339, %parallel_loop3A_340] {strides = array<i32>} : memref<32x1024xf32, #tpu.memory_space<vmem>>, vector<16xf32>,
          %parallel_loop3A_342 = arith.mulf %parallel_loop3A_341, %parallel_loop3A_199 : vector<16xf32>
          %parallel_loop3A_343 = arith.addf %parallel_loop3A_295, %parallel_loop3A_342 : vector<16xf32>
          %parallel_loop3A_344 = arith.constant 24 : i32
          %parallel_loop3A_345 = arith.index_cast %parallel_loop3A_344 : i32 to index
          %parallel_loop3A_346 = arith.index_cast %parallel_loop3A_189 : i32 to index
          %parallel_loop3A_347 = tpu.vector_load %arg6[%parallel_loop3A_345, %parallel_loop3A_346] {strides = array<i32>} : memref<32x1024xf32, #tpu.memory_space<vmem>>, vector<16xf32>,
          %parallel_loop3A_348 = arith.mulf %parallel_loop3A_347, %parallel_loop3A_199 : vector<16xf32>
          %parallel_loop3A_349 = arith.addf %parallel_loop3A_301, %parallel_loop3A_348 : vector<16xf32>
          %parallel_loop3A_350 = arith.constant 25 : i32
          %parallel_loop3A_351 = arith.index_cast %parallel_loop3A_350 : i32 to index
          %parallel_loop3A_352 = arith.index_cast %parallel_loop3A_189 : i32 to index
          %parallel_loop3A_353 = tpu.vector_load %arg6[%parallel_loop3A_351, %parallel_loop3A_352] {strides = array<i32>} : memref<32x1024xf32, #tpu.memory_space<vmem>>, vector<16xf32>,
          %parallel_loop3A_354 = arith.mulf %parallel_loop3A_353, %parallel_loop3A_199 : vector<16xf32>
          %parallel_loop3A_355 = arith.addf %parallel_loop3A_307, %parallel_loop3A_354 : vector<16xf32>
          %parallel_loop3A_356 = arith.constant 26 : i32
          %parallel_loop3A_357 = arith.index_cast %parallel_loop3A_356 : i32 to index
          %parallel_loop3A_358 = arith.index_cast %parallel_loop3A_189 : i32 to index
          %parallel_loop3A_359 = tpu.vector_load %arg6[%parallel_loop3A_357, %parallel_loop3A_358] {strides = array<i32>} : memref<32x1024xf32, #tpu.memory_space<vmem>>, vector<16xf32>,
          %parallel_loop3A_360 = arith.mulf %parallel_loop3A_359, %parallel_loop3A_199 : vector<16xf32>
          %parallel_loop3A_361 = arith.addf %parallel_loop3A_313, %parallel_loop3A_360 : vector<16xf32>
          %parallel_loop3A_362 = arith.constant 27 : i32
          %parallel_loop3A_363 = arith.index_cast %parallel_loop3A_362 : i32 to index
          %parallel_loop3A_364 = arith.index_cast %parallel_loop3A_189 : i32 to index
          %parallel_loop3A_365 = tpu.vector_load %arg6[%parallel_loop3A_363, %parallel_loop3A_364] {strides = array<i32>} : memref<32x1024xf32, #tpu.memory_space<vmem>>, vector<16xf32>,
          %parallel_loop3A_366 = arith.mulf %parallel_loop3A_365, %parallel_loop3A_199 : vector<16xf32>
          %parallel_loop3A_367 = arith.addf %parallel_loop3A_319, %parallel_loop3A_366 : vector<16xf32>
          %parallel_loop3A_368 = arith.constant 28 : i32
          %parallel_loop3A_369 = arith.index_cast %parallel_loop3A_368 : i32 to index
          %parallel_loop3A_370 = arith.index_cast %parallel_loop3A_189 : i32 to index
          %parallel_loop3A_371 = tpu.vector_load %arg6[%parallel_loop3A_369, %parallel_loop3A_370] {strides = array<i32>} : memref<32x1024xf32, #tpu.memory_space<vmem>>, vector<16xf32>,
          %parallel_loop3A_372 = arith.mulf %parallel_loop3A_371, %parallel_loop3A_199 : vector<16xf32>
          %parallel_loop3A_373 = arith.addf %parallel_loop3A_325, %parallel_loop3A_372 : vector<16xf32>
          %parallel_loop3A_374 = arith.constant 29 : i32
          %parallel_loop3A_375 = arith.index_cast %parallel_loop3A_374 : i32 to index
          %parallel_loop3A_376 = arith.index_cast %parallel_loop3A_189 : i32 to index
          %parallel_loop3A_377 = tpu.vector_load %arg6[%parallel_loop3A_375, %parallel_loop3A_376] {strides = array<i32>} : memref<32x1024xf32, #tpu.memory_space<vmem>>, vector<16xf32>,
          %parallel_loop3A_378 = arith.mulf %parallel_loop3A_377, %parallel_loop3A_199 : vector<16xf32>
          %parallel_loop3A_379 = arith.addf %parallel_loop3A_331, %parallel_loop3A_378 : vector<16xf32>
          %parallel_loop3A_380 = arith.constant 30 : i32
          %parallel_loop3A_381 = arith.index_cast %parallel_loop3A_380 : i32 to index
          %parallel_loop3A_382 = arith.index_cast %parallel_loop3A_189 : i32 to index
          %parallel_loop3A_383 = tpu.vector_load %arg6[%parallel_loop3A_381, %parallel_loop3A_382] {strides = array<i32>} : memref<32x1024xf32, #tpu.memory_space<vmem>>, vector<16xf32>,
          %parallel_loop3A_384 = arith.mulf %parallel_loop3A_383, %parallel_loop3A_199 : vector<16xf32>
          %parallel_loop3A_385 = arith.addf %parallel_loop3A_337, %parallel_loop3A_384 : vector<16xf32>
          %parallel_loop3A_386 = arith.constant 31 : i32
          %parallel_loop3A_387 = arith.index_cast %parallel_loop3A_386 : i32 to index
          %parallel_loop3A_388 = arith.index_cast %parallel_loop3A_189 : i32 to index
          %parallel_loop3A_389 = tpu.vector_load %arg6[%parallel_loop3A_387, %parallel_loop3A_388] {strides = array<i32>} : memref<32x1024xf32, #tpu.memory_space<vmem>>, vector<16xf32>,
          %parallel_loop3A_390 = arith.mulf %parallel_loop3A_389, %parallel_loop3A_199 : vector<16xf32>
          %parallel_loop3A_391 = arith.addf %parallel_loop3A_343, %parallel_loop3A_390 : vector<16xf32>
          scf.yield %parallel_loop3A_349, %parallel_loop3A_355, %parallel_loop3A_361, %parallel_loop3A_367, %parallel_loop3A_373, %parallel_loop3A_379, %parallel_loop3A_385, %parallel_loop3A_391 : vector<16xf32>, vector<16xf32>, vector<16xf32>, vector<16xf32>, vector<16xf32>, vector<16xf32>, vector<16xf32>, vector<16xf32>
        } {sc.loop_unroll_factor = 2 : i64, sc.parallel_access}
        %add3A_141 = arith.addf %parallel_loop3A_140#0, %parallel_loop3A_140#1 : vector<16xf32>
        %add3A_142 = arith.addf %parallel_loop3A_140#2, %parallel_loop3A_140#3 : vector<16xf32>
        %add3A_143 = arith.addf %parallel_loop3A_140#4, %parallel_loop3A_140#5 : vector<16xf32>
        %add3A_144 = arith.addf %parallel_loop3A_140#6, %parallel_loop3A_140#7 : vector<16xf32>
        %add3A_145 = arith.addf %add3A_141, %add3A_142 : vector<16xf32>
        %add3A_146 = arith.addf %add3A_143, %add3A_144 : vector<16xf32>
        %add3A_147 = arith.addf %add3A_145, %add3A_146 : vector<16xf32>
        %get3A_148 = arith.constant 0 : index
        %get3A_149 = tpu.vector_load %arg11[%get3A_148] {strides = array<i32>} : memref<16xf32, #tpu.memory_space<vmem>>, vector<16xf32>,
        %add3A_150 = arith.addf %get3A_149, %add3A_147 : vector<16xf32>
        %swap3A_151 = arith.constant 0 : index
        %swap3A_152 = tpu.vector_load %arg11[%swap3A_151] {strides = array<i32>} : memref<16xf32, #tpu.memory_space<vmem>>, vector<16xf32>,
        tpu.vector_store %arg11[%swap3A_151], %add3A_150 {strides = array<i32>} : memref<16xf32, #tpu.memory_space<vmem>>, vector<16xf32>,
        %shift_right_arithmetic3A = arith.constant 4 : i32
        %shift_right_arithmetic3A_153 = arith.shrsi %while3A_103, %shift_right_arithmetic3A : i32
        %shift_left3A = arith.constant 4 : i32
        %shift_left3A_154 = arith.shli %shift_right_arithmetic3A_153, %shift_left3A : i32
        %get3A_155 = arith.index_cast %shift_left3A_154 : i32 to index
        %get3A_156 = tpu.vector_load %arg10[%get3A_155] {strides = array<i32>} : memref<128xi32, #tpu.memory_space<vmem>>, vector<16xi32>,
        %ne3A_157 = arith.constant 0 : i32
        %ne3A_158 = vector.broadcast %ne3A_157 : i32 to vector<16xi32>
        %ne3A_159 = arith.cmpi ne, %get3A_156, %ne3A_158 : vector<16xi32>
        %and3A_160 = arith.constant 15 : i32
        %and3A_161 = arith.andi %while3A_103, %and3A_160 : i32
        %eq3A_162 = vector.broadcast %and3A_161 : i32 to vector<16xi32>
        %eq3A_163 = arith.cmpi eq, %iota3A, %eq3A_162 : vector<16xi32>
        %and3A_164 = arith.andi %ne3A_159, %eq3A_163 : vector<16xi1>
        %reduce_or3A = arith.constant 1.000000e+00 : f32
        %reduce_or3A_165 = arith.constant 0.000000e+00 : f32
        %reduce_or3A_166 = vector.broadcast %reduce_or3A : f32 to vector<16xf32>
        %reduce_or3A_167 = vector.broadcast %reduce_or3A_165 : f32 to vector<16xf32>
        %reduce_or3A_168 = arith.select %and3A_164, %reduce_or3A_166, %reduce_or3A_167 : vector<16xi1>, vector<16xf32>
        %reduce_or3A_169 = arith.constant true
        %reduce_or3A_170 = vector.broadcast %reduce_or3A_169 : i1 to vector<16xi1>
        %reduce_or3A_171 = tpu.scan <max>, %reduce_or3A_168 masked %reduce_or3A_170 : vector<16xf32>, vector<16xi1> -> vector<16xf32>
        %reduce_or3A_172 = vector.extract %reduce_or3A_171[15] : f32 from vector<16xf32>
        %reduce_or3A_173 = arith.constant 0.000000e+00 : f32
        %reduce_or3A_174 = arith.cmpf ogt, %reduce_or3A_172, %reduce_or3A_173 : f32
        %convert_element_type3A_175 = arith.extui %reduce_or3A_174 : i1 to i32
        %cond3A_176 = arith.constant 0 : i32
        %cond3A_177 = arith.cmpi ne, %convert_element_type3A_175, %cond3A_176 : i32
        scf.if %cond3A_177 {
          %broadcast_in_dim3A_189 = vector.broadcast %add3A_119 : i32 to vector<16xi32>
          %scan3A_190 = arith.constant 0 : i32
          %scan3A_191 = arith.constant 0 : i32
          %scan3A_192 = arith.constant 64 : i32
          %scan3A_193 = arith.addi %scan3A_191, %scan3A_192 : i32
          %scan3A_194 = arith.constant 1 : i32
          scf.for %scan3A_196 = %scan3A_191 to %scan3A_193 step %scan3A_194  : i32 {
            %mul3A_197 = arith.constant 16 : i32
            %mul3A_198 = arith.muli %scan3A_196, %mul3A_197 : i32
            %get3A_199 = arith.index_cast %mul3A_198 : i32 to index
            %get3A_200 = tpu.vector_load %arg8[%get3A_199] {strides = array<i32>} : memref<1024xi32, #tpu.memory_space<vmem>>, vector<16xi32>,
            %ne3A_201 = arith.constant 0 : i32
            %ne3A_202 = vector.broadcast %ne3A_201 : i32 to vector<16xi32>
            %ne3A_203 = arith.cmpi ne, %get3A_200, %ne3A_202 : vector<16xi32>
            %shift_right_logical3A = arith.constant 5 : i32
            %shift_right_logical3A_204 = vector.broadcast %shift_right_logical3A : i32 to vector<16xi32>
            %shift_right_logical3A_205 = arith.shrui %get3A_200, %shift_right_logical3A_204 : vector<16xi32>
            %eq3A_206 = arith.cmpi eq, %shift_right_logical3A_205, %broadcast_in_dim3A_189 : vector<16xi32>
            %and3A_207 = arith.andi %ne3A_203, %eq3A_206 : vector<16xi1>
            %and3A_208 = arith.constant 31 : i32
            %and3A_209 = vector.broadcast %and3A_208 : i32 to vector<16xi32>
            %and3A_210 = arith.andi %get3A_200, %and3A_209 : vector<16xi32>
            %mul3A_211 = arith.constant 16 : i32
            %mul3A_212 = arith.muli %scan3A_196, %mul3A_211 : i32
            %add3A_213 = vector.broadcast %mul3A_212 : i32 to vector<16xi32>
            %add3A_214 = arith.addi %add3A_213, %iota3A : vector<16xi32>
            %gather3A = tpu.vector_load_idx %arg6[%and3A_210, %add3A_214] : memref<32x1024xf32, #tpu.memory_space<vmem>>[vector<16xi32>, vector<16xi32>], vector<16xf32>,
            %get3A_215 = arith.constant 0 : index
            %get3A_216 = tpu.vector_load %arg12[%get3A_215] {strides = array<i32>} : memref<16xf32, #tpu.memory_space<vmem>>, vector<16xf32>,
            %jit3A_217 = arith.constant 0.000000e+00 : f32
            %broadcast_in_dim3A_218 = vector.broadcast %jit3A_217 : f32 to vector<16xf32>
            %select_n3A_219 = arith.select %and3A_207, %gather3A, %broadcast_in_dim3A_218 : vector<16xi1>, vector<16xf32>
            %add3A_220 = arith.addf %get3A_216, %select_n3A_219 : vector<16xf32>
            %swap3A_221 = arith.constant 0 : index
            %swap3A_222 = tpu.vector_load %arg12[%swap3A_221] {strides = array<i32>} : memref<16xf32, #tpu.memory_space<vmem>>, vector<16xf32>,
            tpu.vector_store %arg12[%swap3A_221], %add3A_220 {strides = array<i32>} : memref<16xf32, #tpu.memory_space<vmem>>, vector<16xf32>,
          }
          %scan3A_195 = arith.constant 64 : i32
        } else {
        }
        %eq3A_178 = arith.constant 0 : i32
        %eq3A_179 = arith.cmpi eq, %add3A_119, %eq3A_178 : i32
        %convert_element_type3A_180 = arith.extui %eq3A_179 : i1 to i32
        %cond3A_181 = arith.constant 0 : i32
        %cond3A_182 = arith.cmpi ne, %convert_element_type3A_180, %cond3A_181 : i32
        scf.if %cond3A_182 {
          %scan3A_189 = arith.constant 0 : i32
          %scan3A_190 = arith.constant 0 : i32
          %scan3A_191 = arith.constant 64 : i32
          %scan3A_192 = arith.addi %scan3A_190, %scan3A_191 : i32
          %scan3A_193 = arith.constant 1 : i32
          scf.for %scan3A_195 = %scan3A_190 to %scan3A_192 step %scan3A_193  : i32 {
            %get3A_196 = arith.constant 0 : index
            %get3A_197 = tpu.vector_load %arg13[%get3A_196] {strides = array<i32>} : memref<16xf32, #tpu.memory_space<vmem>>, vector<16xf32>,
            %mul3A_198 = arith.constant 16 : i32
            %mul3A_199 = arith.muli %scan3A_195, %mul3A_198 : i32
            %get3A_200 = arith.constant 0 : i32
            %get3A_201 = arith.index_cast %get3A_200 : i32 to index
            %get3A_202 = arith.index_cast %mul3A_199 : i32 to index
            %get3A_203 = tpu.vector_load %arg6[%get3A_201, %get3A_202] {strides = array<i32>} : memref<32x1024xf32, #tpu.memory_space<vmem>>, vector<16xf32>,
            %mul3A_204 = arith.constant 16 : i32
            %mul3A_205 = arith.muli %scan3A_195, %mul3A_204 : i32
            %get3A_206 = arith.index_cast %mul3A_205 : i32 to index
            %get3A_207 = tpu.vector_load %arg9[%get3A_206] {strides = array<i32>} : memref<1024xf32, #tpu.memory_space<vmem>>, vector<16xf32>,
            %mul3A_208 = arith.mulf %get3A_203, %get3A_207 : vector<16xf32>
            %add3A_209 = arith.addf %get3A_197, %mul3A_208 : vector<16xf32>
            %swap3A_210 = arith.constant 0 : index
            %swap3A_211 = tpu.vector_load %arg13[%swap3A_210] {strides = array<i32>} : memref<16xf32, #tpu.memory_space<vmem>>, vector<16xf32>,
            tpu.vector_store %arg13[%swap3A_210], %add3A_209 {strides = array<i32>} : memref<16xf32, #tpu.memory_space<vmem>>, vector<16xf32>,
          }
          %scan3A_194 = arith.constant 64 : i32
        } else {
        }
        %add3A_183 = arith.constant 3 : i32
        %add3A_184 = arith.addi %while3A_103, %add3A_183 : i32
        %lt3A_185 = arith.cmpi slt, %add3A_184, %add3A_4 : i32
        %convert_element_type3A_186 = arith.extui %lt3A_185 : i1 to i32
        %cond3A_187 = arith.constant 0 : i32
        %cond3A_188 = arith.cmpi ne, %convert_element_type3A_186, %cond3A_187 : i32
        scf.if %cond3A_188 {
          %mul3A_189 = arith.constant 32 : i32
          %mul3A_190 = arith.muli %add3A_184, %mul3A_189 : i32
          %add3A_191 = arith.addi %add3A, %mul3A_190 : i32
          %mul3A_192 = arith.constant 32 : i32
          %mul3A_193 = arith.muli %add3A_191, %mul3A_192 : i32
          %dma_start3A_194 = arith.constant 0 : i32
          %dma_start3A_195 = tpu.memref_slice %arg2[%mul3A_193, %dma_start3A_194] : memref<100000x1024xf32, #tpu.memory_space<hbm>> -> memref<32x1024xf32, #tpu.memory_space<hbm>>
          %dma_start3A_196 = arith.constant 0 : i32
          %dma_start3A_197 = tpu.memref_slice %arg2[%mul3A_193, %dma_start3A_196] : memref<100000x1024xf32, #tpu.memory_space<hbm>> -> memref<32x1024xf32, #tpu.memory_space<hbm>>
          tpu.enqueue_dma source(%dma_start3A_197 : memref<32x1024xf32, #tpu.memory_space<hbm>>) target(%arg6 : memref<32x1024xf32, #tpu.memory_space<vmem>>) target_semaphore(%arg16 : memref<!tpu.dma_semaphore, #tpu.memory_space<semaphore_mem>>)
        } else {
        }
      } else {
      }
      %eq3A_128 = arith.constant 2 : i32
      %eq3A_129 = arith.cmpi eq, %select_n3A_116, %eq3A_128 : i32
      %convert_element_type3A_130 = arith.extui %eq3A_129 : i1 to i32
      %cond3A_131 = arith.constant 0 : i32
      %cond3A_132 = arith.cmpi ne, %convert_element_type3A_130, %cond3A_131 : i32
      scf.if %cond3A_132 {
        %dma_wait3A = arith.constant 0 : i32
        %dma_wait3A_133 = arith.constant 0 : i32
        %dma_wait3A_134 = tpu.memref_slice %arg2[%dma_wait3A, %dma_wait3A_133] : memref<100000x1024xf32, #tpu.memory_space<hbm>> -> memref<32x1024xf32, #tpu.memory_space<hbm>>
        %dma_wait3A_135 = arith.constant 0 : i32
        %dma_wait3A_136 = arith.constant 0 : i32
        %dma_wait3A_137 = tpu.memref_slice %arg2[%dma_wait3A_135, %dma_wait3A_136] : memref<100000x1024xf32, #tpu.memory_space<hbm>> -> memref<32x1024xf32, #tpu.memory_space<hbm>>
        tpu.wait_dma2 semaphore(%arg17 : memref<!tpu.dma_semaphore, #tpu.memory_space<semaphore_mem>>) src(%dma_wait3A_137 : memref<32x1024xf32, #tpu.memory_space<hbm>>) dst(%arg7 : memref<32x1024xf32, #tpu.memory_space<vmem>>)
        %parallel_loop3A = arith.constant 0 : i32
        %parallel_loop3A_138 = arith.constant 1024 : i32
        %parallel_loop3A_139 = arith.constant 16 : i32
        %parallel_loop3A_140:8 = scf.for %parallel_loop3A_189 = %parallel_loop3A to %parallel_loop3A_138 step %parallel_loop3A_139 iter_args(%parallel_loop3A_190 = %broadcast_in_dim3A_5, %parallel_loop3A_191 = %broadcast_in_dim3A_5, %parallel_loop3A_192 = %broadcast_in_dim3A_5, %parallel_loop3A_193 = %broadcast_in_dim3A_5, %parallel_loop3A_194 = %broadcast_in_dim3A_5, %parallel_loop3A_195 = %broadcast_in_dim3A_5, %parallel_loop3A_196 = %broadcast_in_dim3A_5, %parallel_loop3A_197 = %broadcast_in_dim3A_5) -> (vector<16xf32>, vector<16xf32>, vector<16xf32>, vector<16xf32>, vector<16xf32>, vector<16xf32>, vector<16xf32>, vector<16xf32>)  : i32 {
          %parallel_loop3A_198 = arith.index_cast %parallel_loop3A_189 : i32 to index
          %parallel_loop3A_199 = tpu.vector_load %arg9[%parallel_loop3A_198] {strides = array<i32>} : memref<1024xf32, #tpu.memory_space<vmem>>, vector<16xf32>,
          %parallel_loop3A_200 = arith.constant 0 : i32
          %parallel_loop3A_201 = arith.index_cast %parallel_loop3A_200 : i32 to index
          %parallel_loop3A_202 = arith.index_cast %parallel_loop3A_189 : i32 to index
          %parallel_loop3A_203 = tpu.vector_load %arg7[%parallel_loop3A_201, %parallel_loop3A_202] {strides = array<i32>} : memref<32x1024xf32, #tpu.memory_space<vmem>>, vector<16xf32>,
          %parallel_loop3A_204 = arith.mulf %parallel_loop3A_203, %parallel_loop3A_199 : vector<16xf32>
          %parallel_loop3A_205 = arith.addf %parallel_loop3A_190, %parallel_loop3A_204 : vector<16xf32>
          %parallel_loop3A_206 = arith.constant 1 : i32
          %parallel_loop3A_207 = arith.index_cast %parallel_loop3A_206 : i32 to index
          %parallel_loop3A_208 = arith.index_cast %parallel_loop3A_189 : i32 to index
          %parallel_loop3A_209 = tpu.vector_load %arg7[%parallel_loop3A_207, %parallel_loop3A_208] {strides = array<i32>} : memref<32x1024xf32, #tpu.memory_space<vmem>>, vector<16xf32>,
          %parallel_loop3A_210 = arith.mulf %parallel_loop3A_209, %parallel_loop3A_199 : vector<16xf32>
          %parallel_loop3A_211 = arith.addf %parallel_loop3A_191, %parallel_loop3A_210 : vector<16xf32>
          %parallel_loop3A_212 = arith.constant 2 : i32
          %parallel_loop3A_213 = arith.index_cast %parallel_loop3A_212 : i32 to index
          %parallel_loop3A_214 = arith.index_cast %parallel_loop3A_189 : i32 to index
          %parallel_loop3A_215 = tpu.vector_load %arg7[%parallel_loop3A_213, %parallel_loop3A_214] {strides = array<i32>} : memref<32x1024xf32, #tpu.memory_space<vmem>>, vector<16xf32>,
          %parallel_loop3A_216 = arith.mulf %parallel_loop3A_215, %parallel_loop3A_199 : vector<16xf32>
          %parallel_loop3A_217 = arith.addf %parallel_loop3A_192, %parallel_loop3A_216 : vector<16xf32>
          %parallel_loop3A_218 = arith.constant 3 : i32
          %parallel_loop3A_219 = arith.index_cast %parallel_loop3A_218 : i32 to index
          %parallel_loop3A_220 = arith.index_cast %parallel_loop3A_189 : i32 to index
          %parallel_loop3A_221 = tpu.vector_load %arg7[%parallel_loop3A_219, %parallel_loop3A_220] {strides = array<i32>} : memref<32x1024xf32, #tpu.memory_space<vmem>>, vector<16xf32>,
          %parallel_loop3A_222 = arith.mulf %parallel_loop3A_221, %parallel_loop3A_199 : vector<16xf32>
          %parallel_loop3A_223 = arith.addf %parallel_loop3A_193, %parallel_loop3A_222 : vector<16xf32>
          %parallel_loop3A_224 = arith.constant 4 : i32
          %parallel_loop3A_225 = arith.index_cast %parallel_loop3A_224 : i32 to index
          %parallel_loop3A_226 = arith.index_cast %parallel_loop3A_189 : i32 to index
          %parallel_loop3A_227 = tpu.vector_load %arg7[%parallel_loop3A_225, %parallel_loop3A_226] {strides = array<i32>} : memref<32x1024xf32, #tpu.memory_space<vmem>>, vector<16xf32>,
          %parallel_loop3A_228 = arith.mulf %parallel_loop3A_227, %parallel_loop3A_199 : vector<16xf32>
          %parallel_loop3A_229 = arith.addf %parallel_loop3A_194, %parallel_loop3A_228 : vector<16xf32>
          %parallel_loop3A_230 = arith.constant 5 : i32
          %parallel_loop3A_231 = arith.index_cast %parallel_loop3A_230 : i32 to index
          %parallel_loop3A_232 = arith.index_cast %parallel_loop3A_189 : i32 to index
          %parallel_loop3A_233 = tpu.vector_load %arg7[%parallel_loop3A_231, %parallel_loop3A_232] {strides = array<i32>} : memref<32x1024xf32, #tpu.memory_space<vmem>>, vector<16xf32>,
          %parallel_loop3A_234 = arith.mulf %parallel_loop3A_233, %parallel_loop3A_199 : vector<16xf32>
          %parallel_loop3A_235 = arith.addf %parallel_loop3A_195, %parallel_loop3A_234 : vector<16xf32>
          %parallel_loop3A_236 = arith.constant 6 : i32
          %parallel_loop3A_237 = arith.index_cast %parallel_loop3A_236 : i32 to index
          %parallel_loop3A_238 = arith.index_cast %parallel_loop3A_189 : i32 to index
          %parallel_loop3A_239 = tpu.vector_load %arg7[%parallel_loop3A_237, %parallel_loop3A_238] {strides = array<i32>} : memref<32x1024xf32, #tpu.memory_space<vmem>>, vector<16xf32>,
          %parallel_loop3A_240 = arith.mulf %parallel_loop3A_239, %parallel_loop3A_199 : vector<16xf32>
          %parallel_loop3A_241 = arith.addf %parallel_loop3A_196, %parallel_loop3A_240 : vector<16xf32>
          %parallel_loop3A_242 = arith.constant 7 : i32
          %parallel_loop3A_243 = arith.index_cast %parallel_loop3A_242 : i32 to index
          %parallel_loop3A_244 = arith.index_cast %parallel_loop3A_189 : i32 to index
          %parallel_loop3A_245 = tpu.vector_load %arg7[%parallel_loop3A_243, %parallel_loop3A_244] {strides = array<i32>} : memref<32x1024xf32, #tpu.memory_space<vmem>>, vector<16xf32>,
          %parallel_loop3A_246 = arith.mulf %parallel_loop3A_245, %parallel_loop3A_199 : vector<16xf32>
          %parallel_loop3A_247 = arith.addf %parallel_loop3A_197, %parallel_loop3A_246 : vector<16xf32>
          %parallel_loop3A_248 = arith.constant 8 : i32
          %parallel_loop3A_249 = arith.index_cast %parallel_loop3A_248 : i32 to index
          %parallel_loop3A_250 = arith.index_cast %parallel_loop3A_189 : i32 to index
          %parallel_loop3A_251 = tpu.vector_load %arg7[%parallel_loop3A_249, %parallel_loop3A_250] {strides = array<i32>} : memref<32x1024xf32, #tpu.memory_space<vmem>>, vector<16xf32>,
          %parallel_loop3A_252 = arith.mulf %parallel_loop3A_251, %parallel_loop3A_199 : vector<16xf32>
          %parallel_loop3A_253 = arith.addf %parallel_loop3A_205, %parallel_loop3A_252 : vector<16xf32>
          %parallel_loop3A_254 = arith.constant 9 : i32
          %parallel_loop3A_255 = arith.index_cast %parallel_loop3A_254 : i32 to index
          %parallel_loop3A_256 = arith.index_cast %parallel_loop3A_189 : i32 to index
          %parallel_loop3A_257 = tpu.vector_load %arg7[%parallel_loop3A_255, %parallel_loop3A_256] {strides = array<i32>} : memref<32x1024xf32, #tpu.memory_space<vmem>>, vector<16xf32>,
          %parallel_loop3A_258 = arith.mulf %parallel_loop3A_257, %parallel_loop3A_199 : vector<16xf32>
          %parallel_loop3A_259 = arith.addf %parallel_loop3A_211, %parallel_loop3A_258 : vector<16xf32>
          %parallel_loop3A_260 = arith.constant 10 : i32
          %parallel_loop3A_261 = arith.index_cast %parallel_loop3A_260 : i32 to index
          %parallel_loop3A_262 = arith.index_cast %parallel_loop3A_189 : i32 to index
          %parallel_loop3A_263 = tpu.vector_load %arg7[%parallel_loop3A_261, %parallel_loop3A_262] {strides = array<i32>} : memref<32x1024xf32, #tpu.memory_space<vmem>>, vector<16xf32>,
          %parallel_loop3A_264 = arith.mulf %parallel_loop3A_263, %parallel_loop3A_199 : vector<16xf32>
          %parallel_loop3A_265 = arith.addf %parallel_loop3A_217, %parallel_loop3A_264 : vector<16xf32>
          %parallel_loop3A_266 = arith.constant 11 : i32
          %parallel_loop3A_267 = arith.index_cast %parallel_loop3A_266 : i32 to index
          %parallel_loop3A_268 = arith.index_cast %parallel_loop3A_189 : i32 to index
          %parallel_loop3A_269 = tpu.vector_load %arg7[%parallel_loop3A_267, %parallel_loop3A_268] {strides = array<i32>} : memref<32x1024xf32, #tpu.memory_space<vmem>>, vector<16xf32>,
          %parallel_loop3A_270 = arith.mulf %parallel_loop3A_269, %parallel_loop3A_199 : vector<16xf32>
          %parallel_loop3A_271 = arith.addf %parallel_loop3A_223, %parallel_loop3A_270 : vector<16xf32>
          %parallel_loop3A_272 = arith.constant 12 : i32
          %parallel_loop3A_273 = arith.index_cast %parallel_loop3A_272 : i32 to index
          %parallel_loop3A_274 = arith.index_cast %parallel_loop3A_189 : i32 to index
          %parallel_loop3A_275 = tpu.vector_load %arg7[%parallel_loop3A_273, %parallel_loop3A_274] {strides = array<i32>} : memref<32x1024xf32, #tpu.memory_space<vmem>>, vector<16xf32>,
          %parallel_loop3A_276 = arith.mulf %parallel_loop3A_275, %parallel_loop3A_199 : vector<16xf32>
          %parallel_loop3A_277 = arith.addf %parallel_loop3A_229, %parallel_loop3A_276 : vector<16xf32>
          %parallel_loop3A_278 = arith.constant 13 : i32
          %parallel_loop3A_279 = arith.index_cast %parallel_loop3A_278 : i32 to index
          %parallel_loop3A_280 = arith.index_cast %parallel_loop3A_189 : i32 to index
          %parallel_loop3A_281 = tpu.vector_load %arg7[%parallel_loop3A_279, %parallel_loop3A_280] {strides = array<i32>} : memref<32x1024xf32, #tpu.memory_space<vmem>>, vector<16xf32>,
          %parallel_loop3A_282 = arith.mulf %parallel_loop3A_281, %parallel_loop3A_199 : vector<16xf32>
          %parallel_loop3A_283 = arith.addf %parallel_loop3A_235, %parallel_loop3A_282 : vector<16xf32>
          %parallel_loop3A_284 = arith.constant 14 : i32
          %parallel_loop3A_285 = arith.index_cast %parallel_loop3A_284 : i32 to index
          %parallel_loop3A_286 = arith.index_cast %parallel_loop3A_189 : i32 to index
          %parallel_loop3A_287 = tpu.vector_load %arg7[%parallel_loop3A_285, %parallel_loop3A_286] {strides = array<i32>} : memref<32x1024xf32, #tpu.memory_space<vmem>>, vector<16xf32>,
          %parallel_loop3A_288 = arith.mulf %parallel_loop3A_287, %parallel_loop3A_199 : vector<16xf32>
          %parallel_loop3A_289 = arith.addf %parallel_loop3A_241, %parallel_loop3A_288 : vector<16xf32>
          %parallel_loop3A_290 = arith.constant 15 : i32
          %parallel_loop3A_291 = arith.index_cast %parallel_loop3A_290 : i32 to index
          %parallel_loop3A_292 = arith.index_cast %parallel_loop3A_189 : i32 to index
          %parallel_loop3A_293 = tpu.vector_load %arg7[%parallel_loop3A_291, %parallel_loop3A_292] {strides = array<i32>} : memref<32x1024xf32, #tpu.memory_space<vmem>>, vector<16xf32>,
          %parallel_loop3A_294 = arith.mulf %parallel_loop3A_293, %parallel_loop3A_199 : vector<16xf32>
          %parallel_loop3A_295 = arith.addf %parallel_loop3A_247, %parallel_loop3A_294 : vector<16xf32>
          %parallel_loop3A_296 = arith.constant 16 : i32
          %parallel_loop3A_297 = arith.index_cast %parallel_loop3A_296 : i32 to index
          %parallel_loop3A_298 = arith.index_cast %parallel_loop3A_189 : i32 to index
          %parallel_loop3A_299 = tpu.vector_load %arg7[%parallel_loop3A_297, %parallel_loop3A_298] {strides = array<i32>} : memref<32x1024xf32, #tpu.memory_space<vmem>>, vector<16xf32>,
          %parallel_loop3A_300 = arith.mulf %parallel_loop3A_299, %parallel_loop3A_199 : vector<16xf32>
          %parallel_loop3A_301 = arith.addf %parallel_loop3A_253, %parallel_loop3A_300 : vector<16xf32>
          %parallel_loop3A_302 = arith.constant 17 : i32
          %parallel_loop3A_303 = arith.index_cast %parallel_loop3A_302 : i32 to index
          %parallel_loop3A_304 = arith.index_cast %parallel_loop3A_189 : i32 to index
          %parallel_loop3A_305 = tpu.vector_load %arg7[%parallel_loop3A_303, %parallel_loop3A_304] {strides = array<i32>} : memref<32x1024xf32, #tpu.memory_space<vmem>>, vector<16xf32>,
          %parallel_loop3A_306 = arith.mulf %parallel_loop3A_305, %parallel_loop3A_199 : vector<16xf32>
          %parallel_loop3A_307 = arith.addf %parallel_loop3A_259, %parallel_loop3A_306 : vector<16xf32>
          %parallel_loop3A_308 = arith.constant 18 : i32
          %parallel_loop3A_309 = arith.index_cast %parallel_loop3A_308 : i32 to index
          %parallel_loop3A_310 = arith.index_cast %parallel_loop3A_189 : i32 to index
          %parallel_loop3A_311 = tpu.vector_load %arg7[%parallel_loop3A_309, %parallel_loop3A_310] {strides = array<i32>} : memref<32x1024xf32, #tpu.memory_space<vmem>>, vector<16xf32>,
          %parallel_loop3A_312 = arith.mulf %parallel_loop3A_311, %parallel_loop3A_199 : vector<16xf32>
          %parallel_loop3A_313 = arith.addf %parallel_loop3A_265, %parallel_loop3A_312 : vector<16xf32>
          %parallel_loop3A_314 = arith.constant 19 : i32
          %parallel_loop3A_315 = arith.index_cast %parallel_loop3A_314 : i32 to index
          %parallel_loop3A_316 = arith.index_cast %parallel_loop3A_189 : i32 to index
          %parallel_loop3A_317 = tpu.vector_load %arg7[%parallel_loop3A_315, %parallel_loop3A_316] {strides = array<i32>} : memref<32x1024xf32, #tpu.memory_space<vmem>>, vector<16xf32>,
          %parallel_loop3A_318 = arith.mulf %parallel_loop3A_317, %parallel_loop3A_199 : vector<16xf32>
          %parallel_loop3A_319 = arith.addf %parallel_loop3A_271, %parallel_loop3A_318 : vector<16xf32>
          %parallel_loop3A_320 = arith.constant 20 : i32
          %parallel_loop3A_321 = arith.index_cast %parallel_loop3A_320 : i32 to index
          %parallel_loop3A_322 = arith.index_cast %parallel_loop3A_189 : i32 to index
          %parallel_loop3A_323 = tpu.vector_load %arg7[%parallel_loop3A_321, %parallel_loop3A_322] {strides = array<i32>} : memref<32x1024xf32, #tpu.memory_space<vmem>>, vector<16xf32>,
          %parallel_loop3A_324 = arith.mulf %parallel_loop3A_323, %parallel_loop3A_199 : vector<16xf32>
          %parallel_loop3A_325 = arith.addf %parallel_loop3A_277, %parallel_loop3A_324 : vector<16xf32>
          %parallel_loop3A_326 = arith.constant 21 : i32
          %parallel_loop3A_327 = arith.index_cast %parallel_loop3A_326 : i32 to index
          %parallel_loop3A_328 = arith.index_cast %parallel_loop3A_189 : i32 to index
          %parallel_loop3A_329 = tpu.vector_load %arg7[%parallel_loop3A_327, %parallel_loop3A_328] {strides = array<i32>} : memref<32x1024xf32, #tpu.memory_space<vmem>>, vector<16xf32>,
          %parallel_loop3A_330 = arith.mulf %parallel_loop3A_329, %parallel_loop3A_199 : vector<16xf32>
          %parallel_loop3A_331 = arith.addf %parallel_loop3A_283, %parallel_loop3A_330 : vector<16xf32>
          %parallel_loop3A_332 = arith.constant 22 : i32
          %parallel_loop3A_333 = arith.index_cast %parallel_loop3A_332 : i32 to index
          %parallel_loop3A_334 = arith.index_cast %parallel_loop3A_189 : i32 to index
          %parallel_loop3A_335 = tpu.vector_load %arg7[%parallel_loop3A_333, %parallel_loop3A_334] {strides = array<i32>} : memref<32x1024xf32, #tpu.memory_space<vmem>>, vector<16xf32>,
          %parallel_loop3A_336 = arith.mulf %parallel_loop3A_335, %parallel_loop3A_199 : vector<16xf32>
          %parallel_loop3A_337 = arith.addf %parallel_loop3A_289, %parallel_loop3A_336 : vector<16xf32>
          %parallel_loop3A_338 = arith.constant 23 : i32
          %parallel_loop3A_339 = arith.index_cast %parallel_loop3A_338 : i32 to index
          %parallel_loop3A_340 = arith.index_cast %parallel_loop3A_189 : i32 to index
          %parallel_loop3A_341 = tpu.vector_load %arg7[%parallel_loop3A_339, %parallel_loop3A_340] {strides = array<i32>} : memref<32x1024xf32, #tpu.memory_space<vmem>>, vector<16xf32>,
          %parallel_loop3A_342 = arith.mulf %parallel_loop3A_341, %parallel_loop3A_199 : vector<16xf32>
          %parallel_loop3A_343 = arith.addf %parallel_loop3A_295, %parallel_loop3A_342 : vector<16xf32>
          %parallel_loop3A_344 = arith.constant 24 : i32
          %parallel_loop3A_345 = arith.index_cast %parallel_loop3A_344 : i32 to index
          %parallel_loop3A_346 = arith.index_cast %parallel_loop3A_189 : i32 to index
          %parallel_loop3A_347 = tpu.vector_load %arg7[%parallel_loop3A_345, %parallel_loop3A_346] {strides = array<i32>} : memref<32x1024xf32, #tpu.memory_space<vmem>>, vector<16xf32>,
          %parallel_loop3A_348 = arith.mulf %parallel_loop3A_347, %parallel_loop3A_199 : vector<16xf32>
          %parallel_loop3A_349 = arith.addf %parallel_loop3A_301, %parallel_loop3A_348 : vector<16xf32>
          %parallel_loop3A_350 = arith.constant 25 : i32
          %parallel_loop3A_351 = arith.index_cast %parallel_loop3A_350 : i32 to index
          %parallel_loop3A_352 = arith.index_cast %parallel_loop3A_189 : i32 to index
          %parallel_loop3A_353 = tpu.vector_load %arg7[%parallel_loop3A_351, %parallel_loop3A_352] {strides = array<i32>} : memref<32x1024xf32, #tpu.memory_space<vmem>>, vector<16xf32>,
          %parallel_loop3A_354 = arith.mulf %parallel_loop3A_353, %parallel_loop3A_199 : vector<16xf32>
          %parallel_loop3A_355 = arith.addf %parallel_loop3A_307, %parallel_loop3A_354 : vector<16xf32>
          %parallel_loop3A_356 = arith.constant 26 : i32
          %parallel_loop3A_357 = arith.index_cast %parallel_loop3A_356 : i32 to index
          %parallel_loop3A_358 = arith.index_cast %parallel_loop3A_189 : i32 to index
          %parallel_loop3A_359 = tpu.vector_load %arg7[%parallel_loop3A_357, %parallel_loop3A_358] {strides = array<i32>} : memref<32x1024xf32, #tpu.memory_space<vmem>>, vector<16xf32>,
          %parallel_loop3A_360 = arith.mulf %parallel_loop3A_359, %parallel_loop3A_199 : vector<16xf32>
          %parallel_loop3A_361 = arith.addf %parallel_loop3A_313, %parallel_loop3A_360 : vector<16xf32>
          %parallel_loop3A_362 = arith.constant 27 : i32
          %parallel_loop3A_363 = arith.index_cast %parallel_loop3A_362 : i32 to index
          %parallel_loop3A_364 = arith.index_cast %parallel_loop3A_189 : i32 to index
          %parallel_loop3A_365 = tpu.vector_load %arg7[%parallel_loop3A_363, %parallel_loop3A_364] {strides = array<i32>} : memref<32x1024xf32, #tpu.memory_space<vmem>>, vector<16xf32>,
          %parallel_loop3A_366 = arith.mulf %parallel_loop3A_365, %parallel_loop3A_199 : vector<16xf32>
          %parallel_loop3A_367 = arith.addf %parallel_loop3A_319, %parallel_loop3A_366 : vector<16xf32>
          %parallel_loop3A_368 = arith.constant 28 : i32
          %parallel_loop3A_369 = arith.index_cast %parallel_loop3A_368 : i32 to index
          %parallel_loop3A_370 = arith.index_cast %parallel_loop3A_189 : i32 to index
          %parallel_loop3A_371 = tpu.vector_load %arg7[%parallel_loop3A_369, %parallel_loop3A_370] {strides = array<i32>} : memref<32x1024xf32, #tpu.memory_space<vmem>>, vector<16xf32>,
          %parallel_loop3A_372 = arith.mulf %parallel_loop3A_371, %parallel_loop3A_199 : vector<16xf32>
          %parallel_loop3A_373 = arith.addf %parallel_loop3A_325, %parallel_loop3A_372 : vector<16xf32>
          %parallel_loop3A_374 = arith.constant 29 : i32
          %parallel_loop3A_375 = arith.index_cast %parallel_loop3A_374 : i32 to index
          %parallel_loop3A_376 = arith.index_cast %parallel_loop3A_189 : i32 to index
          %parallel_loop3A_377 = tpu.vector_load %arg7[%parallel_loop3A_375, %parallel_loop3A_376] {strides = array<i32>} : memref<32x1024xf32, #tpu.memory_space<vmem>>, vector<16xf32>,
          %parallel_loop3A_378 = arith.mulf %parallel_loop3A_377, %parallel_loop3A_199 : vector<16xf32>
          %parallel_loop3A_379 = arith.addf %parallel_loop3A_331, %parallel_loop3A_378 : vector<16xf32>
          %parallel_loop3A_380 = arith.constant 30 : i32
          %parallel_loop3A_381 = arith.index_cast %parallel_loop3A_380 : i32 to index
          %parallel_loop3A_382 = arith.index_cast %parallel_loop3A_189 : i32 to index
          %parallel_loop3A_383 = tpu.vector_load %arg7[%parallel_loop3A_381, %parallel_loop3A_382] {strides = array<i32>} : memref<32x1024xf32, #tpu.memory_space<vmem>>, vector<16xf32>,
          %parallel_loop3A_384 = arith.mulf %parallel_loop3A_383, %parallel_loop3A_199 : vector<16xf32>
          %parallel_loop3A_385 = arith.addf %parallel_loop3A_337, %parallel_loop3A_384 : vector<16xf32>
          %parallel_loop3A_386 = arith.constant 31 : i32
          %parallel_loop3A_387 = arith.index_cast %parallel_loop3A_386 : i32 to index
          %parallel_loop3A_388 = arith.index_cast %parallel_loop3A_189 : i32 to index
          %parallel_loop3A_389 = tpu.vector_load %arg7[%parallel_loop3A_387, %parallel_loop3A_388] {strides = array<i32>} : memref<32x1024xf32, #tpu.memory_space<vmem>>, vector<16xf32>,
          %parallel_loop3A_390 = arith.mulf %parallel_loop3A_389, %parallel_loop3A_199 : vector<16xf32>
          %parallel_loop3A_391 = arith.addf %parallel_loop3A_343, %parallel_loop3A_390 : vector<16xf32>
          scf.yield %parallel_loop3A_349, %parallel_loop3A_355, %parallel_loop3A_361, %parallel_loop3A_367, %parallel_loop3A_373, %parallel_loop3A_379, %parallel_loop3A_385, %parallel_loop3A_391 : vector<16xf32>, vector<16xf32>, vector<16xf32>, vector<16xf32>, vector<16xf32>, vector<16xf32>, vector<16xf32>, vector<16xf32>
        } {sc.loop_unroll_factor = 2 : i64, sc.parallel_access}
        %add3A_141 = arith.addf %parallel_loop3A_140#0, %parallel_loop3A_140#1 : vector<16xf32>
        %add3A_142 = arith.addf %parallel_loop3A_140#2, %parallel_loop3A_140#3 : vector<16xf32>
        %add3A_143 = arith.addf %parallel_loop3A_140#4, %parallel_loop3A_140#5 : vector<16xf32>
        %add3A_144 = arith.addf %parallel_loop3A_140#6, %parallel_loop3A_140#7 : vector<16xf32>
        %add3A_145 = arith.addf %add3A_141, %add3A_142 : vector<16xf32>
        %add3A_146 = arith.addf %add3A_143, %add3A_144 : vector<16xf32>
        %add3A_147 = arith.addf %add3A_145, %add3A_146 : vector<16xf32>
        %get3A_148 = arith.constant 0 : index
        %get3A_149 = tpu.vector_load %arg11[%get3A_148] {strides = array<i32>} : memref<16xf32, #tpu.memory_space<vmem>>, vector<16xf32>,
        %add3A_150 = arith.addf %get3A_149, %add3A_147 : vector<16xf32>
        %swap3A_151 = arith.constant 0 : index
        %swap3A_152 = tpu.vector_load %arg11[%swap3A_151] {strides = array<i32>} : memref<16xf32, #tpu.memory_space<vmem>>, vector<16xf32>,
        tpu.vector_store %arg11[%swap3A_151], %add3A_150 {strides = array<i32>} : memref<16xf32, #tpu.memory_space<vmem>>, vector<16xf32>,
        %shift_right_arithmetic3A = arith.constant 4 : i32
        %shift_right_arithmetic3A_153 = arith.shrsi %while3A_103, %shift_right_arithmetic3A : i32
        %shift_left3A = arith.constant 4 : i32
        %shift_left3A_154 = arith.shli %shift_right_arithmetic3A_153, %shift_left3A : i32
        %get3A_155 = arith.index_cast %shift_left3A_154 : i32 to index
        %get3A_156 = tpu.vector_load %arg10[%get3A_155] {strides = array<i32>} : memref<128xi32, #tpu.memory_space<vmem>>, vector<16xi32>,
        %ne3A_157 = arith.constant 0 : i32
        %ne3A_158 = vector.broadcast %ne3A_157 : i32 to vector<16xi32>
        %ne3A_159 = arith.cmpi ne, %get3A_156, %ne3A_158 : vector<16xi32>
        %and3A_160 = arith.constant 15 : i32
        %and3A_161 = arith.andi %while3A_103, %and3A_160 : i32
        %eq3A_162 = vector.broadcast %and3A_161 : i32 to vector<16xi32>
        %eq3A_163 = arith.cmpi eq, %iota3A, %eq3A_162 : vector<16xi32>
        %and3A_164 = arith.andi %ne3A_159, %eq3A_163 : vector<16xi1>
        %reduce_or3A = arith.constant 1.000000e+00 : f32
        %reduce_or3A_165 = arith.constant 0.000000e+00 : f32
        %reduce_or3A_166 = vector.broadcast %reduce_or3A : f32 to vector<16xf32>
        %reduce_or3A_167 = vector.broadcast %reduce_or3A_165 : f32 to vector<16xf32>
        %reduce_or3A_168 = arith.select %and3A_164, %reduce_or3A_166, %reduce_or3A_167 : vector<16xi1>, vector<16xf32>
        %reduce_or3A_169 = arith.constant true
        %reduce_or3A_170 = vector.broadcast %reduce_or3A_169 : i1 to vector<16xi1>
        %reduce_or3A_171 = tpu.scan <max>, %reduce_or3A_168 masked %reduce_or3A_170 : vector<16xf32>, vector<16xi1> -> vector<16xf32>
        %reduce_or3A_172 = vector.extract %reduce_or3A_171[15] : f32 from vector<16xf32>
        %reduce_or3A_173 = arith.constant 0.000000e+00 : f32
        %reduce_or3A_174 = arith.cmpf ogt, %reduce_or3A_172, %reduce_or3A_173 : f32
        %convert_element_type3A_175 = arith.extui %reduce_or3A_174 : i1 to i32
        %cond3A_176 = arith.constant 0 : i32
        %cond3A_177 = arith.cmpi ne, %convert_element_type3A_175, %cond3A_176 : i32
        scf.if %cond3A_177 {
          %broadcast_in_dim3A_189 = vector.broadcast %add3A_119 : i32 to vector<16xi32>
          %scan3A_190 = arith.constant 0 : i32
          %scan3A_191 = arith.constant 0 : i32
          %scan3A_192 = arith.constant 64 : i32
          %scan3A_193 = arith.addi %scan3A_191, %scan3A_192 : i32
          %scan3A_194 = arith.constant 1 : i32
          scf.for %scan3A_196 = %scan3A_191 to %scan3A_193 step %scan3A_194  : i32 {
            %mul3A_197 = arith.constant 16 : i32
            %mul3A_198 = arith.muli %scan3A_196, %mul3A_197 : i32
            %get3A_199 = arith.index_cast %mul3A_198 : i32 to index
            %get3A_200 = tpu.vector_load %arg8[%get3A_199] {strides = array<i32>} : memref<1024xi32, #tpu.memory_space<vmem>>, vector<16xi32>,
            %ne3A_201 = arith.constant 0 : i32
            %ne3A_202 = vector.broadcast %ne3A_201 : i32 to vector<16xi32>
            %ne3A_203 = arith.cmpi ne, %get3A_200, %ne3A_202 : vector<16xi32>
            %shift_right_logical3A = arith.constant 5 : i32
            %shift_right_logical3A_204 = vector.broadcast %shift_right_logical3A : i32 to vector<16xi32>
            %shift_right_logical3A_205 = arith.shrui %get3A_200, %shift_right_logical3A_204 : vector<16xi32>
            %eq3A_206 = arith.cmpi eq, %shift_right_logical3A_205, %broadcast_in_dim3A_189 : vector<16xi32>
            %and3A_207 = arith.andi %ne3A_203, %eq3A_206 : vector<16xi1>
            %and3A_208 = arith.constant 31 : i32
            %and3A_209 = vector.broadcast %and3A_208 : i32 to vector<16xi32>
            %and3A_210 = arith.andi %get3A_200, %and3A_209 : vector<16xi32>
            %mul3A_211 = arith.constant 16 : i32
            %mul3A_212 = arith.muli %scan3A_196, %mul3A_211 : i32
            %add3A_213 = vector.broadcast %mul3A_212 : i32 to vector<16xi32>
            %add3A_214 = arith.addi %add3A_213, %iota3A : vector<16xi32>
            %gather3A = tpu.vector_load_idx %arg7[%and3A_210, %add3A_214] : memref<32x1024xf32, #tpu.memory_space<vmem>>[vector<16xi32>, vector<16xi32>], vector<16xf32>,
            %get3A_215 = arith.constant 0 : index
            %get3A_216 = tpu.vector_load %arg12[%get3A_215] {strides = array<i32>} : memref<16xf32, #tpu.memory_space<vmem>>, vector<16xf32>,
            %jit3A_217 = arith.constant 0.000000e+00 : f32
            %broadcast_in_dim3A_218 = vector.broadcast %jit3A_217 : f32 to vector<16xf32>
            %select_n3A_219 = arith.select %and3A_207, %gather3A, %broadcast_in_dim3A_218 : vector<16xi1>, vector<16xf32>
            %add3A_220 = arith.addf %get3A_216, %select_n3A_219 : vector<16xf32>
            %swap3A_221 = arith.constant 0 : index
            %swap3A_222 = tpu.vector_load %arg12[%swap3A_221] {strides = array<i32>} : memref<16xf32, #tpu.memory_space<vmem>>, vector<16xf32>,
            tpu.vector_store %arg12[%swap3A_221], %add3A_220 {strides = array<i32>} : memref<16xf32, #tpu.memory_space<vmem>>, vector<16xf32>,
          }
          %scan3A_195 = arith.constant 64 : i32
        } else {
        }
        %eq3A_178 = arith.constant 0 : i32
        %eq3A_179 = arith.cmpi eq, %add3A_119, %eq3A_178 : i32
        %convert_element_type3A_180 = arith.extui %eq3A_179 : i1 to i32
        %cond3A_181 = arith.constant 0 : i32
        %cond3A_182 = arith.cmpi ne, %convert_element_type3A_180, %cond3A_181 : i32
        scf.if %cond3A_182 {
          %scan3A_189 = arith.constant 0 : i32
          %scan3A_190 = arith.constant 0 : i32
          %scan3A_191 = arith.constant 64 : i32
          %scan3A_192 = arith.addi %scan3A_190, %scan3A_191 : i32
          %scan3A_193 = arith.constant 1 : i32
          scf.for %scan3A_195 = %scan3A_190 to %scan3A_192 step %scan3A_193  : i32 {
            %get3A_196 = arith.constant 0 : index
            %get3A_197 = tpu.vector_load %arg13[%get3A_196] {strides = array<i32>} : memref<16xf32, #tpu.memory_space<vmem>>, vector<16xf32>,
            %mul3A_198 = arith.constant 16 : i32
            %mul3A_199 = arith.muli %scan3A_195, %mul3A_198 : i32
            %get3A_200 = arith.constant 0 : i32
            %get3A_201 = arith.index_cast %get3A_200 : i32 to index
            %get3A_202 = arith.index_cast %mul3A_199 : i32 to index
            %get3A_203 = tpu.vector_load %arg7[%get3A_201, %get3A_202] {strides = array<i32>} : memref<32x1024xf32, #tpu.memory_space<vmem>>, vector<16xf32>,
            %mul3A_204 = arith.constant 16 : i32
            %mul3A_205 = arith.muli %scan3A_195, %mul3A_204 : i32
            %get3A_206 = arith.index_cast %mul3A_205 : i32 to index
            %get3A_207 = tpu.vector_load %arg9[%get3A_206] {strides = array<i32>} : memref<1024xf32, #tpu.memory_space<vmem>>, vector<16xf32>,
            %mul3A_208 = arith.mulf %get3A_203, %get3A_207 : vector<16xf32>
            %add3A_209 = arith.addf %get3A_197, %mul3A_208 : vector<16xf32>
            %swap3A_210 = arith.constant 0 : index
            %swap3A_211 = tpu.vector_load %arg13[%swap3A_210] {strides = array<i32>} : memref<16xf32, #tpu.memory_space<vmem>>, vector<16xf32>,
            tpu.vector_store %arg13[%swap3A_210], %add3A_209 {strides = array<i32>} : memref<16xf32, #tpu.memory_space<vmem>>, vector<16xf32>,
          }
          %scan3A_194 = arith.constant 64 : i32
        } else {
        }
        %add3A_183 = arith.constant 3 : i32
        %add3A_184 = arith.addi %while3A_103, %add3A_183 : i32
        %lt3A_185 = arith.cmpi slt, %add3A_184, %add3A_4 : i32
        %convert_element_type3A_186 = arith.extui %lt3A_185 : i1 to i32
        %cond3A_187 = arith.constant 0 : i32
        %cond3A_188 = arith.cmpi ne, %convert_element_type3A_186, %cond3A_187 : i32
        scf.if %cond3A_188 {
          %mul3A_189 = arith.constant 32 : i32
          %mul3A_190 = arith.muli %add3A_184, %mul3A_189 : i32
          %add3A_191 = arith.addi %add3A, %mul3A_190 : i32
          %mul3A_192 = arith.constant 32 : i32
          %mul3A_193 = arith.muli %add3A_191, %mul3A_192 : i32
          %dma_start3A_194 = arith.constant 0 : i32
          %dma_start3A_195 = tpu.memref_slice %arg2[%mul3A_193, %dma_start3A_194] : memref<100000x1024xf32, #tpu.memory_space<hbm>> -> memref<32x1024xf32, #tpu.memory_space<hbm>>
          %dma_start3A_196 = arith.constant 0 : i32
          %dma_start3A_197 = tpu.memref_slice %arg2[%mul3A_193, %dma_start3A_196] : memref<100000x1024xf32, #tpu.memory_space<hbm>> -> memref<32x1024xf32, #tpu.memory_space<hbm>>
          tpu.enqueue_dma source(%dma_start3A_197 : memref<32x1024xf32, #tpu.memory_space<hbm>>) target(%arg7 : memref<32x1024xf32, #tpu.memory_space<vmem>>) target_semaphore(%arg17 : memref<!tpu.dma_semaphore, #tpu.memory_space<semaphore_mem>>)
        } else {
        }
      } else {
      }
    }
    %while3A_68 = arith.constant 1 : i32
    scf.for %while3A_103 = %while3A_66 to %while3A_62 step %while3A_68  : i32 {
      %jit3A_104 = arith.constant 3 : i32
      %eq3A_105 = arith.constant 0 : i32
      %eq3A_106 = arith.cmpi eq, %jit3A_104, %eq3A_105 : i32
      %jit3A_107 = arith.constant 1 : i32
      %select_n3A_108 = arith.select %eq3A_106, %jit3A_107, %jit3A_104 : i32
      %rem3A = arith.remsi %while3A_103, %select_n3A_108 : i32
      %ne3A = arith.constant 0 : i32
      %ne3A_109 = arith.cmpi ne, %rem3A, %ne3A : i32
      %lt3A_110 = arith.constant 0 : i32
      %lt3A_111 = arith.cmpi slt, %rem3A, %lt3A_110 : i32
      %lt3A_112 = arith.constant 0 : i32
      %lt3A_113 = arith.cmpi slt, %select_n3A_108, %lt3A_112 : i32
      %ne3A_114 = arith.xori %lt3A_111, %lt3A_113 : i1
      %and3A = arith.andi %ne3A_114, %ne3A_109 : i1
      %add3A_115 = arith.addi %rem3A, %select_n3A_108 : i32
      %select_n3A_116 = arith.select %and3A, %add3A_115, %rem3A : i32
      %mul3A_117 = arith.constant 32 : i32
      %mul3A_118 = arith.muli %while3A_103, %mul3A_117 : i32
      %add3A_119 = arith.addi %add3A, %mul3A_118 : i32
      %eq3A_120 = arith.constant 0 : i32
      %eq3A_121 = arith.cmpi eq, %select_n3A_116, %eq3A_120 : i32
      %convert_element_type3A = arith.extui %eq3A_121 : i1 to i32
      %cond3A = arith.constant 0 : i32
      %cond3A_122 = arith.cmpi ne, %convert_element_type3A, %cond3A : i32
      scf.if %cond3A_122 {
        %dma_wait3A = arith.constant 0 : i32
        %dma_wait3A_133 = arith.constant 0 : i32
        %dma_wait3A_134 = tpu.memref_slice %arg2[%dma_wait3A, %dma_wait3A_133] : memref<100000x1024xf32, #tpu.memory_space<hbm>> -> memref<32x1024xf32, #tpu.memory_space<hbm>>
        %dma_wait3A_135 = arith.constant 0 : i32
        %dma_wait3A_136 = arith.constant 0 : i32
        %dma_wait3A_137 = tpu.memref_slice %arg2[%dma_wait3A_135, %dma_wait3A_136] : memref<100000x1024xf32, #tpu.memory_space<hbm>> -> memref<32x1024xf32, #tpu.memory_space<hbm>>
        tpu.wait_dma2 semaphore(%arg15 : memref<!tpu.dma_semaphore, #tpu.memory_space<semaphore_mem>>) src(%dma_wait3A_137 : memref<32x1024xf32, #tpu.memory_space<hbm>>) dst(%arg5 : memref<32x1024xf32, #tpu.memory_space<vmem>>)
        %parallel_loop3A = arith.constant 0 : i32
        %parallel_loop3A_138 = arith.constant 1024 : i32
        %parallel_loop3A_139 = arith.constant 16 : i32
        %parallel_loop3A_140:8 = scf.for %parallel_loop3A_189 = %parallel_loop3A to %parallel_loop3A_138 step %parallel_loop3A_139 iter_args(%parallel_loop3A_190 = %broadcast_in_dim3A_5, %parallel_loop3A_191 = %broadcast_in_dim3A_5, %parallel_loop3A_192 = %broadcast_in_dim3A_5, %parallel_loop3A_193 = %broadcast_in_dim3A_5, %parallel_loop3A_194 = %broadcast_in_dim3A_5, %parallel_loop3A_195 = %broadcast_in_dim3A_5, %parallel_loop3A_196 = %broadcast_in_dim3A_5, %parallel_loop3A_197 = %broadcast_in_dim3A_5) -> (vector<16xf32>, vector<16xf32>, vector<16xf32>, vector<16xf32>, vector<16xf32>, vector<16xf32>, vector<16xf32>, vector<16xf32>)  : i32 {
          %parallel_loop3A_198 = arith.index_cast %parallel_loop3A_189 : i32 to index
          %parallel_loop3A_199 = tpu.vector_load %arg9[%parallel_loop3A_198] {strides = array<i32>} : memref<1024xf32, #tpu.memory_space<vmem>>, vector<16xf32>,
          %parallel_loop3A_200 = arith.constant 0 : i32
          %parallel_loop3A_201 = arith.index_cast %parallel_loop3A_200 : i32 to index
          %parallel_loop3A_202 = arith.index_cast %parallel_loop3A_189 : i32 to index
          %parallel_loop3A_203 = tpu.vector_load %arg5[%parallel_loop3A_201, %parallel_loop3A_202] {strides = array<i32>} : memref<32x1024xf32, #tpu.memory_space<vmem>>, vector<16xf32>,
          %parallel_loop3A_204 = arith.mulf %parallel_loop3A_203, %parallel_loop3A_199 : vector<16xf32>
          %parallel_loop3A_205 = arith.addf %parallel_loop3A_190, %parallel_loop3A_204 : vector<16xf32>
          %parallel_loop3A_206 = arith.constant 1 : i32
          %parallel_loop3A_207 = arith.index_cast %parallel_loop3A_206 : i32 to index
          %parallel_loop3A_208 = arith.index_cast %parallel_loop3A_189 : i32 to index
          %parallel_loop3A_209 = tpu.vector_load %arg5[%parallel_loop3A_207, %parallel_loop3A_208] {strides = array<i32>} : memref<32x1024xf32, #tpu.memory_space<vmem>>, vector<16xf32>,
          %parallel_loop3A_210 = arith.mulf %parallel_loop3A_209, %parallel_loop3A_199 : vector<16xf32>
          %parallel_loop3A_211 = arith.addf %parallel_loop3A_191, %parallel_loop3A_210 : vector<16xf32>
          %parallel_loop3A_212 = arith.constant 2 : i32
          %parallel_loop3A_213 = arith.index_cast %parallel_loop3A_212 : i32 to index
          %parallel_loop3A_214 = arith.index_cast %parallel_loop3A_189 : i32 to index
          %parallel_loop3A_215 = tpu.vector_load %arg5[%parallel_loop3A_213, %parallel_loop3A_214] {strides = array<i32>} : memref<32x1024xf32, #tpu.memory_space<vmem>>, vector<16xf32>,
          %parallel_loop3A_216 = arith.mulf %parallel_loop3A_215, %parallel_loop3A_199 : vector<16xf32>
          %parallel_loop3A_217 = arith.addf %parallel_loop3A_192, %parallel_loop3A_216 : vector<16xf32>
          %parallel_loop3A_218 = arith.constant 3 : i32
          %parallel_loop3A_219 = arith.index_cast %parallel_loop3A_218 : i32 to index
          %parallel_loop3A_220 = arith.index_cast %parallel_loop3A_189 : i32 to index
          %parallel_loop3A_221 = tpu.vector_load %arg5[%parallel_loop3A_219, %parallel_loop3A_220] {strides = array<i32>} : memref<32x1024xf32, #tpu.memory_space<vmem>>, vector<16xf32>,
          %parallel_loop3A_222 = arith.mulf %parallel_loop3A_221, %parallel_loop3A_199 : vector<16xf32>
          %parallel_loop3A_223 = arith.addf %parallel_loop3A_193, %parallel_loop3A_222 : vector<16xf32>
          %parallel_loop3A_224 = arith.constant 4 : i32
          %parallel_loop3A_225 = arith.index_cast %parallel_loop3A_224 : i32 to index
          %parallel_loop3A_226 = arith.index_cast %parallel_loop3A_189 : i32 to index
          %parallel_loop3A_227 = tpu.vector_load %arg5[%parallel_loop3A_225, %parallel_loop3A_226] {strides = array<i32>} : memref<32x1024xf32, #tpu.memory_space<vmem>>, vector<16xf32>,
          %parallel_loop3A_228 = arith.mulf %parallel_loop3A_227, %parallel_loop3A_199 : vector<16xf32>
          %parallel_loop3A_229 = arith.addf %parallel_loop3A_194, %parallel_loop3A_228 : vector<16xf32>
          %parallel_loop3A_230 = arith.constant 5 : i32
          %parallel_loop3A_231 = arith.index_cast %parallel_loop3A_230 : i32 to index
          %parallel_loop3A_232 = arith.index_cast %parallel_loop3A_189 : i32 to index
          %parallel_loop3A_233 = tpu.vector_load %arg5[%parallel_loop3A_231, %parallel_loop3A_232] {strides = array<i32>} : memref<32x1024xf32, #tpu.memory_space<vmem>>, vector<16xf32>,
          %parallel_loop3A_234 = arith.mulf %parallel_loop3A_233, %parallel_loop3A_199 : vector<16xf32>
          %parallel_loop3A_235 = arith.addf %parallel_loop3A_195, %parallel_loop3A_234 : vector<16xf32>
          %parallel_loop3A_236 = arith.constant 6 : i32
          %parallel_loop3A_237 = arith.index_cast %parallel_loop3A_236 : i32 to index
          %parallel_loop3A_238 = arith.index_cast %parallel_loop3A_189 : i32 to index
          %parallel_loop3A_239 = tpu.vector_load %arg5[%parallel_loop3A_237, %parallel_loop3A_238] {strides = array<i32>} : memref<32x1024xf32, #tpu.memory_space<vmem>>, vector<16xf32>,
          %parallel_loop3A_240 = arith.mulf %parallel_loop3A_239, %parallel_loop3A_199 : vector<16xf32>
          %parallel_loop3A_241 = arith.addf %parallel_loop3A_196, %parallel_loop3A_240 : vector<16xf32>
          %parallel_loop3A_242 = arith.constant 7 : i32
          %parallel_loop3A_243 = arith.index_cast %parallel_loop3A_242 : i32 to index
          %parallel_loop3A_244 = arith.index_cast %parallel_loop3A_189 : i32 to index
          %parallel_loop3A_245 = tpu.vector_load %arg5[%parallel_loop3A_243, %parallel_loop3A_244] {strides = array<i32>} : memref<32x1024xf32, #tpu.memory_space<vmem>>, vector<16xf32>,
          %parallel_loop3A_246 = arith.mulf %parallel_loop3A_245, %parallel_loop3A_199 : vector<16xf32>
          %parallel_loop3A_247 = arith.addf %parallel_loop3A_197, %parallel_loop3A_246 : vector<16xf32>
          %parallel_loop3A_248 = arith.constant 8 : i32
          %parallel_loop3A_249 = arith.index_cast %parallel_loop3A_248 : i32 to index
          %parallel_loop3A_250 = arith.index_cast %parallel_loop3A_189 : i32 to index
          %parallel_loop3A_251 = tpu.vector_load %arg5[%parallel_loop3A_249, %parallel_loop3A_250] {strides = array<i32>} : memref<32x1024xf32, #tpu.memory_space<vmem>>, vector<16xf32>,
          %parallel_loop3A_252 = arith.mulf %parallel_loop3A_251, %parallel_loop3A_199 : vector<16xf32>
          %parallel_loop3A_253 = arith.addf %parallel_loop3A_205, %parallel_loop3A_252 : vector<16xf32>
          %parallel_loop3A_254 = arith.constant 9 : i32
          %parallel_loop3A_255 = arith.index_cast %parallel_loop3A_254 : i32 to index
          %parallel_loop3A_256 = arith.index_cast %parallel_loop3A_189 : i32 to index
          %parallel_loop3A_257 = tpu.vector_load %arg5[%parallel_loop3A_255, %parallel_loop3A_256] {strides = array<i32>} : memref<32x1024xf32, #tpu.memory_space<vmem>>, vector<16xf32>,
          %parallel_loop3A_258 = arith.mulf %parallel_loop3A_257, %parallel_loop3A_199 : vector<16xf32>
          %parallel_loop3A_259 = arith.addf %parallel_loop3A_211, %parallel_loop3A_258 : vector<16xf32>
          %parallel_loop3A_260 = arith.constant 10 : i32
          %parallel_loop3A_261 = arith.index_cast %parallel_loop3A_260 : i32 to index
          %parallel_loop3A_262 = arith.index_cast %parallel_loop3A_189 : i32 to index
          %parallel_loop3A_263 = tpu.vector_load %arg5[%parallel_loop3A_261, %parallel_loop3A_262] {strides = array<i32>} : memref<32x1024xf32, #tpu.memory_space<vmem>>, vector<16xf32>,
          %parallel_loop3A_264 = arith.mulf %parallel_loop3A_263, %parallel_loop3A_199 : vector<16xf32>
          %parallel_loop3A_265 = arith.addf %parallel_loop3A_217, %parallel_loop3A_264 : vector<16xf32>
          %parallel_loop3A_266 = arith.constant 11 : i32
          %parallel_loop3A_267 = arith.index_cast %parallel_loop3A_266 : i32 to index
          %parallel_loop3A_268 = arith.index_cast %parallel_loop3A_189 : i32 to index
          %parallel_loop3A_269 = tpu.vector_load %arg5[%parallel_loop3A_267, %parallel_loop3A_268] {strides = array<i32>} : memref<32x1024xf32, #tpu.memory_space<vmem>>, vector<16xf32>,
          %parallel_loop3A_270 = arith.mulf %parallel_loop3A_269, %parallel_loop3A_199 : vector<16xf32>
          %parallel_loop3A_271 = arith.addf %parallel_loop3A_223, %parallel_loop3A_270 : vector<16xf32>
          %parallel_loop3A_272 = arith.constant 12 : i32
          %parallel_loop3A_273 = arith.index_cast %parallel_loop3A_272 : i32 to index
          %parallel_loop3A_274 = arith.index_cast %parallel_loop3A_189 : i32 to index
          %parallel_loop3A_275 = tpu.vector_load %arg5[%parallel_loop3A_273, %parallel_loop3A_274] {strides = array<i32>} : memref<32x1024xf32, #tpu.memory_space<vmem>>, vector<16xf32>,
          %parallel_loop3A_276 = arith.mulf %parallel_loop3A_275, %parallel_loop3A_199 : vector<16xf32>
          %parallel_loop3A_277 = arith.addf %parallel_loop3A_229, %parallel_loop3A_276 : vector<16xf32>
          %parallel_loop3A_278 = arith.constant 13 : i32
          %parallel_loop3A_279 = arith.index_cast %parallel_loop3A_278 : i32 to index
          %parallel_loop3A_280 = arith.index_cast %parallel_loop3A_189 : i32 to index
          %parallel_loop3A_281 = tpu.vector_load %arg5[%parallel_loop3A_279, %parallel_loop3A_280] {strides = array<i32>} : memref<32x1024xf32, #tpu.memory_space<vmem>>, vector<16xf32>,
          %parallel_loop3A_282 = arith.mulf %parallel_loop3A_281, %parallel_loop3A_199 : vector<16xf32>
          %parallel_loop3A_283 = arith.addf %parallel_loop3A_235, %parallel_loop3A_282 : vector<16xf32>
          %parallel_loop3A_284 = arith.constant 14 : i32
          %parallel_loop3A_285 = arith.index_cast %parallel_loop3A_284 : i32 to index
          %parallel_loop3A_286 = arith.index_cast %parallel_loop3A_189 : i32 to index
          %parallel_loop3A_287 = tpu.vector_load %arg5[%parallel_loop3A_285, %parallel_loop3A_286] {strides = array<i32>} : memref<32x1024xf32, #tpu.memory_space<vmem>>, vector<16xf32>,
          %parallel_loop3A_288 = arith.mulf %parallel_loop3A_287, %parallel_loop3A_199 : vector<16xf32>
          %parallel_loop3A_289 = arith.addf %parallel_loop3A_241, %parallel_loop3A_288 : vector<16xf32>
          %parallel_loop3A_290 = arith.constant 15 : i32
          %parallel_loop3A_291 = arith.index_cast %parallel_loop3A_290 : i32 to index
          %parallel_loop3A_292 = arith.index_cast %parallel_loop3A_189 : i32 to index
          %parallel_loop3A_293 = tpu.vector_load %arg5[%parallel_loop3A_291, %parallel_loop3A_292] {strides = array<i32>} : memref<32x1024xf32, #tpu.memory_space<vmem>>, vector<16xf32>,
          %parallel_loop3A_294 = arith.mulf %parallel_loop3A_293, %parallel_loop3A_199 : vector<16xf32>
          %parallel_loop3A_295 = arith.addf %parallel_loop3A_247, %parallel_loop3A_294 : vector<16xf32>
          %parallel_loop3A_296 = arith.constant 16 : i32
          %parallel_loop3A_297 = arith.index_cast %parallel_loop3A_296 : i32 to index
          %parallel_loop3A_298 = arith.index_cast %parallel_loop3A_189 : i32 to index
          %parallel_loop3A_299 = tpu.vector_load %arg5[%parallel_loop3A_297, %parallel_loop3A_298] {strides = array<i32>} : memref<32x1024xf32, #tpu.memory_space<vmem>>, vector<16xf32>,
          %parallel_loop3A_300 = arith.mulf %parallel_loop3A_299, %parallel_loop3A_199 : vector<16xf32>
          %parallel_loop3A_301 = arith.addf %parallel_loop3A_253, %parallel_loop3A_300 : vector<16xf32>
          %parallel_loop3A_302 = arith.constant 17 : i32
          %parallel_loop3A_303 = arith.index_cast %parallel_loop3A_302 : i32 to index
          %parallel_loop3A_304 = arith.index_cast %parallel_loop3A_189 : i32 to index
          %parallel_loop3A_305 = tpu.vector_load %arg5[%parallel_loop3A_303, %parallel_loop3A_304] {strides = array<i32>} : memref<32x1024xf32, #tpu.memory_space<vmem>>, vector<16xf32>,
          %parallel_loop3A_306 = arith.mulf %parallel_loop3A_305, %parallel_loop3A_199 : vector<16xf32>
          %parallel_loop3A_307 = arith.addf %parallel_loop3A_259, %parallel_loop3A_306 : vector<16xf32>
          %parallel_loop3A_308 = arith.constant 18 : i32
          %parallel_loop3A_309 = arith.index_cast %parallel_loop3A_308 : i32 to index
          %parallel_loop3A_310 = arith.index_cast %parallel_loop3A_189 : i32 to index
          %parallel_loop3A_311 = tpu.vector_load %arg5[%parallel_loop3A_309, %parallel_loop3A_310] {strides = array<i32>} : memref<32x1024xf32, #tpu.memory_space<vmem>>, vector<16xf32>,
          %parallel_loop3A_312 = arith.mulf %parallel_loop3A_311, %parallel_loop3A_199 : vector<16xf32>
          %parallel_loop3A_313 = arith.addf %parallel_loop3A_265, %parallel_loop3A_312 : vector<16xf32>
          %parallel_loop3A_314 = arith.constant 19 : i32
          %parallel_loop3A_315 = arith.index_cast %parallel_loop3A_314 : i32 to index
          %parallel_loop3A_316 = arith.index_cast %parallel_loop3A_189 : i32 to index
          %parallel_loop3A_317 = tpu.vector_load %arg5[%parallel_loop3A_315, %parallel_loop3A_316] {strides = array<i32>} : memref<32x1024xf32, #tpu.memory_space<vmem>>, vector<16xf32>,
          %parallel_loop3A_318 = arith.mulf %parallel_loop3A_317, %parallel_loop3A_199 : vector<16xf32>
          %parallel_loop3A_319 = arith.addf %parallel_loop3A_271, %parallel_loop3A_318 : vector<16xf32>
          %parallel_loop3A_320 = arith.constant 20 : i32
          %parallel_loop3A_321 = arith.index_cast %parallel_loop3A_320 : i32 to index
          %parallel_loop3A_322 = arith.index_cast %parallel_loop3A_189 : i32 to index
          %parallel_loop3A_323 = tpu.vector_load %arg5[%parallel_loop3A_321, %parallel_loop3A_322] {strides = array<i32>} : memref<32x1024xf32, #tpu.memory_space<vmem>>, vector<16xf32>,
          %parallel_loop3A_324 = arith.mulf %parallel_loop3A_323, %parallel_loop3A_199 : vector<16xf32>
          %parallel_loop3A_325 = arith.addf %parallel_loop3A_277, %parallel_loop3A_324 : vector<16xf32>
          %parallel_loop3A_326 = arith.constant 21 : i32
          %parallel_loop3A_327 = arith.index_cast %parallel_loop3A_326 : i32 to index
          %parallel_loop3A_328 = arith.index_cast %parallel_loop3A_189 : i32 to index
          %parallel_loop3A_329 = tpu.vector_load %arg5[%parallel_loop3A_327, %parallel_loop3A_328] {strides = array<i32>} : memref<32x1024xf32, #tpu.memory_space<vmem>>, vector<16xf32>,
          %parallel_loop3A_330 = arith.mulf %parallel_loop3A_329, %parallel_loop3A_199 : vector<16xf32>
          %parallel_loop3A_331 = arith.addf %parallel_loop3A_283, %parallel_loop3A_330 : vector<16xf32>
          %parallel_loop3A_332 = arith.constant 22 : i32
          %parallel_loop3A_333 = arith.index_cast %parallel_loop3A_332 : i32 to index
          %parallel_loop3A_334 = arith.index_cast %parallel_loop3A_189 : i32 to index
          %parallel_loop3A_335 = tpu.vector_load %arg5[%parallel_loop3A_333, %parallel_loop3A_334] {strides = array<i32>} : memref<32x1024xf32, #tpu.memory_space<vmem>>, vector<16xf32>,
          %parallel_loop3A_336 = arith.mulf %parallel_loop3A_335, %parallel_loop3A_199 : vector<16xf32>
          %parallel_loop3A_337 = arith.addf %parallel_loop3A_289, %parallel_loop3A_336 : vector<16xf32>
          %parallel_loop3A_338 = arith.constant 23 : i32
          %parallel_loop3A_339 = arith.index_cast %parallel_loop3A_338 : i32 to index
          %parallel_loop3A_340 = arith.index_cast %parallel_loop3A_189 : i32 to index
          %parallel_loop3A_341 = tpu.vector_load %arg5[%parallel_loop3A_339, %parallel_loop3A_340] {strides = array<i32>} : memref<32x1024xf32, #tpu.memory_space<vmem>>, vector<16xf32>,
          %parallel_loop3A_342 = arith.mulf %parallel_loop3A_341, %parallel_loop3A_199 : vector<16xf32>
          %parallel_loop3A_343 = arith.addf %parallel_loop3A_295, %parallel_loop3A_342 : vector<16xf32>
          %parallel_loop3A_344 = arith.constant 24 : i32
          %parallel_loop3A_345 = arith.index_cast %parallel_loop3A_344 : i32 to index
          %parallel_loop3A_346 = arith.index_cast %parallel_loop3A_189 : i32 to index
          %parallel_loop3A_347 = tpu.vector_load %arg5[%parallel_loop3A_345, %parallel_loop3A_346] {strides = array<i32>} : memref<32x1024xf32, #tpu.memory_space<vmem>>, vector<16xf32>,
          %parallel_loop3A_348 = arith.mulf %parallel_loop3A_347, %parallel_loop3A_199 : vector<16xf32>
          %parallel_loop3A_349 = arith.addf %parallel_loop3A_301, %parallel_loop3A_348 : vector<16xf32>
          %parallel_loop3A_350 = arith.constant 25 : i32
          %parallel_loop3A_351 = arith.index_cast %parallel_loop3A_350 : i32 to index
          %parallel_loop3A_352 = arith.index_cast %parallel_loop3A_189 : i32 to index
          %parallel_loop3A_353 = tpu.vector_load %arg5[%parallel_loop3A_351, %parallel_loop3A_352] {strides = array<i32>} : memref<32x1024xf32, #tpu.memory_space<vmem>>, vector<16xf32>,
          %parallel_loop3A_354 = arith.mulf %parallel_loop3A_353, %parallel_loop3A_199 : vector<16xf32>
          %parallel_loop3A_355 = arith.addf %parallel_loop3A_307, %parallel_loop3A_354 : vector<16xf32>
          %parallel_loop3A_356 = arith.constant 26 : i32
          %parallel_loop3A_357 = arith.index_cast %parallel_loop3A_356 : i32 to index
          %parallel_loop3A_358 = arith.index_cast %parallel_loop3A_189 : i32 to index
          %parallel_loop3A_359 = tpu.vector_load %arg5[%parallel_loop3A_357, %parallel_loop3A_358] {strides = array<i32>} : memref<32x1024xf32, #tpu.memory_space<vmem>>, vector<16xf32>,
          %parallel_loop3A_360 = arith.mulf %parallel_loop3A_359, %parallel_loop3A_199 : vector<16xf32>
          %parallel_loop3A_361 = arith.addf %parallel_loop3A_313, %parallel_loop3A_360 : vector<16xf32>
          %parallel_loop3A_362 = arith.constant 27 : i32
          %parallel_loop3A_363 = arith.index_cast %parallel_loop3A_362 : i32 to index
          %parallel_loop3A_364 = arith.index_cast %parallel_loop3A_189 : i32 to index
          %parallel_loop3A_365 = tpu.vector_load %arg5[%parallel_loop3A_363, %parallel_loop3A_364] {strides = array<i32>} : memref<32x1024xf32, #tpu.memory_space<vmem>>, vector<16xf32>,
          %parallel_loop3A_366 = arith.mulf %parallel_loop3A_365, %parallel_loop3A_199 : vector<16xf32>
          %parallel_loop3A_367 = arith.addf %parallel_loop3A_319, %parallel_loop3A_366 : vector<16xf32>
          %parallel_loop3A_368 = arith.constant 28 : i32
          %parallel_loop3A_369 = arith.index_cast %parallel_loop3A_368 : i32 to index
          %parallel_loop3A_370 = arith.index_cast %parallel_loop3A_189 : i32 to index
          %parallel_loop3A_371 = tpu.vector_load %arg5[%parallel_loop3A_369, %parallel_loop3A_370] {strides = array<i32>} : memref<32x1024xf32, #tpu.memory_space<vmem>>, vector<16xf32>,
          %parallel_loop3A_372 = arith.mulf %parallel_loop3A_371, %parallel_loop3A_199 : vector<16xf32>
          %parallel_loop3A_373 = arith.addf %parallel_loop3A_325, %parallel_loop3A_372 : vector<16xf32>
          %parallel_loop3A_374 = arith.constant 29 : i32
          %parallel_loop3A_375 = arith.index_cast %parallel_loop3A_374 : i32 to index
          %parallel_loop3A_376 = arith.index_cast %parallel_loop3A_189 : i32 to index
          %parallel_loop3A_377 = tpu.vector_load %arg5[%parallel_loop3A_375, %parallel_loop3A_376] {strides = array<i32>} : memref<32x1024xf32, #tpu.memory_space<vmem>>, vector<16xf32>,
          %parallel_loop3A_378 = arith.mulf %parallel_loop3A_377, %parallel_loop3A_199 : vector<16xf32>
          %parallel_loop3A_379 = arith.addf %parallel_loop3A_331, %parallel_loop3A_378 : vector<16xf32>
          %parallel_loop3A_380 = arith.constant 30 : i32
          %parallel_loop3A_381 = arith.index_cast %parallel_loop3A_380 : i32 to index
          %parallel_loop3A_382 = arith.index_cast %parallel_loop3A_189 : i32 to index
          %parallel_loop3A_383 = tpu.vector_load %arg5[%parallel_loop3A_381, %parallel_loop3A_382] {strides = array<i32>} : memref<32x1024xf32, #tpu.memory_space<vmem>>, vector<16xf32>,
          %parallel_loop3A_384 = arith.mulf %parallel_loop3A_383, %parallel_loop3A_199 : vector<16xf32>
          %parallel_loop3A_385 = arith.addf %parallel_loop3A_337, %parallel_loop3A_384 : vector<16xf32>
          %parallel_loop3A_386 = arith.constant 31 : i32
          %parallel_loop3A_387 = arith.index_cast %parallel_loop3A_386 : i32 to index
          %parallel_loop3A_388 = arith.index_cast %parallel_loop3A_189 : i32 to index
          %parallel_loop3A_389 = tpu.vector_load %arg5[%parallel_loop3A_387, %parallel_loop3A_388] {strides = array<i32>} : memref<32x1024xf32, #tpu.memory_space<vmem>>, vector<16xf32>,
          %parallel_loop3A_390 = arith.mulf %parallel_loop3A_389, %parallel_loop3A_199 : vector<16xf32>
          %parallel_loop3A_391 = arith.addf %parallel_loop3A_343, %parallel_loop3A_390 : vector<16xf32>
          scf.yield %parallel_loop3A_349, %parallel_loop3A_355, %parallel_loop3A_361, %parallel_loop3A_367, %parallel_loop3A_373, %parallel_loop3A_379, %parallel_loop3A_385, %parallel_loop3A_391 : vector<16xf32>, vector<16xf32>, vector<16xf32>, vector<16xf32>, vector<16xf32>, vector<16xf32>, vector<16xf32>, vector<16xf32>
        } {sc.loop_unroll_factor = 2 : i64, sc.parallel_access}
        %add3A_141 = arith.addf %parallel_loop3A_140#0, %parallel_loop3A_140#1 : vector<16xf32>
        %add3A_142 = arith.addf %parallel_loop3A_140#2, %parallel_loop3A_140#3 : vector<16xf32>
        %add3A_143 = arith.addf %parallel_loop3A_140#4, %parallel_loop3A_140#5 : vector<16xf32>
        %add3A_144 = arith.addf %parallel_loop3A_140#6, %parallel_loop3A_140#7 : vector<16xf32>
        %add3A_145 = arith.addf %add3A_141, %add3A_142 : vector<16xf32>
        %add3A_146 = arith.addf %add3A_143, %add3A_144 : vector<16xf32>
        %add3A_147 = arith.addf %add3A_145, %add3A_146 : vector<16xf32>
        %get3A_148 = arith.constant 0 : index
        %get3A_149 = tpu.vector_load %arg11[%get3A_148] {strides = array<i32>} : memref<16xf32, #tpu.memory_space<vmem>>, vector<16xf32>,
        %add3A_150 = arith.addf %get3A_149, %add3A_147 : vector<16xf32>
        %swap3A_151 = arith.constant 0 : index
        %swap3A_152 = tpu.vector_load %arg11[%swap3A_151] {strides = array<i32>} : memref<16xf32, #tpu.memory_space<vmem>>, vector<16xf32>,
        tpu.vector_store %arg11[%swap3A_151], %add3A_150 {strides = array<i32>} : memref<16xf32, #tpu.memory_space<vmem>>, vector<16xf32>,
        %shift_right_arithmetic3A = arith.constant 4 : i32
        %shift_right_arithmetic3A_153 = arith.shrsi %while3A_103, %shift_right_arithmetic3A : i32
        %shift_left3A = arith.constant 4 : i32
        %shift_left3A_154 = arith.shli %shift_right_arithmetic3A_153, %shift_left3A : i32
        %get3A_155 = arith.index_cast %shift_left3A_154 : i32 to index
        %get3A_156 = tpu.vector_load %arg10[%get3A_155] {strides = array<i32>} : memref<128xi32, #tpu.memory_space<vmem>>, vector<16xi32>,
        %ne3A_157 = arith.constant 0 : i32
        %ne3A_158 = vector.broadcast %ne3A_157 : i32 to vector<16xi32>
        %ne3A_159 = arith.cmpi ne, %get3A_156, %ne3A_158 : vector<16xi32>
        %and3A_160 = arith.constant 15 : i32
        %and3A_161 = arith.andi %while3A_103, %and3A_160 : i32
        %eq3A_162 = vector.broadcast %and3A_161 : i32 to vector<16xi32>
        %eq3A_163 = arith.cmpi eq, %iota3A, %eq3A_162 : vector<16xi32>
        %and3A_164 = arith.andi %ne3A_159, %eq3A_163 : vector<16xi1>
        %reduce_or3A = arith.constant 1.000000e+00 : f32
        %reduce_or3A_165 = arith.constant 0.000000e+00 : f32
        %reduce_or3A_166 = vector.broadcast %reduce_or3A : f32 to vector<16xf32>
        %reduce_or3A_167 = vector.broadcast %reduce_or3A_165 : f32 to vector<16xf32>
        %reduce_or3A_168 = arith.select %and3A_164, %reduce_or3A_166, %reduce_or3A_167 : vector<16xi1>, vector<16xf32>
        %reduce_or3A_169 = arith.constant true
        %reduce_or3A_170 = vector.broadcast %reduce_or3A_169 : i1 to vector<16xi1>
        %reduce_or3A_171 = tpu.scan <max>, %reduce_or3A_168 masked %reduce_or3A_170 : vector<16xf32>, vector<16xi1> -> vector<16xf32>
        %reduce_or3A_172 = vector.extract %reduce_or3A_171[15] : f32 from vector<16xf32>
        %reduce_or3A_173 = arith.constant 0.000000e+00 : f32
        %reduce_or3A_174 = arith.cmpf ogt, %reduce_or3A_172, %reduce_or3A_173 : f32
        %convert_element_type3A_175 = arith.extui %reduce_or3A_174 : i1 to i32
        %cond3A_176 = arith.constant 0 : i32
        %cond3A_177 = arith.cmpi ne, %convert_element_type3A_175, %cond3A_176 : i32
        scf.if %cond3A_177 {
          %broadcast_in_dim3A_189 = vector.broadcast %add3A_119 : i32 to vector<16xi32>
          %scan3A_190 = arith.constant 0 : i32
          %scan3A_191 = arith.constant 0 : i32
          %scan3A_192 = arith.constant 64 : i32
          %scan3A_193 = arith.addi %scan3A_191, %scan3A_192 : i32
          %scan3A_194 = arith.constant 1 : i32
          scf.for %scan3A_196 = %scan3A_191 to %scan3A_193 step %scan3A_194  : i32 {
            %mul3A_197 = arith.constant 16 : i32
            %mul3A_198 = arith.muli %scan3A_196, %mul3A_197 : i32
            %get3A_199 = arith.index_cast %mul3A_198 : i32 to index
            %get3A_200 = tpu.vector_load %arg8[%get3A_199] {strides = array<i32>} : memref<1024xi32, #tpu.memory_space<vmem>>, vector<16xi32>,
            %ne3A_201 = arith.constant 0 : i32
            %ne3A_202 = vector.broadcast %ne3A_201 : i32 to vector<16xi32>
            %ne3A_203 = arith.cmpi ne, %get3A_200, %ne3A_202 : vector<16xi32>
            %shift_right_logical3A = arith.constant 5 : i32
            %shift_right_logical3A_204 = vector.broadcast %shift_right_logical3A : i32 to vector<16xi32>
            %shift_right_logical3A_205 = arith.shrui %get3A_200, %shift_right_logical3A_204 : vector<16xi32>
            %eq3A_206 = arith.cmpi eq, %shift_right_logical3A_205, %broadcast_in_dim3A_189 : vector<16xi32>
            %and3A_207 = arith.andi %ne3A_203, %eq3A_206 : vector<16xi1>
            %and3A_208 = arith.constant 31 : i32
            %and3A_209 = vector.broadcast %and3A_208 : i32 to vector<16xi32>
            %and3A_210 = arith.andi %get3A_200, %and3A_209 : vector<16xi32>
            %mul3A_211 = arith.constant 16 : i32
            %mul3A_212 = arith.muli %scan3A_196, %mul3A_211 : i32
            %add3A_213 = vector.broadcast %mul3A_212 : i32 to vector<16xi32>
            %add3A_214 = arith.addi %add3A_213, %iota3A : vector<16xi32>
            %gather3A = tpu.vector_load_idx %arg5[%and3A_210, %add3A_214] : memref<32x1024xf32, #tpu.memory_space<vmem>>[vector<16xi32>, vector<16xi32>], vector<16xf32>,
            %get3A_215 = arith.constant 0 : index
            %get3A_216 = tpu.vector_load %arg12[%get3A_215] {strides = array<i32>} : memref<16xf32, #tpu.memory_space<vmem>>, vector<16xf32>,
            %jit3A_217 = arith.constant 0.000000e+00 : f32
            %broadcast_in_dim3A_218 = vector.broadcast %jit3A_217 : f32 to vector<16xf32>
            %select_n3A_219 = arith.select %and3A_207, %gather3A, %broadcast_in_dim3A_218 : vector<16xi1>, vector<16xf32>
            %add3A_220 = arith.addf %get3A_216, %select_n3A_219 : vector<16xf32>
            %swap3A_221 = arith.constant 0 : index
            %swap3A_222 = tpu.vector_load %arg12[%swap3A_221] {strides = array<i32>} : memref<16xf32, #tpu.memory_space<vmem>>, vector<16xf32>,
            tpu.vector_store %arg12[%swap3A_221], %add3A_220 {strides = array<i32>} : memref<16xf32, #tpu.memory_space<vmem>>, vector<16xf32>,
          }
          %scan3A_195 = arith.constant 64 : i32
        } else {
        }
        %eq3A_178 = arith.constant 0 : i32
        %eq3A_179 = arith.cmpi eq, %add3A_119, %eq3A_178 : i32
        %convert_element_type3A_180 = arith.extui %eq3A_179 : i1 to i32
        %cond3A_181 = arith.constant 0 : i32
        %cond3A_182 = arith.cmpi ne, %convert_element_type3A_180, %cond3A_181 : i32
        scf.if %cond3A_182 {
          %scan3A_189 = arith.constant 0 : i32
          %scan3A_190 = arith.constant 0 : i32
          %scan3A_191 = arith.constant 64 : i32
          %scan3A_192 = arith.addi %scan3A_190, %scan3A_191 : i32
          %scan3A_193 = arith.constant 1 : i32
          scf.for %scan3A_195 = %scan3A_190 to %scan3A_192 step %scan3A_193  : i32 {
            %get3A_196 = arith.constant 0 : index
            %get3A_197 = tpu.vector_load %arg13[%get3A_196] {strides = array<i32>} : memref<16xf32, #tpu.memory_space<vmem>>, vector<16xf32>,
            %mul3A_198 = arith.constant 16 : i32
            %mul3A_199 = arith.muli %scan3A_195, %mul3A_198 : i32
            %get3A_200 = arith.constant 0 : i32
            %get3A_201 = arith.index_cast %get3A_200 : i32 to index
            %get3A_202 = arith.index_cast %mul3A_199 : i32 to index
            %get3A_203 = tpu.vector_load %arg5[%get3A_201, %get3A_202] {strides = array<i32>} : memref<32x1024xf32, #tpu.memory_space<vmem>>, vector<16xf32>,
            %mul3A_204 = arith.constant 16 : i32
            %mul3A_205 = arith.muli %scan3A_195, %mul3A_204 : i32
            %get3A_206 = arith.index_cast %mul3A_205 : i32 to index
            %get3A_207 = tpu.vector_load %arg9[%get3A_206] {strides = array<i32>} : memref<1024xf32, #tpu.memory_space<vmem>>, vector<16xf32>,
            %mul3A_208 = arith.mulf %get3A_203, %get3A_207 : vector<16xf32>
            %add3A_209 = arith.addf %get3A_197, %mul3A_208 : vector<16xf32>
            %swap3A_210 = arith.constant 0 : index
            %swap3A_211 = tpu.vector_load %arg13[%swap3A_210] {strides = array<i32>} : memref<16xf32, #tpu.memory_space<vmem>>, vector<16xf32>,
            tpu.vector_store %arg13[%swap3A_210], %add3A_209 {strides = array<i32>} : memref<16xf32, #tpu.memory_space<vmem>>, vector<16xf32>,
          }
          %scan3A_194 = arith.constant 64 : i32
        } else {
        }
        %add3A_183 = arith.constant 3 : i32
        %add3A_184 = arith.addi %while3A_103, %add3A_183 : i32
        %lt3A_185 = arith.cmpi slt, %add3A_184, %add3A_4 : i32
        %convert_element_type3A_186 = arith.extui %lt3A_185 : i1 to i32
        %cond3A_187 = arith.constant 0 : i32
        %cond3A_188 = arith.cmpi ne, %convert_element_type3A_186, %cond3A_187 : i32
        scf.if %cond3A_188 {
          %mul3A_189 = arith.constant 32 : i32
          %mul3A_190 = arith.muli %add3A_184, %mul3A_189 : i32
          %add3A_191 = arith.addi %add3A, %mul3A_190 : i32
          %mul3A_192 = arith.constant 32 : i32
          %mul3A_193 = arith.muli %add3A_191, %mul3A_192 : i32
          %dma_start3A_194 = arith.constant 0 : i32
          %dma_start3A_195 = tpu.memref_slice %arg2[%mul3A_193, %dma_start3A_194] : memref<100000x1024xf32, #tpu.memory_space<hbm>> -> memref<32x1024xf32, #tpu.memory_space<hbm>>
          %dma_start3A_196 = arith.constant 0 : i32
          %dma_start3A_197 = tpu.memref_slice %arg2[%mul3A_193, %dma_start3A_196] : memref<100000x1024xf32, #tpu.memory_space<hbm>> -> memref<32x1024xf32, #tpu.memory_space<hbm>>
          tpu.enqueue_dma source(%dma_start3A_197 : memref<32x1024xf32, #tpu.memory_space<hbm>>) target(%arg5 : memref<32x1024xf32, #tpu.memory_space<vmem>>) target_semaphore(%arg15 : memref<!tpu.dma_semaphore, #tpu.memory_space<semaphore_mem>>)
        } else {
        }
      } else {
      }
      %eq3A_123 = arith.constant 1 : i32
      %eq3A_124 = arith.cmpi eq, %select_n3A_116, %eq3A_123 : i32
      %convert_element_type3A_125 = arith.extui %eq3A_124 : i1 to i32
      %cond3A_126 = arith.constant 0 : i32
      %cond3A_127 = arith.cmpi ne, %convert_element_type3A_125, %cond3A_126 : i32
      scf.if %cond3A_127 {
        %dma_wait3A = arith.constant 0 : i32
        %dma_wait3A_133 = arith.constant 0 : i32
        %dma_wait3A_134 = tpu.memref_slice %arg2[%dma_wait3A, %dma_wait3A_133] : memref<100000x1024xf32, #tpu.memory_space<hbm>> -> memref<32x1024xf32, #tpu.memory_space<hbm>>
        %dma_wait3A_135 = arith.constant 0 : i32
        %dma_wait3A_136 = arith.constant 0 : i32
        %dma_wait3A_137 = tpu.memref_slice %arg2[%dma_wait3A_135, %dma_wait3A_136] : memref<100000x1024xf32, #tpu.memory_space<hbm>> -> memref<32x1024xf32, #tpu.memory_space<hbm>>
        tpu.wait_dma2 semaphore(%arg16 : memref<!tpu.dma_semaphore, #tpu.memory_space<semaphore_mem>>) src(%dma_wait3A_137 : memref<32x1024xf32, #tpu.memory_space<hbm>>) dst(%arg6 : memref<32x1024xf32, #tpu.memory_space<vmem>>)
        %parallel_loop3A = arith.constant 0 : i32
        %parallel_loop3A_138 = arith.constant 1024 : i32
        %parallel_loop3A_139 = arith.constant 16 : i32
        %parallel_loop3A_140:8 = scf.for %parallel_loop3A_189 = %parallel_loop3A to %parallel_loop3A_138 step %parallel_loop3A_139 iter_args(%parallel_loop3A_190 = %broadcast_in_dim3A_5, %parallel_loop3A_191 = %broadcast_in_dim3A_5, %parallel_loop3A_192 = %broadcast_in_dim3A_5, %parallel_loop3A_193 = %broadcast_in_dim3A_5, %parallel_loop3A_194 = %broadcast_in_dim3A_5, %parallel_loop3A_195 = %broadcast_in_dim3A_5, %parallel_loop3A_196 = %broadcast_in_dim3A_5, %parallel_loop3A_197 = %broadcast_in_dim3A_5) -> (vector<16xf32>, vector<16xf32>, vector<16xf32>, vector<16xf32>, vector<16xf32>, vector<16xf32>, vector<16xf32>, vector<16xf32>)  : i32 {
          %parallel_loop3A_198 = arith.index_cast %parallel_loop3A_189 : i32 to index
          %parallel_loop3A_199 = tpu.vector_load %arg9[%parallel_loop3A_198] {strides = array<i32>} : memref<1024xf32, #tpu.memory_space<vmem>>, vector<16xf32>,
          %parallel_loop3A_200 = arith.constant 0 : i32
          %parallel_loop3A_201 = arith.index_cast %parallel_loop3A_200 : i32 to index
          %parallel_loop3A_202 = arith.index_cast %parallel_loop3A_189 : i32 to index
          %parallel_loop3A_203 = tpu.vector_load %arg6[%parallel_loop3A_201, %parallel_loop3A_202] {strides = array<i32>} : memref<32x1024xf32, #tpu.memory_space<vmem>>, vector<16xf32>,
          %parallel_loop3A_204 = arith.mulf %parallel_loop3A_203, %parallel_loop3A_199 : vector<16xf32>
          %parallel_loop3A_205 = arith.addf %parallel_loop3A_190, %parallel_loop3A_204 : vector<16xf32>
          %parallel_loop3A_206 = arith.constant 1 : i32
          %parallel_loop3A_207 = arith.index_cast %parallel_loop3A_206 : i32 to index
          %parallel_loop3A_208 = arith.index_cast %parallel_loop3A_189 : i32 to index
          %parallel_loop3A_209 = tpu.vector_load %arg6[%parallel_loop3A_207, %parallel_loop3A_208] {strides = array<i32>} : memref<32x1024xf32, #tpu.memory_space<vmem>>, vector<16xf32>,
          %parallel_loop3A_210 = arith.mulf %parallel_loop3A_209, %parallel_loop3A_199 : vector<16xf32>
          %parallel_loop3A_211 = arith.addf %parallel_loop3A_191, %parallel_loop3A_210 : vector<16xf32>
          %parallel_loop3A_212 = arith.constant 2 : i32
          %parallel_loop3A_213 = arith.index_cast %parallel_loop3A_212 : i32 to index
          %parallel_loop3A_214 = arith.index_cast %parallel_loop3A_189 : i32 to index
          %parallel_loop3A_215 = tpu.vector_load %arg6[%parallel_loop3A_213, %parallel_loop3A_214] {strides = array<i32>} : memref<32x1024xf32, #tpu.memory_space<vmem>>, vector<16xf32>,
          %parallel_loop3A_216 = arith.mulf %parallel_loop3A_215, %parallel_loop3A_199 : vector<16xf32>
          %parallel_loop3A_217 = arith.addf %parallel_loop3A_192, %parallel_loop3A_216 : vector<16xf32>
          %parallel_loop3A_218 = arith.constant 3 : i32
          %parallel_loop3A_219 = arith.index_cast %parallel_loop3A_218 : i32 to index
          %parallel_loop3A_220 = arith.index_cast %parallel_loop3A_189 : i32 to index
          %parallel_loop3A_221 = tpu.vector_load %arg6[%parallel_loop3A_219, %parallel_loop3A_220] {strides = array<i32>} : memref<32x1024xf32, #tpu.memory_space<vmem>>, vector<16xf32>,
          %parallel_loop3A_222 = arith.mulf %parallel_loop3A_221, %parallel_loop3A_199 : vector<16xf32>
          %parallel_loop3A_223 = arith.addf %parallel_loop3A_193, %parallel_loop3A_222 : vector<16xf32>
          %parallel_loop3A_224 = arith.constant 4 : i32
          %parallel_loop3A_225 = arith.index_cast %parallel_loop3A_224 : i32 to index
          %parallel_loop3A_226 = arith.index_cast %parallel_loop3A_189 : i32 to index
          %parallel_loop3A_227 = tpu.vector_load %arg6[%parallel_loop3A_225, %parallel_loop3A_226] {strides = array<i32>} : memref<32x1024xf32, #tpu.memory_space<vmem>>, vector<16xf32>,
          %parallel_loop3A_228 = arith.mulf %parallel_loop3A_227, %parallel_loop3A_199 : vector<16xf32>
          %parallel_loop3A_229 = arith.addf %parallel_loop3A_194, %parallel_loop3A_228 : vector<16xf32>
          %parallel_loop3A_230 = arith.constant 5 : i32
          %parallel_loop3A_231 = arith.index_cast %parallel_loop3A_230 : i32 to index
          %parallel_loop3A_232 = arith.index_cast %parallel_loop3A_189 : i32 to index
          %parallel_loop3A_233 = tpu.vector_load %arg6[%parallel_loop3A_231, %parallel_loop3A_232] {strides = array<i32>} : memref<32x1024xf32, #tpu.memory_space<vmem>>, vector<16xf32>,
          %parallel_loop3A_234 = arith.mulf %parallel_loop3A_233, %parallel_loop3A_199 : vector<16xf32>
          %parallel_loop3A_235 = arith.addf %parallel_loop3A_195, %parallel_loop3A_234 : vector<16xf32>
          %parallel_loop3A_236 = arith.constant 6 : i32
          %parallel_loop3A_237 = arith.index_cast %parallel_loop3A_236 : i32 to index
          %parallel_loop3A_238 = arith.index_cast %parallel_loop3A_189 : i32 to index
          %parallel_loop3A_239 = tpu.vector_load %arg6[%parallel_loop3A_237, %parallel_loop3A_238] {strides = array<i32>} : memref<32x1024xf32, #tpu.memory_space<vmem>>, vector<16xf32>,
          %parallel_loop3A_240 = arith.mulf %parallel_loop3A_239, %parallel_loop3A_199 : vector<16xf32>
          %parallel_loop3A_241 = arith.addf %parallel_loop3A_196, %parallel_loop3A_240 : vector<16xf32>
          %parallel_loop3A_242 = arith.constant 7 : i32
          %parallel_loop3A_243 = arith.index_cast %parallel_loop3A_242 : i32 to index
          %parallel_loop3A_244 = arith.index_cast %parallel_loop3A_189 : i32 to index
          %parallel_loop3A_245 = tpu.vector_load %arg6[%parallel_loop3A_243, %parallel_loop3A_244] {strides = array<i32>} : memref<32x1024xf32, #tpu.memory_space<vmem>>, vector<16xf32>,
          %parallel_loop3A_246 = arith.mulf %parallel_loop3A_245, %parallel_loop3A_199 : vector<16xf32>
          %parallel_loop3A_247 = arith.addf %parallel_loop3A_197, %parallel_loop3A_246 : vector<16xf32>
          %parallel_loop3A_248 = arith.constant 8 : i32
          %parallel_loop3A_249 = arith.index_cast %parallel_loop3A_248 : i32 to index
          %parallel_loop3A_250 = arith.index_cast %parallel_loop3A_189 : i32 to index
          %parallel_loop3A_251 = tpu.vector_load %arg6[%parallel_loop3A_249, %parallel_loop3A_250] {strides = array<i32>} : memref<32x1024xf32, #tpu.memory_space<vmem>>, vector<16xf32>,
          %parallel_loop3A_252 = arith.mulf %parallel_loop3A_251, %parallel_loop3A_199 : vector<16xf32>
          %parallel_loop3A_253 = arith.addf %parallel_loop3A_205, %parallel_loop3A_252 : vector<16xf32>
          %parallel_loop3A_254 = arith.constant 9 : i32
          %parallel_loop3A_255 = arith.index_cast %parallel_loop3A_254 : i32 to index
          %parallel_loop3A_256 = arith.index_cast %parallel_loop3A_189 : i32 to index
          %parallel_loop3A_257 = tpu.vector_load %arg6[%parallel_loop3A_255, %parallel_loop3A_256] {strides = array<i32>} : memref<32x1024xf32, #tpu.memory_space<vmem>>, vector<16xf32>,
          %parallel_loop3A_258 = arith.mulf %parallel_loop3A_257, %parallel_loop3A_199 : vector<16xf32>
          %parallel_loop3A_259 = arith.addf %parallel_loop3A_211, %parallel_loop3A_258 : vector<16xf32>
          %parallel_loop3A_260 = arith.constant 10 : i32
          %parallel_loop3A_261 = arith.index_cast %parallel_loop3A_260 : i32 to index
          %parallel_loop3A_262 = arith.index_cast %parallel_loop3A_189 : i32 to index
          %parallel_loop3A_263 = tpu.vector_load %arg6[%parallel_loop3A_261, %parallel_loop3A_262] {strides = array<i32>} : memref<32x1024xf32, #tpu.memory_space<vmem>>, vector<16xf32>,
          %parallel_loop3A_264 = arith.mulf %parallel_loop3A_263, %parallel_loop3A_199 : vector<16xf32>
          %parallel_loop3A_265 = arith.addf %parallel_loop3A_217, %parallel_loop3A_264 : vector<16xf32>
          %parallel_loop3A_266 = arith.constant 11 : i32
          %parallel_loop3A_267 = arith.index_cast %parallel_loop3A_266 : i32 to index
          %parallel_loop3A_268 = arith.index_cast %parallel_loop3A_189 : i32 to index
          %parallel_loop3A_269 = tpu.vector_load %arg6[%parallel_loop3A_267, %parallel_loop3A_268] {strides = array<i32>} : memref<32x1024xf32, #tpu.memory_space<vmem>>, vector<16xf32>,
          %parallel_loop3A_270 = arith.mulf %parallel_loop3A_269, %parallel_loop3A_199 : vector<16xf32>
          %parallel_loop3A_271 = arith.addf %parallel_loop3A_223, %parallel_loop3A_270 : vector<16xf32>
          %parallel_loop3A_272 = arith.constant 12 : i32
          %parallel_loop3A_273 = arith.index_cast %parallel_loop3A_272 : i32 to index
          %parallel_loop3A_274 = arith.index_cast %parallel_loop3A_189 : i32 to index
          %parallel_loop3A_275 = tpu.vector_load %arg6[%parallel_loop3A_273, %parallel_loop3A_274] {strides = array<i32>} : memref<32x1024xf32, #tpu.memory_space<vmem>>, vector<16xf32>,
          %parallel_loop3A_276 = arith.mulf %parallel_loop3A_275, %parallel_loop3A_199 : vector<16xf32>
          %parallel_loop3A_277 = arith.addf %parallel_loop3A_229, %parallel_loop3A_276 : vector<16xf32>
          %parallel_loop3A_278 = arith.constant 13 : i32
          %parallel_loop3A_279 = arith.index_cast %parallel_loop3A_278 : i32 to index
          %parallel_loop3A_280 = arith.index_cast %parallel_loop3A_189 : i32 to index
          %parallel_loop3A_281 = tpu.vector_load %arg6[%parallel_loop3A_279, %parallel_loop3A_280] {strides = array<i32>} : memref<32x1024xf32, #tpu.memory_space<vmem>>, vector<16xf32>,
          %parallel_loop3A_282 = arith.mulf %parallel_loop3A_281, %parallel_loop3A_199 : vector<16xf32>
          %parallel_loop3A_283 = arith.addf %parallel_loop3A_235, %parallel_loop3A_282 : vector<16xf32>
          %parallel_loop3A_284 = arith.constant 14 : i32
          %parallel_loop3A_285 = arith.index_cast %parallel_loop3A_284 : i32 to index
          %parallel_loop3A_286 = arith.index_cast %parallel_loop3A_189 : i32 to index
          %parallel_loop3A_287 = tpu.vector_load %arg6[%parallel_loop3A_285, %parallel_loop3A_286] {strides = array<i32>} : memref<32x1024xf32, #tpu.memory_space<vmem>>, vector<16xf32>,
          %parallel_loop3A_288 = arith.mulf %parallel_loop3A_287, %parallel_loop3A_199 : vector<16xf32>
          %parallel_loop3A_289 = arith.addf %parallel_loop3A_241, %parallel_loop3A_288 : vector<16xf32>
          %parallel_loop3A_290 = arith.constant 15 : i32
          %parallel_loop3A_291 = arith.index_cast %parallel_loop3A_290 : i32 to index
          %parallel_loop3A_292 = arith.index_cast %parallel_loop3A_189 : i32 to index
          %parallel_loop3A_293 = tpu.vector_load %arg6[%parallel_loop3A_291, %parallel_loop3A_292] {strides = array<i32>} : memref<32x1024xf32, #tpu.memory_space<vmem>>, vector<16xf32>,
          %parallel_loop3A_294 = arith.mulf %parallel_loop3A_293, %parallel_loop3A_199 : vector<16xf32>
          %parallel_loop3A_295 = arith.addf %parallel_loop3A_247, %parallel_loop3A_294 : vector<16xf32>
          %parallel_loop3A_296 = arith.constant 16 : i32
          %parallel_loop3A_297 = arith.index_cast %parallel_loop3A_296 : i32 to index
          %parallel_loop3A_298 = arith.index_cast %parallel_loop3A_189 : i32 to index
          %parallel_loop3A_299 = tpu.vector_load %arg6[%parallel_loop3A_297, %parallel_loop3A_298] {strides = array<i32>} : memref<32x1024xf32, #tpu.memory_space<vmem>>, vector<16xf32>,
          %parallel_loop3A_300 = arith.mulf %parallel_loop3A_299, %parallel_loop3A_199 : vector<16xf32>
          %parallel_loop3A_301 = arith.addf %parallel_loop3A_253, %parallel_loop3A_300 : vector<16xf32>
          %parallel_loop3A_302 = arith.constant 17 : i32
          %parallel_loop3A_303 = arith.index_cast %parallel_loop3A_302 : i32 to index
          %parallel_loop3A_304 = arith.index_cast %parallel_loop3A_189 : i32 to index
          %parallel_loop3A_305 = tpu.vector_load %arg6[%parallel_loop3A_303, %parallel_loop3A_304] {strides = array<i32>} : memref<32x1024xf32, #tpu.memory_space<vmem>>, vector<16xf32>,
          %parallel_loop3A_306 = arith.mulf %parallel_loop3A_305, %parallel_loop3A_199 : vector<16xf32>
          %parallel_loop3A_307 = arith.addf %parallel_loop3A_259, %parallel_loop3A_306 : vector<16xf32>
          %parallel_loop3A_308 = arith.constant 18 : i32
          %parallel_loop3A_309 = arith.index_cast %parallel_loop3A_308 : i32 to index
          %parallel_loop3A_310 = arith.index_cast %parallel_loop3A_189 : i32 to index
          %parallel_loop3A_311 = tpu.vector_load %arg6[%parallel_loop3A_309, %parallel_loop3A_310] {strides = array<i32>} : memref<32x1024xf32, #tpu.memory_space<vmem>>, vector<16xf32>,
          %parallel_loop3A_312 = arith.mulf %parallel_loop3A_311, %parallel_loop3A_199 : vector<16xf32>
          %parallel_loop3A_313 = arith.addf %parallel_loop3A_265, %parallel_loop3A_312 : vector<16xf32>
          %parallel_loop3A_314 = arith.constant 19 : i32
          %parallel_loop3A_315 = arith.index_cast %parallel_loop3A_314 : i32 to index
          %parallel_loop3A_316 = arith.index_cast %parallel_loop3A_189 : i32 to index
          %parallel_loop3A_317 = tpu.vector_load %arg6[%parallel_loop3A_315, %parallel_loop3A_316] {strides = array<i32>} : memref<32x1024xf32, #tpu.memory_space<vmem>>, vector<16xf32>,
          %parallel_loop3A_318 = arith.mulf %parallel_loop3A_317, %parallel_loop3A_199 : vector<16xf32>
          %parallel_loop3A_319 = arith.addf %parallel_loop3A_271, %parallel_loop3A_318 : vector<16xf32>
          %parallel_loop3A_320 = arith.constant 20 : i32
          %parallel_loop3A_321 = arith.index_cast %parallel_loop3A_320 : i32 to index
          %parallel_loop3A_322 = arith.index_cast %parallel_loop3A_189 : i32 to index
          %parallel_loop3A_323 = tpu.vector_load %arg6[%parallel_loop3A_321, %parallel_loop3A_322] {strides = array<i32>} : memref<32x1024xf32, #tpu.memory_space<vmem>>, vector<16xf32>,
          %parallel_loop3A_324 = arith.mulf %parallel_loop3A_323, %parallel_loop3A_199 : vector<16xf32>
          %parallel_loop3A_325 = arith.addf %parallel_loop3A_277, %parallel_loop3A_324 : vector<16xf32>
          %parallel_loop3A_326 = arith.constant 21 : i32
          %parallel_loop3A_327 = arith.index_cast %parallel_loop3A_326 : i32 to index
          %parallel_loop3A_328 = arith.index_cast %parallel_loop3A_189 : i32 to index
          %parallel_loop3A_329 = tpu.vector_load %arg6[%parallel_loop3A_327, %parallel_loop3A_328] {strides = array<i32>} : memref<32x1024xf32, #tpu.memory_space<vmem>>, vector<16xf32>,
          %parallel_loop3A_330 = arith.mulf %parallel_loop3A_329, %parallel_loop3A_199 : vector<16xf32>
          %parallel_loop3A_331 = arith.addf %parallel_loop3A_283, %parallel_loop3A_330 : vector<16xf32>
          %parallel_loop3A_332 = arith.constant 22 : i32
          %parallel_loop3A_333 = arith.index_cast %parallel_loop3A_332 : i32 to index
          %parallel_loop3A_334 = arith.index_cast %parallel_loop3A_189 : i32 to index
          %parallel_loop3A_335 = tpu.vector_load %arg6[%parallel_loop3A_333, %parallel_loop3A_334] {strides = array<i32>} : memref<32x1024xf32, #tpu.memory_space<vmem>>, vector<16xf32>,
          %parallel_loop3A_336 = arith.mulf %parallel_loop3A_335, %parallel_loop3A_199 : vector<16xf32>
          %parallel_loop3A_337 = arith.addf %parallel_loop3A_289, %parallel_loop3A_336 : vector<16xf32>
          %parallel_loop3A_338 = arith.constant 23 : i32
          %parallel_loop3A_339 = arith.index_cast %parallel_loop3A_338 : i32 to index
          %parallel_loop3A_340 = arith.index_cast %parallel_loop3A_189 : i32 to index
          %parallel_loop3A_341 = tpu.vector_load %arg6[%parallel_loop3A_339, %parallel_loop3A_340] {strides = array<i32>} : memref<32x1024xf32, #tpu.memory_space<vmem>>, vector<16xf32>,
          %parallel_loop3A_342 = arith.mulf %parallel_loop3A_341, %parallel_loop3A_199 : vector<16xf32>
          %parallel_loop3A_343 = arith.addf %parallel_loop3A_295, %parallel_loop3A_342 : vector<16xf32>
          %parallel_loop3A_344 = arith.constant 24 : i32
          %parallel_loop3A_345 = arith.index_cast %parallel_loop3A_344 : i32 to index
          %parallel_loop3A_346 = arith.index_cast %parallel_loop3A_189 : i32 to index
          %parallel_loop3A_347 = tpu.vector_load %arg6[%parallel_loop3A_345, %parallel_loop3A_346] {strides = array<i32>} : memref<32x1024xf32, #tpu.memory_space<vmem>>, vector<16xf32>,
          %parallel_loop3A_348 = arith.mulf %parallel_loop3A_347, %parallel_loop3A_199 : vector<16xf32>
          %parallel_loop3A_349 = arith.addf %parallel_loop3A_301, %parallel_loop3A_348 : vector<16xf32>
          %parallel_loop3A_350 = arith.constant 25 : i32
          %parallel_loop3A_351 = arith.index_cast %parallel_loop3A_350 : i32 to index
          %parallel_loop3A_352 = arith.index_cast %parallel_loop3A_189 : i32 to index
          %parallel_loop3A_353 = tpu.vector_load %arg6[%parallel_loop3A_351, %parallel_loop3A_352] {strides = array<i32>} : memref<32x1024xf32, #tpu.memory_space<vmem>>, vector<16xf32>,
          %parallel_loop3A_354 = arith.mulf %parallel_loop3A_353, %parallel_loop3A_199 : vector<16xf32>
          %parallel_loop3A_355 = arith.addf %parallel_loop3A_307, %parallel_loop3A_354 : vector<16xf32>
          %parallel_loop3A_356 = arith.constant 26 : i32
          %parallel_loop3A_357 = arith.index_cast %parallel_loop3A_356 : i32 to index
          %parallel_loop3A_358 = arith.index_cast %parallel_loop3A_189 : i32 to index
          %parallel_loop3A_359 = tpu.vector_load %arg6[%parallel_loop3A_357, %parallel_loop3A_358] {strides = array<i32>} : memref<32x1024xf32, #tpu.memory_space<vmem>>, vector<16xf32>,
          %parallel_loop3A_360 = arith.mulf %parallel_loop3A_359, %parallel_loop3A_199 : vector<16xf32>
          %parallel_loop3A_361 = arith.addf %parallel_loop3A_313, %parallel_loop3A_360 : vector<16xf32>
          %parallel_loop3A_362 = arith.constant 27 : i32
          %parallel_loop3A_363 = arith.index_cast %parallel_loop3A_362 : i32 to index
          %parallel_loop3A_364 = arith.index_cast %parallel_loop3A_189 : i32 to index
          %parallel_loop3A_365 = tpu.vector_load %arg6[%parallel_loop3A_363, %parallel_loop3A_364] {strides = array<i32>} : memref<32x1024xf32, #tpu.memory_space<vmem>>, vector<16xf32>,
          %parallel_loop3A_366 = arith.mulf %parallel_loop3A_365, %parallel_loop3A_199 : vector<16xf32>
          %parallel_loop3A_367 = arith.addf %parallel_loop3A_319, %parallel_loop3A_366 : vector<16xf32>
          %parallel_loop3A_368 = arith.constant 28 : i32
          %parallel_loop3A_369 = arith.index_cast %parallel_loop3A_368 : i32 to index
          %parallel_loop3A_370 = arith.index_cast %parallel_loop3A_189 : i32 to index
          %parallel_loop3A_371 = tpu.vector_load %arg6[%parallel_loop3A_369, %parallel_loop3A_370] {strides = array<i32>} : memref<32x1024xf32, #tpu.memory_space<vmem>>, vector<16xf32>,
          %parallel_loop3A_372 = arith.mulf %parallel_loop3A_371, %parallel_loop3A_199 : vector<16xf32>
          %parallel_loop3A_373 = arith.addf %parallel_loop3A_325, %parallel_loop3A_372 : vector<16xf32>
          %parallel_loop3A_374 = arith.constant 29 : i32
          %parallel_loop3A_375 = arith.index_cast %parallel_loop3A_374 : i32 to index
          %parallel_loop3A_376 = arith.index_cast %parallel_loop3A_189 : i32 to index
          %parallel_loop3A_377 = tpu.vector_load %arg6[%parallel_loop3A_375, %parallel_loop3A_376] {strides = array<i32>} : memref<32x1024xf32, #tpu.memory_space<vmem>>, vector<16xf32>,
          %parallel_loop3A_378 = arith.mulf %parallel_loop3A_377, %parallel_loop3A_199 : vector<16xf32>
          %parallel_loop3A_379 = arith.addf %parallel_loop3A_331, %parallel_loop3A_378 : vector<16xf32>
          %parallel_loop3A_380 = arith.constant 30 : i32
          %parallel_loop3A_381 = arith.index_cast %parallel_loop3A_380 : i32 to index
          %parallel_loop3A_382 = arith.index_cast %parallel_loop3A_189 : i32 to index
          %parallel_loop3A_383 = tpu.vector_load %arg6[%parallel_loop3A_381, %parallel_loop3A_382] {strides = array<i32>} : memref<32x1024xf32, #tpu.memory_space<vmem>>, vector<16xf32>,
          %parallel_loop3A_384 = arith.mulf %parallel_loop3A_383, %parallel_loop3A_199 : vector<16xf32>
          %parallel_loop3A_385 = arith.addf %parallel_loop3A_337, %parallel_loop3A_384 : vector<16xf32>
          %parallel_loop3A_386 = arith.constant 31 : i32
          %parallel_loop3A_387 = arith.index_cast %parallel_loop3A_386 : i32 to index
          %parallel_loop3A_388 = arith.index_cast %parallel_loop3A_189 : i32 to index
          %parallel_loop3A_389 = tpu.vector_load %arg6[%parallel_loop3A_387, %parallel_loop3A_388] {strides = array<i32>} : memref<32x1024xf32, #tpu.memory_space<vmem>>, vector<16xf32>,
          %parallel_loop3A_390 = arith.mulf %parallel_loop3A_389, %parallel_loop3A_199 : vector<16xf32>
          %parallel_loop3A_391 = arith.addf %parallel_loop3A_343, %parallel_loop3A_390 : vector<16xf32>
          scf.yield %parallel_loop3A_349, %parallel_loop3A_355, %parallel_loop3A_361, %parallel_loop3A_367, %parallel_loop3A_373, %parallel_loop3A_379, %parallel_loop3A_385, %parallel_loop3A_391 : vector<16xf32>, vector<16xf32>, vector<16xf32>, vector<16xf32>, vector<16xf32>, vector<16xf32>, vector<16xf32>, vector<16xf32>
        } {sc.loop_unroll_factor = 2 : i64, sc.parallel_access}
        %add3A_141 = arith.addf %parallel_loop3A_140#0, %parallel_loop3A_140#1 : vector<16xf32>
        %add3A_142 = arith.addf %parallel_loop3A_140#2, %parallel_loop3A_140#3 : vector<16xf32>
        %add3A_143 = arith.addf %parallel_loop3A_140#4, %parallel_loop3A_140#5 : vector<16xf32>
        %add3A_144 = arith.addf %parallel_loop3A_140#6, %parallel_loop3A_140#7 : vector<16xf32>
        %add3A_145 = arith.addf %add3A_141, %add3A_142 : vector<16xf32>
        %add3A_146 = arith.addf %add3A_143, %add3A_144 : vector<16xf32>
        %add3A_147 = arith.addf %add3A_145, %add3A_146 : vector<16xf32>
        %get3A_148 = arith.constant 0 : index
        %get3A_149 = tpu.vector_load %arg11[%get3A_148] {strides = array<i32>} : memref<16xf32, #tpu.memory_space<vmem>>, vector<16xf32>,
        %add3A_150 = arith.addf %get3A_149, %add3A_147 : vector<16xf32>
        %swap3A_151 = arith.constant 0 : index
        %swap3A_152 = tpu.vector_load %arg11[%swap3A_151] {strides = array<i32>} : memref<16xf32, #tpu.memory_space<vmem>>, vector<16xf32>,
        tpu.vector_store %arg11[%swap3A_151], %add3A_150 {strides = array<i32>} : memref<16xf32, #tpu.memory_space<vmem>>, vector<16xf32>,
        %shift_right_arithmetic3A = arith.constant 4 : i32
        %shift_right_arithmetic3A_153 = arith.shrsi %while3A_103, %shift_right_arithmetic3A : i32
        %shift_left3A = arith.constant 4 : i32
        %shift_left3A_154 = arith.shli %shift_right_arithmetic3A_153, %shift_left3A : i32
        %get3A_155 = arith.index_cast %shift_left3A_154 : i32 to index
        %get3A_156 = tpu.vector_load %arg10[%get3A_155] {strides = array<i32>} : memref<128xi32, #tpu.memory_space<vmem>>, vector<16xi32>,
        %ne3A_157 = arith.constant 0 : i32
        %ne3A_158 = vector.broadcast %ne3A_157 : i32 to vector<16xi32>
        %ne3A_159 = arith.cmpi ne, %get3A_156, %ne3A_158 : vector<16xi32>
        %and3A_160 = arith.constant 15 : i32
        %and3A_161 = arith.andi %while3A_103, %and3A_160 : i32
        %eq3A_162 = vector.broadcast %and3A_161 : i32 to vector<16xi32>
        %eq3A_163 = arith.cmpi eq, %iota3A, %eq3A_162 : vector<16xi32>
        %and3A_164 = arith.andi %ne3A_159, %eq3A_163 : vector<16xi1>
        %reduce_or3A = arith.constant 1.000000e+00 : f32
        %reduce_or3A_165 = arith.constant 0.000000e+00 : f32
        %reduce_or3A_166 = vector.broadcast %reduce_or3A : f32 to vector<16xf32>
        %reduce_or3A_167 = vector.broadcast %reduce_or3A_165 : f32 to vector<16xf32>
        %reduce_or3A_168 = arith.select %and3A_164, %reduce_or3A_166, %reduce_or3A_167 : vector<16xi1>, vector<16xf32>
        %reduce_or3A_169 = arith.constant true
        %reduce_or3A_170 = vector.broadcast %reduce_or3A_169 : i1 to vector<16xi1>
        %reduce_or3A_171 = tpu.scan <max>, %reduce_or3A_168 masked %reduce_or3A_170 : vector<16xf32>, vector<16xi1> -> vector<16xf32>
        %reduce_or3A_172 = vector.extract %reduce_or3A_171[15] : f32 from vector<16xf32>
        %reduce_or3A_173 = arith.constant 0.000000e+00 : f32
        %reduce_or3A_174 = arith.cmpf ogt, %reduce_or3A_172, %reduce_or3A_173 : f32
        %convert_element_type3A_175 = arith.extui %reduce_or3A_174 : i1 to i32
        %cond3A_176 = arith.constant 0 : i32
        %cond3A_177 = arith.cmpi ne, %convert_element_type3A_175, %cond3A_176 : i32
        scf.if %cond3A_177 {
          %broadcast_in_dim3A_189 = vector.broadcast %add3A_119 : i32 to vector<16xi32>
          %scan3A_190 = arith.constant 0 : i32
          %scan3A_191 = arith.constant 0 : i32
          %scan3A_192 = arith.constant 64 : i32
          %scan3A_193 = arith.addi %scan3A_191, %scan3A_192 : i32
          %scan3A_194 = arith.constant 1 : i32
          scf.for %scan3A_196 = %scan3A_191 to %scan3A_193 step %scan3A_194  : i32 {
            %mul3A_197 = arith.constant 16 : i32
            %mul3A_198 = arith.muli %scan3A_196, %mul3A_197 : i32
            %get3A_199 = arith.index_cast %mul3A_198 : i32 to index
            %get3A_200 = tpu.vector_load %arg8[%get3A_199] {strides = array<i32>} : memref<1024xi32, #tpu.memory_space<vmem>>, vector<16xi32>,
            %ne3A_201 = arith.constant 0 : i32
            %ne3A_202 = vector.broadcast %ne3A_201 : i32 to vector<16xi32>
            %ne3A_203 = arith.cmpi ne, %get3A_200, %ne3A_202 : vector<16xi32>
            %shift_right_logical3A = arith.constant 5 : i32
            %shift_right_logical3A_204 = vector.broadcast %shift_right_logical3A : i32 to vector<16xi32>
            %shift_right_logical3A_205 = arith.shrui %get3A_200, %shift_right_logical3A_204 : vector<16xi32>
            %eq3A_206 = arith.cmpi eq, %shift_right_logical3A_205, %broadcast_in_dim3A_189 : vector<16xi32>
            %and3A_207 = arith.andi %ne3A_203, %eq3A_206 : vector<16xi1>
            %and3A_208 = arith.constant 31 : i32
            %and3A_209 = vector.broadcast %and3A_208 : i32 to vector<16xi32>
            %and3A_210 = arith.andi %get3A_200, %and3A_209 : vector<16xi32>
            %mul3A_211 = arith.constant 16 : i32
            %mul3A_212 = arith.muli %scan3A_196, %mul3A_211 : i32
            %add3A_213 = vector.broadcast %mul3A_212 : i32 to vector<16xi32>
            %add3A_214 = arith.addi %add3A_213, %iota3A : vector<16xi32>
            %gather3A = tpu.vector_load_idx %arg6[%and3A_210, %add3A_214] : memref<32x1024xf32, #tpu.memory_space<vmem>>[vector<16xi32>, vector<16xi32>], vector<16xf32>,
            %get3A_215 = arith.constant 0 : index
            %get3A_216 = tpu.vector_load %arg12[%get3A_215] {strides = array<i32>} : memref<16xf32, #tpu.memory_space<vmem>>, vector<16xf32>,
            %jit3A_217 = arith.constant 0.000000e+00 : f32
            %broadcast_in_dim3A_218 = vector.broadcast %jit3A_217 : f32 to vector<16xf32>
            %select_n3A_219 = arith.select %and3A_207, %gather3A, %broadcast_in_dim3A_218 : vector<16xi1>, vector<16xf32>
            %add3A_220 = arith.addf %get3A_216, %select_n3A_219 : vector<16xf32>
            %swap3A_221 = arith.constant 0 : index
            %swap3A_222 = tpu.vector_load %arg12[%swap3A_221] {strides = array<i32>} : memref<16xf32, #tpu.memory_space<vmem>>, vector<16xf32>,
            tpu.vector_store %arg12[%swap3A_221], %add3A_220 {strides = array<i32>} : memref<16xf32, #tpu.memory_space<vmem>>, vector<16xf32>,
          }
          %scan3A_195 = arith.constant 64 : i32
        } else {
        }
        %eq3A_178 = arith.constant 0 : i32
        %eq3A_179 = arith.cmpi eq, %add3A_119, %eq3A_178 : i32
        %convert_element_type3A_180 = arith.extui %eq3A_179 : i1 to i32
        %cond3A_181 = arith.constant 0 : i32
        %cond3A_182 = arith.cmpi ne, %convert_element_type3A_180, %cond3A_181 : i32
        scf.if %cond3A_182 {
          %scan3A_189 = arith.constant 0 : i32
          %scan3A_190 = arith.constant 0 : i32
          %scan3A_191 = arith.constant 64 : i32
          %scan3A_192 = arith.addi %scan3A_190, %scan3A_191 : i32
          %scan3A_193 = arith.constant 1 : i32
          scf.for %scan3A_195 = %scan3A_190 to %scan3A_192 step %scan3A_193  : i32 {
            %get3A_196 = arith.constant 0 : index
            %get3A_197 = tpu.vector_load %arg13[%get3A_196] {strides = array<i32>} : memref<16xf32, #tpu.memory_space<vmem>>, vector<16xf32>,
            %mul3A_198 = arith.constant 16 : i32
            %mul3A_199 = arith.muli %scan3A_195, %mul3A_198 : i32
            %get3A_200 = arith.constant 0 : i32
            %get3A_201 = arith.index_cast %get3A_200 : i32 to index
            %get3A_202 = arith.index_cast %mul3A_199 : i32 to index
            %get3A_203 = tpu.vector_load %arg6[%get3A_201, %get3A_202] {strides = array<i32>} : memref<32x1024xf32, #tpu.memory_space<vmem>>, vector<16xf32>,
            %mul3A_204 = arith.constant 16 : i32
            %mul3A_205 = arith.muli %scan3A_195, %mul3A_204 : i32
            %get3A_206 = arith.index_cast %mul3A_205 : i32 to index
            %get3A_207 = tpu.vector_load %arg9[%get3A_206] {strides = array<i32>} : memref<1024xf32, #tpu.memory_space<vmem>>, vector<16xf32>,
            %mul3A_208 = arith.mulf %get3A_203, %get3A_207 : vector<16xf32>
            %add3A_209 = arith.addf %get3A_197, %mul3A_208 : vector<16xf32>
            %swap3A_210 = arith.constant 0 : index
            %swap3A_211 = tpu.vector_load %arg13[%swap3A_210] {strides = array<i32>} : memref<16xf32, #tpu.memory_space<vmem>>, vector<16xf32>,
            tpu.vector_store %arg13[%swap3A_210], %add3A_209 {strides = array<i32>} : memref<16xf32, #tpu.memory_space<vmem>>, vector<16xf32>,
          }
          %scan3A_194 = arith.constant 64 : i32
        } else {
        }
        %add3A_183 = arith.constant 3 : i32
        %add3A_184 = arith.addi %while3A_103, %add3A_183 : i32
        %lt3A_185 = arith.cmpi slt, %add3A_184, %add3A_4 : i32
        %convert_element_type3A_186 = arith.extui %lt3A_185 : i1 to i32
        %cond3A_187 = arith.constant 0 : i32
        %cond3A_188 = arith.cmpi ne, %convert_element_type3A_186, %cond3A_187 : i32
        scf.if %cond3A_188 {
          %mul3A_189 = arith.constant 32 : i32
          %mul3A_190 = arith.muli %add3A_184, %mul3A_189 : i32
          %add3A_191 = arith.addi %add3A, %mul3A_190 : i32
          %mul3A_192 = arith.constant 32 : i32
          %mul3A_193 = arith.muli %add3A_191, %mul3A_192 : i32
          %dma_start3A_194 = arith.constant 0 : i32
          %dma_start3A_195 = tpu.memref_slice %arg2[%mul3A_193, %dma_start3A_194] : memref<100000x1024xf32, #tpu.memory_space<hbm>> -> memref<32x1024xf32, #tpu.memory_space<hbm>>
          %dma_start3A_196 = arith.constant 0 : i32
          %dma_start3A_197 = tpu.memref_slice %arg2[%mul3A_193, %dma_start3A_196] : memref<100000x1024xf32, #tpu.memory_space<hbm>> -> memref<32x1024xf32, #tpu.memory_space<hbm>>
          tpu.enqueue_dma source(%dma_start3A_197 : memref<32x1024xf32, #tpu.memory_space<hbm>>) target(%arg6 : memref<32x1024xf32, #tpu.memory_space<vmem>>) target_semaphore(%arg16 : memref<!tpu.dma_semaphore, #tpu.memory_space<semaphore_mem>>)
        } else {
        }
      } else {
      }
      %eq3A_128 = arith.constant 2 : i32
      %eq3A_129 = arith.cmpi eq, %select_n3A_116, %eq3A_128 : i32
      %convert_element_type3A_130 = arith.extui %eq3A_129 : i1 to i32
      %cond3A_131 = arith.constant 0 : i32
      %cond3A_132 = arith.cmpi ne, %convert_element_type3A_130, %cond3A_131 : i32
      scf.if %cond3A_132 {
        %dma_wait3A = arith.constant 0 : i32
        %dma_wait3A_133 = arith.constant 0 : i32
        %dma_wait3A_134 = tpu.memref_slice %arg2[%dma_wait3A, %dma_wait3A_133] : memref<100000x1024xf32, #tpu.memory_space<hbm>> -> memref<32x1024xf32, #tpu.memory_space<hbm>>
        %dma_wait3A_135 = arith.constant 0 : i32
        %dma_wait3A_136 = arith.constant 0 : i32
        %dma_wait3A_137 = tpu.memref_slice %arg2[%dma_wait3A_135, %dma_wait3A_136] : memref<100000x1024xf32, #tpu.memory_space<hbm>> -> memref<32x1024xf32, #tpu.memory_space<hbm>>
        tpu.wait_dma2 semaphore(%arg17 : memref<!tpu.dma_semaphore, #tpu.memory_space<semaphore_mem>>) src(%dma_wait3A_137 : memref<32x1024xf32, #tpu.memory_space<hbm>>) dst(%arg7 : memref<32x1024xf32, #tpu.memory_space<vmem>>)
        %parallel_loop3A = arith.constant 0 : i32
        %parallel_loop3A_138 = arith.constant 1024 : i32
        %parallel_loop3A_139 = arith.constant 16 : i32
        %parallel_loop3A_140:8 = scf.for %parallel_loop3A_189 = %parallel_loop3A to %parallel_loop3A_138 step %parallel_loop3A_139 iter_args(%parallel_loop3A_190 = %broadcast_in_dim3A_5, %parallel_loop3A_191 = %broadcast_in_dim3A_5, %parallel_loop3A_192 = %broadcast_in_dim3A_5, %parallel_loop3A_193 = %broadcast_in_dim3A_5, %parallel_loop3A_194 = %broadcast_in_dim3A_5, %parallel_loop3A_195 = %broadcast_in_dim3A_5, %parallel_loop3A_196 = %broadcast_in_dim3A_5, %parallel_loop3A_197 = %broadcast_in_dim3A_5) -> (vector<16xf32>, vector<16xf32>, vector<16xf32>, vector<16xf32>, vector<16xf32>, vector<16xf32>, vector<16xf32>, vector<16xf32>)  : i32 {
          %parallel_loop3A_198 = arith.index_cast %parallel_loop3A_189 : i32 to index
          %parallel_loop3A_199 = tpu.vector_load %arg9[%parallel_loop3A_198] {strides = array<i32>} : memref<1024xf32, #tpu.memory_space<vmem>>, vector<16xf32>,
          %parallel_loop3A_200 = arith.constant 0 : i32
          %parallel_loop3A_201 = arith.index_cast %parallel_loop3A_200 : i32 to index
          %parallel_loop3A_202 = arith.index_cast %parallel_loop3A_189 : i32 to index
          %parallel_loop3A_203 = tpu.vector_load %arg7[%parallel_loop3A_201, %parallel_loop3A_202] {strides = array<i32>} : memref<32x1024xf32, #tpu.memory_space<vmem>>, vector<16xf32>,
          %parallel_loop3A_204 = arith.mulf %parallel_loop3A_203, %parallel_loop3A_199 : vector<16xf32>
          %parallel_loop3A_205 = arith.addf %parallel_loop3A_190, %parallel_loop3A_204 : vector<16xf32>
          %parallel_loop3A_206 = arith.constant 1 : i32
          %parallel_loop3A_207 = arith.index_cast %parallel_loop3A_206 : i32 to index
          %parallel_loop3A_208 = arith.index_cast %parallel_loop3A_189 : i32 to index
          %parallel_loop3A_209 = tpu.vector_load %arg7[%parallel_loop3A_207, %parallel_loop3A_208] {strides = array<i32>} : memref<32x1024xf32, #tpu.memory_space<vmem>>, vector<16xf32>,
          %parallel_loop3A_210 = arith.mulf %parallel_loop3A_209, %parallel_loop3A_199 : vector<16xf32>
          %parallel_loop3A_211 = arith.addf %parallel_loop3A_191, %parallel_loop3A_210 : vector<16xf32>
          %parallel_loop3A_212 = arith.constant 2 : i32
          %parallel_loop3A_213 = arith.index_cast %parallel_loop3A_212 : i32 to index
          %parallel_loop3A_214 = arith.index_cast %parallel_loop3A_189 : i32 to index
          %parallel_loop3A_215 = tpu.vector_load %arg7[%parallel_loop3A_213, %parallel_loop3A_214] {strides = array<i32>} : memref<32x1024xf32, #tpu.memory_space<vmem>>, vector<16xf32>,
          %parallel_loop3A_216 = arith.mulf %parallel_loop3A_215, %parallel_loop3A_199 : vector<16xf32>
          %parallel_loop3A_217 = arith.addf %parallel_loop3A_192, %parallel_loop3A_216 : vector<16xf32>
          %parallel_loop3A_218 = arith.constant 3 : i32
          %parallel_loop3A_219 = arith.index_cast %parallel_loop3A_218 : i32 to index
          %parallel_loop3A_220 = arith.index_cast %parallel_loop3A_189 : i32 to index
          %parallel_loop3A_221 = tpu.vector_load %arg7[%parallel_loop3A_219, %parallel_loop3A_220] {strides = array<i32>} : memref<32x1024xf32, #tpu.memory_space<vmem>>, vector<16xf32>,
          %parallel_loop3A_222 = arith.mulf %parallel_loop3A_221, %parallel_loop3A_199 : vector<16xf32>
          %parallel_loop3A_223 = arith.addf %parallel_loop3A_193, %parallel_loop3A_222 : vector<16xf32>
          %parallel_loop3A_224 = arith.constant 4 : i32
          %parallel_loop3A_225 = arith.index_cast %parallel_loop3A_224 : i32 to index
          %parallel_loop3A_226 = arith.index_cast %parallel_loop3A_189 : i32 to index
          %parallel_loop3A_227 = tpu.vector_load %arg7[%parallel_loop3A_225, %parallel_loop3A_226] {strides = array<i32>} : memref<32x1024xf32, #tpu.memory_space<vmem>>, vector<16xf32>,
          %parallel_loop3A_228 = arith.mulf %parallel_loop3A_227, %parallel_loop3A_199 : vector<16xf32>
          %parallel_loop3A_229 = arith.addf %parallel_loop3A_194, %parallel_loop3A_228 : vector<16xf32>
          %parallel_loop3A_230 = arith.constant 5 : i32
          %parallel_loop3A_231 = arith.index_cast %parallel_loop3A_230 : i32 to index
          %parallel_loop3A_232 = arith.index_cast %parallel_loop3A_189 : i32 to index
          %parallel_loop3A_233 = tpu.vector_load %arg7[%parallel_loop3A_231, %parallel_loop3A_232] {strides = array<i32>} : memref<32x1024xf32, #tpu.memory_space<vmem>>, vector<16xf32>,
          %parallel_loop3A_234 = arith.mulf %parallel_loop3A_233, %parallel_loop3A_199 : vector<16xf32>
          %parallel_loop3A_235 = arith.addf %parallel_loop3A_195, %parallel_loop3A_234 : vector<16xf32>
          %parallel_loop3A_236 = arith.constant 6 : i32
          %parallel_loop3A_237 = arith.index_cast %parallel_loop3A_236 : i32 to index
          %parallel_loop3A_238 = arith.index_cast %parallel_loop3A_189 : i32 to index
          %parallel_loop3A_239 = tpu.vector_load %arg7[%parallel_loop3A_237, %parallel_loop3A_238] {strides = array<i32>} : memref<32x1024xf32, #tpu.memory_space<vmem>>, vector<16xf32>,
          %parallel_loop3A_240 = arith.mulf %parallel_loop3A_239, %parallel_loop3A_199 : vector<16xf32>
          %parallel_loop3A_241 = arith.addf %parallel_loop3A_196, %parallel_loop3A_240 : vector<16xf32>
          %parallel_loop3A_242 = arith.constant 7 : i32
          %parallel_loop3A_243 = arith.index_cast %parallel_loop3A_242 : i32 to index
          %parallel_loop3A_244 = arith.index_cast %parallel_loop3A_189 : i32 to index
          %parallel_loop3A_245 = tpu.vector_load %arg7[%parallel_loop3A_243, %parallel_loop3A_244] {strides = array<i32>} : memref<32x1024xf32, #tpu.memory_space<vmem>>, vector<16xf32>,
          %parallel_loop3A_246 = arith.mulf %parallel_loop3A_245, %parallel_loop3A_199 : vector<16xf32>
          %parallel_loop3A_247 = arith.addf %parallel_loop3A_197, %parallel_loop3A_246 : vector<16xf32>
          %parallel_loop3A_248 = arith.constant 8 : i32
          %parallel_loop3A_249 = arith.index_cast %parallel_loop3A_248 : i32 to index
          %parallel_loop3A_250 = arith.index_cast %parallel_loop3A_189 : i32 to index
          %parallel_loop3A_251 = tpu.vector_load %arg7[%parallel_loop3A_249, %parallel_loop3A_250] {strides = array<i32>} : memref<32x1024xf32, #tpu.memory_space<vmem>>, vector<16xf32>,
          %parallel_loop3A_252 = arith.mulf %parallel_loop3A_251, %parallel_loop3A_199 : vector<16xf32>
          %parallel_loop3A_253 = arith.addf %parallel_loop3A_205, %parallel_loop3A_252 : vector<16xf32>
          %parallel_loop3A_254 = arith.constant 9 : i32
          %parallel_loop3A_255 = arith.index_cast %parallel_loop3A_254 : i32 to index
          %parallel_loop3A_256 = arith.index_cast %parallel_loop3A_189 : i32 to index
          %parallel_loop3A_257 = tpu.vector_load %arg7[%parallel_loop3A_255, %parallel_loop3A_256] {strides = array<i32>} : memref<32x1024xf32, #tpu.memory_space<vmem>>, vector<16xf32>,
          %parallel_loop3A_258 = arith.mulf %parallel_loop3A_257, %parallel_loop3A_199 : vector<16xf32>
          %parallel_loop3A_259 = arith.addf %parallel_loop3A_211, %parallel_loop3A_258 : vector<16xf32>
          %parallel_loop3A_260 = arith.constant 10 : i32
          %parallel_loop3A_261 = arith.index_cast %parallel_loop3A_260 : i32 to index
          %parallel_loop3A_262 = arith.index_cast %parallel_loop3A_189 : i32 to index
          %parallel_loop3A_263 = tpu.vector_load %arg7[%parallel_loop3A_261, %parallel_loop3A_262] {strides = array<i32>} : memref<32x1024xf32, #tpu.memory_space<vmem>>, vector<16xf32>,
          %parallel_loop3A_264 = arith.mulf %parallel_loop3A_263, %parallel_loop3A_199 : vector<16xf32>
          %parallel_loop3A_265 = arith.addf %parallel_loop3A_217, %parallel_loop3A_264 : vector<16xf32>
          %parallel_loop3A_266 = arith.constant 11 : i32
          %parallel_loop3A_267 = arith.index_cast %parallel_loop3A_266 : i32 to index
          %parallel_loop3A_268 = arith.index_cast %parallel_loop3A_189 : i32 to index
          %parallel_loop3A_269 = tpu.vector_load %arg7[%parallel_loop3A_267, %parallel_loop3A_268] {strides = array<i32>} : memref<32x1024xf32, #tpu.memory_space<vmem>>, vector<16xf32>,
          %parallel_loop3A_270 = arith.mulf %parallel_loop3A_269, %parallel_loop3A_199 : vector<16xf32>
          %parallel_loop3A_271 = arith.addf %parallel_loop3A_223, %parallel_loop3A_270 : vector<16xf32>
          %parallel_loop3A_272 = arith.constant 12 : i32
          %parallel_loop3A_273 = arith.index_cast %parallel_loop3A_272 : i32 to index
          %parallel_loop3A_274 = arith.index_cast %parallel_loop3A_189 : i32 to index
          %parallel_loop3A_275 = tpu.vector_load %arg7[%parallel_loop3A_273, %parallel_loop3A_274] {strides = array<i32>} : memref<32x1024xf32, #tpu.memory_space<vmem>>, vector<16xf32>,
          %parallel_loop3A_276 = arith.mulf %parallel_loop3A_275, %parallel_loop3A_199 : vector<16xf32>
          %parallel_loop3A_277 = arith.addf %parallel_loop3A_229, %parallel_loop3A_276 : vector<16xf32>
          %parallel_loop3A_278 = arith.constant 13 : i32
          %parallel_loop3A_279 = arith.index_cast %parallel_loop3A_278 : i32 to index
          %parallel_loop3A_280 = arith.index_cast %parallel_loop3A_189 : i32 to index
          %parallel_loop3A_281 = tpu.vector_load %arg7[%parallel_loop3A_279, %parallel_loop3A_280] {strides = array<i32>} : memref<32x1024xf32, #tpu.memory_space<vmem>>, vector<16xf32>,
          %parallel_loop3A_282 = arith.mulf %parallel_loop3A_281, %parallel_loop3A_199 : vector<16xf32>
          %parallel_loop3A_283 = arith.addf %parallel_loop3A_235, %parallel_loop3A_282 : vector<16xf32>
          %parallel_loop3A_284 = arith.constant 14 : i32
          %parallel_loop3A_285 = arith.index_cast %parallel_loop3A_284 : i32 to index
          %parallel_loop3A_286 = arith.index_cast %parallel_loop3A_189 : i32 to index
          %parallel_loop3A_287 = tpu.vector_load %arg7[%parallel_loop3A_285, %parallel_loop3A_286] {strides = array<i32>} : memref<32x1024xf32, #tpu.memory_space<vmem>>, vector<16xf32>,
          %parallel_loop3A_288 = arith.mulf %parallel_loop3A_287, %parallel_loop3A_199 : vector<16xf32>
          %parallel_loop3A_289 = arith.addf %parallel_loop3A_241, %parallel_loop3A_288 : vector<16xf32>
          %parallel_loop3A_290 = arith.constant 15 : i32
          %parallel_loop3A_291 = arith.index_cast %parallel_loop3A_290 : i32 to index
          %parallel_loop3A_292 = arith.index_cast %parallel_loop3A_189 : i32 to index
          %parallel_loop3A_293 = tpu.vector_load %arg7[%parallel_loop3A_291, %parallel_loop3A_292] {strides = array<i32>} : memref<32x1024xf32, #tpu.memory_space<vmem>>, vector<16xf32>,
          %parallel_loop3A_294 = arith.mulf %parallel_loop3A_293, %parallel_loop3A_199 : vector<16xf32>
          %parallel_loop3A_295 = arith.addf %parallel_loop3A_247, %parallel_loop3A_294 : vector<16xf32>
          %parallel_loop3A_296 = arith.constant 16 : i32
          %parallel_loop3A_297 = arith.index_cast %parallel_loop3A_296 : i32 to index
          %parallel_loop3A_298 = arith.index_cast %parallel_loop3A_189 : i32 to index
          %parallel_loop3A_299 = tpu.vector_load %arg7[%parallel_loop3A_297, %parallel_loop3A_298] {strides = array<i32>} : memref<32x1024xf32, #tpu.memory_space<vmem>>, vector<16xf32>,
          %parallel_loop3A_300 = arith.mulf %parallel_loop3A_299, %parallel_loop3A_199 : vector<16xf32>
          %parallel_loop3A_301 = arith.addf %parallel_loop3A_253, %parallel_loop3A_300 : vector<16xf32>
          %parallel_loop3A_302 = arith.constant 17 : i32
          %parallel_loop3A_303 = arith.index_cast %parallel_loop3A_302 : i32 to index
          %parallel_loop3A_304 = arith.index_cast %parallel_loop3A_189 : i32 to index
          %parallel_loop3A_305 = tpu.vector_load %arg7[%parallel_loop3A_303, %parallel_loop3A_304] {strides = array<i32>} : memref<32x1024xf32, #tpu.memory_space<vmem>>, vector<16xf32>,
          %parallel_loop3A_306 = arith.mulf %parallel_loop3A_305, %parallel_loop3A_199 : vector<16xf32>
          %parallel_loop3A_307 = arith.addf %parallel_loop3A_259, %parallel_loop3A_306 : vector<16xf32>
          %parallel_loop3A_308 = arith.constant 18 : i32
          %parallel_loop3A_309 = arith.index_cast %parallel_loop3A_308 : i32 to index
          %parallel_loop3A_310 = arith.index_cast %parallel_loop3A_189 : i32 to index
          %parallel_loop3A_311 = tpu.vector_load %arg7[%parallel_loop3A_309, %parallel_loop3A_310] {strides = array<i32>} : memref<32x1024xf32, #tpu.memory_space<vmem>>, vector<16xf32>,
          %parallel_loop3A_312 = arith.mulf %parallel_loop3A_311, %parallel_loop3A_199 : vector<16xf32>
          %parallel_loop3A_313 = arith.addf %parallel_loop3A_265, %parallel_loop3A_312 : vector<16xf32>
          %parallel_loop3A_314 = arith.constant 19 : i32
          %parallel_loop3A_315 = arith.index_cast %parallel_loop3A_314 : i32 to index
          %parallel_loop3A_316 = arith.index_cast %parallel_loop3A_189 : i32 to index
          %parallel_loop3A_317 = tpu.vector_load %arg7[%parallel_loop3A_315, %parallel_loop3A_316] {strides = array<i32>} : memref<32x1024xf32, #tpu.memory_space<vmem>>, vector<16xf32>,
          %parallel_loop3A_318 = arith.mulf %parallel_loop3A_317, %parallel_loop3A_199 : vector<16xf32>
          %parallel_loop3A_319 = arith.addf %parallel_loop3A_271, %parallel_loop3A_318 : vector<16xf32>
          %parallel_loop3A_320 = arith.constant 20 : i32
          %parallel_loop3A_321 = arith.index_cast %parallel_loop3A_320 : i32 to index
          %parallel_loop3A_322 = arith.index_cast %parallel_loop3A_189 : i32 to index
          %parallel_loop3A_323 = tpu.vector_load %arg7[%parallel_loop3A_321, %parallel_loop3A_322] {strides = array<i32>} : memref<32x1024xf32, #tpu.memory_space<vmem>>, vector<16xf32>,
          %parallel_loop3A_324 = arith.mulf %parallel_loop3A_323, %parallel_loop3A_199 : vector<16xf32>
          %parallel_loop3A_325 = arith.addf %parallel_loop3A_277, %parallel_loop3A_324 : vector<16xf32>
          %parallel_loop3A_326 = arith.constant 21 : i32
          %parallel_loop3A_327 = arith.index_cast %parallel_loop3A_326 : i32 to index
          %parallel_loop3A_328 = arith.index_cast %parallel_loop3A_189 : i32 to index
          %parallel_loop3A_329 = tpu.vector_load %arg7[%parallel_loop3A_327, %parallel_loop3A_328] {strides = array<i32>} : memref<32x1024xf32, #tpu.memory_space<vmem>>, vector<16xf32>,
          %parallel_loop3A_330 = arith.mulf %parallel_loop3A_329, %parallel_loop3A_199 : vector<16xf32>
          %parallel_loop3A_331 = arith.addf %parallel_loop3A_283, %parallel_loop3A_330 : vector<16xf32>
          %parallel_loop3A_332 = arith.constant 22 : i32
          %parallel_loop3A_333 = arith.index_cast %parallel_loop3A_332 : i32 to index
          %parallel_loop3A_334 = arith.index_cast %parallel_loop3A_189 : i32 to index
          %parallel_loop3A_335 = tpu.vector_load %arg7[%parallel_loop3A_333, %parallel_loop3A_334] {strides = array<i32>} : memref<32x1024xf32, #tpu.memory_space<vmem>>, vector<16xf32>,
          %parallel_loop3A_336 = arith.mulf %parallel_loop3A_335, %parallel_loop3A_199 : vector<16xf32>
          %parallel_loop3A_337 = arith.addf %parallel_loop3A_289, %parallel_loop3A_336 : vector<16xf32>
          %parallel_loop3A_338 = arith.constant 23 : i32
          %parallel_loop3A_339 = arith.index_cast %parallel_loop3A_338 : i32 to index
          %parallel_loop3A_340 = arith.index_cast %parallel_loop3A_189 : i32 to index
          %parallel_loop3A_341 = tpu.vector_load %arg7[%parallel_loop3A_339, %parallel_loop3A_340] {strides = array<i32>} : memref<32x1024xf32, #tpu.memory_space<vmem>>, vector<16xf32>,
          %parallel_loop3A_342 = arith.mulf %parallel_loop3A_341, %parallel_loop3A_199 : vector<16xf32>
          %parallel_loop3A_343 = arith.addf %parallel_loop3A_295, %parallel_loop3A_342 : vector<16xf32>
          %parallel_loop3A_344 = arith.constant 24 : i32
          %parallel_loop3A_345 = arith.index_cast %parallel_loop3A_344 : i32 to index
          %parallel_loop3A_346 = arith.index_cast %parallel_loop3A_189 : i32 to index
          %parallel_loop3A_347 = tpu.vector_load %arg7[%parallel_loop3A_345, %parallel_loop3A_346] {strides = array<i32>} : memref<32x1024xf32, #tpu.memory_space<vmem>>, vector<16xf32>,
          %parallel_loop3A_348 = arith.mulf %parallel_loop3A_347, %parallel_loop3A_199 : vector<16xf32>
          %parallel_loop3A_349 = arith.addf %parallel_loop3A_301, %parallel_loop3A_348 : vector<16xf32>
          %parallel_loop3A_350 = arith.constant 25 : i32
          %parallel_loop3A_351 = arith.index_cast %parallel_loop3A_350 : i32 to index
          %parallel_loop3A_352 = arith.index_cast %parallel_loop3A_189 : i32 to index
          %parallel_loop3A_353 = tpu.vector_load %arg7[%parallel_loop3A_351, %parallel_loop3A_352] {strides = array<i32>} : memref<32x1024xf32, #tpu.memory_space<vmem>>, vector<16xf32>,
          %parallel_loop3A_354 = arith.mulf %parallel_loop3A_353, %parallel_loop3A_199 : vector<16xf32>
          %parallel_loop3A_355 = arith.addf %parallel_loop3A_307, %parallel_loop3A_354 : vector<16xf32>
          %parallel_loop3A_356 = arith.constant 26 : i32
          %parallel_loop3A_357 = arith.index_cast %parallel_loop3A_356 : i32 to index
          %parallel_loop3A_358 = arith.index_cast %parallel_loop3A_189 : i32 to index
          %parallel_loop3A_359 = tpu.vector_load %arg7[%parallel_loop3A_357, %parallel_loop3A_358] {strides = array<i32>} : memref<32x1024xf32, #tpu.memory_space<vmem>>, vector<16xf32>,
          %parallel_loop3A_360 = arith.mulf %parallel_loop3A_359, %parallel_loop3A_199 : vector<16xf32>
          %parallel_loop3A_361 = arith.addf %parallel_loop3A_313, %parallel_loop3A_360 : vector<16xf32>
          %parallel_loop3A_362 = arith.constant 27 : i32
          %parallel_loop3A_363 = arith.index_cast %parallel_loop3A_362 : i32 to index
          %parallel_loop3A_364 = arith.index_cast %parallel_loop3A_189 : i32 to index
          %parallel_loop3A_365 = tpu.vector_load %arg7[%parallel_loop3A_363, %parallel_loop3A_364] {strides = array<i32>} : memref<32x1024xf32, #tpu.memory_space<vmem>>, vector<16xf32>,
          %parallel_loop3A_366 = arith.mulf %parallel_loop3A_365, %parallel_loop3A_199 : vector<16xf32>
          %parallel_loop3A_367 = arith.addf %parallel_loop3A_319, %parallel_loop3A_366 : vector<16xf32>
          %parallel_loop3A_368 = arith.constant 28 : i32
          %parallel_loop3A_369 = arith.index_cast %parallel_loop3A_368 : i32 to index
          %parallel_loop3A_370 = arith.index_cast %parallel_loop3A_189 : i32 to index
          %parallel_loop3A_371 = tpu.vector_load %arg7[%parallel_loop3A_369, %parallel_loop3A_370] {strides = array<i32>} : memref<32x1024xf32, #tpu.memory_space<vmem>>, vector<16xf32>,
          %parallel_loop3A_372 = arith.mulf %parallel_loop3A_371, %parallel_loop3A_199 : vector<16xf32>
          %parallel_loop3A_373 = arith.addf %parallel_loop3A_325, %parallel_loop3A_372 : vector<16xf32>
          %parallel_loop3A_374 = arith.constant 29 : i32
          %parallel_loop3A_375 = arith.index_cast %parallel_loop3A_374 : i32 to index
          %parallel_loop3A_376 = arith.index_cast %parallel_loop3A_189 : i32 to index
          %parallel_loop3A_377 = tpu.vector_load %arg7[%parallel_loop3A_375, %parallel_loop3A_376] {strides = array<i32>} : memref<32x1024xf32, #tpu.memory_space<vmem>>, vector<16xf32>,
          %parallel_loop3A_378 = arith.mulf %parallel_loop3A_377, %parallel_loop3A_199 : vector<16xf32>
          %parallel_loop3A_379 = arith.addf %parallel_loop3A_331, %parallel_loop3A_378 : vector<16xf32>
          %parallel_loop3A_380 = arith.constant 30 : i32
          %parallel_loop3A_381 = arith.index_cast %parallel_loop3A_380 : i32 to index
          %parallel_loop3A_382 = arith.index_cast %parallel_loop3A_189 : i32 to index
          %parallel_loop3A_383 = tpu.vector_load %arg7[%parallel_loop3A_381, %parallel_loop3A_382] {strides = array<i32>} : memref<32x1024xf32, #tpu.memory_space<vmem>>, vector<16xf32>,
          %parallel_loop3A_384 = arith.mulf %parallel_loop3A_383, %parallel_loop3A_199 : vector<16xf32>
          %parallel_loop3A_385 = arith.addf %parallel_loop3A_337, %parallel_loop3A_384 : vector<16xf32>
          %parallel_loop3A_386 = arith.constant 31 : i32
          %parallel_loop3A_387 = arith.index_cast %parallel_loop3A_386 : i32 to index
          %parallel_loop3A_388 = arith.index_cast %parallel_loop3A_189 : i32 to index
          %parallel_loop3A_389 = tpu.vector_load %arg7[%parallel_loop3A_387, %parallel_loop3A_388] {strides = array<i32>} : memref<32x1024xf32, #tpu.memory_space<vmem>>, vector<16xf32>,
          %parallel_loop3A_390 = arith.mulf %parallel_loop3A_389, %parallel_loop3A_199 : vector<16xf32>
          %parallel_loop3A_391 = arith.addf %parallel_loop3A_343, %parallel_loop3A_390 : vector<16xf32>
          scf.yield %parallel_loop3A_349, %parallel_loop3A_355, %parallel_loop3A_361, %parallel_loop3A_367, %parallel_loop3A_373, %parallel_loop3A_379, %parallel_loop3A_385, %parallel_loop3A_391 : vector<16xf32>, vector<16xf32>, vector<16xf32>, vector<16xf32>, vector<16xf32>, vector<16xf32>, vector<16xf32>, vector<16xf32>
        } {sc.loop_unroll_factor = 2 : i64, sc.parallel_access}
        %add3A_141 = arith.addf %parallel_loop3A_140#0, %parallel_loop3A_140#1 : vector<16xf32>
        %add3A_142 = arith.addf %parallel_loop3A_140#2, %parallel_loop3A_140#3 : vector<16xf32>
        %add3A_143 = arith.addf %parallel_loop3A_140#4, %parallel_loop3A_140#5 : vector<16xf32>
        %add3A_144 = arith.addf %parallel_loop3A_140#6, %parallel_loop3A_140#7 : vector<16xf32>
        %add3A_145 = arith.addf %add3A_141, %add3A_142 : vector<16xf32>
        %add3A_146 = arith.addf %add3A_143, %add3A_144 : vector<16xf32>
        %add3A_147 = arith.addf %add3A_145, %add3A_146 : vector<16xf32>
        %get3A_148 = arith.constant 0 : index
        %get3A_149 = tpu.vector_load %arg11[%get3A_148] {strides = array<i32>} : memref<16xf32, #tpu.memory_space<vmem>>, vector<16xf32>,
        %add3A_150 = arith.addf %get3A_149, %add3A_147 : vector<16xf32>
        %swap3A_151 = arith.constant 0 : index
        %swap3A_152 = tpu.vector_load %arg11[%swap3A_151] {strides = array<i32>} : memref<16xf32, #tpu.memory_space<vmem>>, vector<16xf32>,
        tpu.vector_store %arg11[%swap3A_151], %add3A_150 {strides = array<i32>} : memref<16xf32, #tpu.memory_space<vmem>>, vector<16xf32>,
        %shift_right_arithmetic3A = arith.constant 4 : i32
        %shift_right_arithmetic3A_153 = arith.shrsi %while3A_103, %shift_right_arithmetic3A : i32
        %shift_left3A = arith.constant 4 : i32
        %shift_left3A_154 = arith.shli %shift_right_arithmetic3A_153, %shift_left3A : i32
        %get3A_155 = arith.index_cast %shift_left3A_154 : i32 to index
        %get3A_156 = tpu.vector_load %arg10[%get3A_155] {strides = array<i32>} : memref<128xi32, #tpu.memory_space<vmem>>, vector<16xi32>,
        %ne3A_157 = arith.constant 0 : i32
        %ne3A_158 = vector.broadcast %ne3A_157 : i32 to vector<16xi32>
        %ne3A_159 = arith.cmpi ne, %get3A_156, %ne3A_158 : vector<16xi32>
        %and3A_160 = arith.constant 15 : i32
        %and3A_161 = arith.andi %while3A_103, %and3A_160 : i32
        %eq3A_162 = vector.broadcast %and3A_161 : i32 to vector<16xi32>
        %eq3A_163 = arith.cmpi eq, %iota3A, %eq3A_162 : vector<16xi32>
        %and3A_164 = arith.andi %ne3A_159, %eq3A_163 : vector<16xi1>
        %reduce_or3A = arith.constant 1.000000e+00 : f32
        %reduce_or3A_165 = arith.constant 0.000000e+00 : f32
        %reduce_or3A_166 = vector.broadcast %reduce_or3A : f32 to vector<16xf32>
        %reduce_or3A_167 = vector.broadcast %reduce_or3A_165 : f32 to vector<16xf32>
        %reduce_or3A_168 = arith.select %and3A_164, %reduce_or3A_166, %reduce_or3A_167 : vector<16xi1>, vector<16xf32>
        %reduce_or3A_169 = arith.constant true
        %reduce_or3A_170 = vector.broadcast %reduce_or3A_169 : i1 to vector<16xi1>
        %reduce_or3A_171 = tpu.scan <max>, %reduce_or3A_168 masked %reduce_or3A_170 : vector<16xf32>, vector<16xi1> -> vector<16xf32>
        %reduce_or3A_172 = vector.extract %reduce_or3A_171[15] : f32 from vector<16xf32>
        %reduce_or3A_173 = arith.constant 0.000000e+00 : f32
        %reduce_or3A_174 = arith.cmpf ogt, %reduce_or3A_172, %reduce_or3A_173 : f32
        %convert_element_type3A_175 = arith.extui %reduce_or3A_174 : i1 to i32
        %cond3A_176 = arith.constant 0 : i32
        %cond3A_177 = arith.cmpi ne, %convert_element_type3A_175, %cond3A_176 : i32
        scf.if %cond3A_177 {
          %broadcast_in_dim3A_189 = vector.broadcast %add3A_119 : i32 to vector<16xi32>
          %scan3A_190 = arith.constant 0 : i32
          %scan3A_191 = arith.constant 0 : i32
          %scan3A_192 = arith.constant 64 : i32
          %scan3A_193 = arith.addi %scan3A_191, %scan3A_192 : i32
          %scan3A_194 = arith.constant 1 : i32
          scf.for %scan3A_196 = %scan3A_191 to %scan3A_193 step %scan3A_194  : i32 {
            %mul3A_197 = arith.constant 16 : i32
            %mul3A_198 = arith.muli %scan3A_196, %mul3A_197 : i32
            %get3A_199 = arith.index_cast %mul3A_198 : i32 to index
            %get3A_200 = tpu.vector_load %arg8[%get3A_199] {strides = array<i32>} : memref<1024xi32, #tpu.memory_space<vmem>>, vector<16xi32>,
            %ne3A_201 = arith.constant 0 : i32
            %ne3A_202 = vector.broadcast %ne3A_201 : i32 to vector<16xi32>
            %ne3A_203 = arith.cmpi ne, %get3A_200, %ne3A_202 : vector<16xi32>
            %shift_right_logical3A = arith.constant 5 : i32
            %shift_right_logical3A_204 = vector.broadcast %shift_right_logical3A : i32 to vector<16xi32>
            %shift_right_logical3A_205 = arith.shrui %get3A_200, %shift_right_logical3A_204 : vector<16xi32>
            %eq3A_206 = arith.cmpi eq, %shift_right_logical3A_205, %broadcast_in_dim3A_189 : vector<16xi32>
            %and3A_207 = arith.andi %ne3A_203, %eq3A_206 : vector<16xi1>
            %and3A_208 = arith.constant 31 : i32
            %and3A_209 = vector.broadcast %and3A_208 : i32 to vector<16xi32>
            %and3A_210 = arith.andi %get3A_200, %and3A_209 : vector<16xi32>
            %mul3A_211 = arith.constant 16 : i32
            %mul3A_212 = arith.muli %scan3A_196, %mul3A_211 : i32
            %add3A_213 = vector.broadcast %mul3A_212 : i32 to vector<16xi32>
            %add3A_214 = arith.addi %add3A_213, %iota3A : vector<16xi32>
            %gather3A = tpu.vector_load_idx %arg7[%and3A_210, %add3A_214] : memref<32x1024xf32, #tpu.memory_space<vmem>>[vector<16xi32>, vector<16xi32>], vector<16xf32>,
            %get3A_215 = arith.constant 0 : index
            %get3A_216 = tpu.vector_load %arg12[%get3A_215] {strides = array<i32>} : memref<16xf32, #tpu.memory_space<vmem>>, vector<16xf32>,
            %jit3A_217 = arith.constant 0.000000e+00 : f32
            %broadcast_in_dim3A_218 = vector.broadcast %jit3A_217 : f32 to vector<16xf32>
            %select_n3A_219 = arith.select %and3A_207, %gather3A, %broadcast_in_dim3A_218 : vector<16xi1>, vector<16xf32>
            %add3A_220 = arith.addf %get3A_216, %select_n3A_219 : vector<16xf32>
            %swap3A_221 = arith.constant 0 : index
            %swap3A_222 = tpu.vector_load %arg12[%swap3A_221] {strides = array<i32>} : memref<16xf32, #tpu.memory_space<vmem>>, vector<16xf32>,
            tpu.vector_store %arg12[%swap3A_221], %add3A_220 {strides = array<i32>} : memref<16xf32, #tpu.memory_space<vmem>>, vector<16xf32>,
          }
          %scan3A_195 = arith.constant 64 : i32
        } else {
        }
        %eq3A_178 = arith.constant 0 : i32
        %eq3A_179 = arith.cmpi eq, %add3A_119, %eq3A_178 : i32
        %convert_element_type3A_180 = arith.extui %eq3A_179 : i1 to i32
        %cond3A_181 = arith.constant 0 : i32
        %cond3A_182 = arith.cmpi ne, %convert_element_type3A_180, %cond3A_181 : i32
        scf.if %cond3A_182 {
          %scan3A_189 = arith.constant 0 : i32
          %scan3A_190 = arith.constant 0 : i32
          %scan3A_191 = arith.constant 64 : i32
          %scan3A_192 = arith.addi %scan3A_190, %scan3A_191 : i32
          %scan3A_193 = arith.constant 1 : i32
          scf.for %scan3A_195 = %scan3A_190 to %scan3A_192 step %scan3A_193  : i32 {
            %get3A_196 = arith.constant 0 : index
            %get3A_197 = tpu.vector_load %arg13[%get3A_196] {strides = array<i32>} : memref<16xf32, #tpu.memory_space<vmem>>, vector<16xf32>,
            %mul3A_198 = arith.constant 16 : i32
            %mul3A_199 = arith.muli %scan3A_195, %mul3A_198 : i32
            %get3A_200 = arith.constant 0 : i32
            %get3A_201 = arith.index_cast %get3A_200 : i32 to index
            %get3A_202 = arith.index_cast %mul3A_199 : i32 to index
            %get3A_203 = tpu.vector_load %arg7[%get3A_201, %get3A_202] {strides = array<i32>} : memref<32x1024xf32, #tpu.memory_space<vmem>>, vector<16xf32>,
            %mul3A_204 = arith.constant 16 : i32
            %mul3A_205 = arith.muli %scan3A_195, %mul3A_204 : i32
            %get3A_206 = arith.index_cast %mul3A_205 : i32 to index
            %get3A_207 = tpu.vector_load %arg9[%get3A_206] {strides = array<i32>} : memref<1024xf32, #tpu.memory_space<vmem>>, vector<16xf32>,
            %mul3A_208 = arith.mulf %get3A_203, %get3A_207 : vector<16xf32>
            %add3A_209 = arith.addf %get3A_197, %mul3A_208 : vector<16xf32>
            %swap3A_210 = arith.constant 0 : index
            %swap3A_211 = tpu.vector_load %arg13[%swap3A_210] {strides = array<i32>} : memref<16xf32, #tpu.memory_space<vmem>>, vector<16xf32>,
            tpu.vector_store %arg13[%swap3A_210], %add3A_209 {strides = array<i32>} : memref<16xf32, #tpu.memory_space<vmem>>, vector<16xf32>,
          }
          %scan3A_194 = arith.constant 64 : i32
        } else {
        }
        %add3A_183 = arith.constant 3 : i32
        %add3A_184 = arith.addi %while3A_103, %add3A_183 : i32
        %lt3A_185 = arith.cmpi slt, %add3A_184, %add3A_4 : i32
        %convert_element_type3A_186 = arith.extui %lt3A_185 : i1 to i32
        %cond3A_187 = arith.constant 0 : i32
        %cond3A_188 = arith.cmpi ne, %convert_element_type3A_186, %cond3A_187 : i32
        scf.if %cond3A_188 {
          %mul3A_189 = arith.constant 32 : i32
          %mul3A_190 = arith.muli %add3A_184, %mul3A_189 : i32
          %add3A_191 = arith.addi %add3A, %mul3A_190 : i32
          %mul3A_192 = arith.constant 32 : i32
          %mul3A_193 = arith.muli %add3A_191, %mul3A_192 : i32
          %dma_start3A_194 = arith.constant 0 : i32
          %dma_start3A_195 = tpu.memref_slice %arg2[%mul3A_193, %dma_start3A_194] : memref<100000x1024xf32, #tpu.memory_space<hbm>> -> memref<32x1024xf32, #tpu.memory_space<hbm>>
          %dma_start3A_196 = arith.constant 0 : i32
          %dma_start3A_197 = tpu.memref_slice %arg2[%mul3A_193, %dma_start3A_196] : memref<100000x1024xf32, #tpu.memory_space<hbm>> -> memref<32x1024xf32, #tpu.memory_space<hbm>>
          tpu.enqueue_dma source(%dma_start3A_197 : memref<32x1024xf32, #tpu.memory_space<hbm>>) target(%arg7 : memref<32x1024xf32, #tpu.memory_space<vmem>>) target_semaphore(%arg17 : memref<!tpu.dma_semaphore, #tpu.memory_space<semaphore_mem>>)
        } else {
        }
      } else {
      }
    }
    %scan3A_69 = arith.constant 0 : i32
    %scan3A_70 = arith.constant 64 : i32
    %scan3A_71 = arith.addi %scan3A_69, %scan3A_70 : i32
    %scan3A_72 = arith.constant 1 : i32
    %scan3A_73 = scf.for %scan3A_103 = %scan3A_69 to %scan3A_71 step %scan3A_72 iter_args(%scan3A_104 = %broadcast_in_dim3A_5) -> (vector<16xf32>)  : i32 {
      %mul3A_105 = arith.constant 16 : i32
      %mul3A_106 = arith.muli %scan3A_103, %mul3A_105 : i32
      %get3A_107 = arith.index_cast %mul3A_106 : i32 to index
      %get3A_108 = tpu.vector_load %arg9[%get3A_107] {strides = array<i32>} : memref<1024xf32, #tpu.memory_space<vmem>>, vector<16xf32>,
      %add3A_109 = arith.addf %scan3A_104, %get3A_108 : vector<16xf32>
      scf.yield %add3A_109 : vector<16xf32>
    }
    %scan3A_74 = arith.constant 64 : i32
    %eq3A = arith.constant 0 : i32
    %eq3A_75 = vector.broadcast %eq3A : i32 to vector<16xi32>
    %eq3A_76 = arith.cmpi eq, %broadcast_in_dim3A_15, %eq3A_75 : vector<16xi32>
    %jit3A_77 = arith.constant 0.000000e+00 : f32
    %broadcast_in_dim3A_78 = vector.broadcast %jit3A_77 : f32 to vector<16xf32>
    %select_n3A_79 = arith.select %eq3A_76, %scan3A_73, %broadcast_in_dim3A_78 : vector<16xi1>, vector<16xf32>
    %mul3A_80 = arith.constant -1.47637355 : f32
    %mul3A_81 = vector.broadcast %mul3A_80 : f32 to vector<16xf32>
    %mul3A_82 = arith.mulf %select_n3A_79, %mul3A_81 : vector<16xf32>
    %get3A = arith.constant 0 : index
    %get3A_83 = tpu.vector_load %arg11[%get3A] {strides = array<i32>} : memref<16xf32, #tpu.memory_space<vmem>>, vector<16xf32>,
    %mul3A_84 = arith.constant 1.000020e-06 : f32
    %mul3A_85 = vector.broadcast %mul3A_84 : f32 to vector<16xf32>
    %mul3A_86 = arith.mulf %mul3A_85, %get3A_83 : vector<16xf32>
    %sub3A = arith.subf %mul3A_82, %mul3A_86 : vector<16xf32>
    %get3A_87 = arith.constant 0 : index
    %get3A_88 = tpu.vector_load %arg13[%get3A_87] {strides = array<i32>} : memref<16xf32, #tpu.memory_space<vmem>>, vector<16xf32>,
    %mul3A_89 = arith.constant 1.000020e-06 : f32
    %mul3A_90 = vector.broadcast %mul3A_89 : f32 to vector<16xf32>
    %mul3A_91 = arith.mulf %mul3A_90, %get3A_88 : vector<16xf32>
    %add3A_92 = arith.addf %sub3A, %mul3A_91 : vector<16xf32>
    %get3A_93 = arith.constant 0 : index
    %get3A_94 = tpu.vector_load %arg12[%get3A_93] {strides = array<i32>} : memref<16xf32, #tpu.memory_space<vmem>>, vector<16xf32>,
    %mul3A_95 = arith.constant -8.999990e-01 : f32
    %mul3A_96 = vector.broadcast %mul3A_95 : f32 to vector<16xf32>
    %mul3A_97 = arith.mulf %mul3A_96, %get3A_94 : vector<16xf32>
    %add3A_98 = arith.addf %add3A_92, %mul3A_97 : vector<16xf32>
    %swap3A_99 = arith.constant 0 : index
    %swap3A_100 = tpu.vector_load %arg14[%swap3A_99] {strides = array<i32>} : memref<16xf32, #tpu.memory_space<vmem>>, vector<16xf32>,
    tpu.vector_store %arg14[%swap3A_99], %add3A_98 {strides = array<i32>} : memref<16xf32, #tpu.memory_space<vmem>>, vector<16xf32>,
    %mul3A_101 = arith.constant 16 : i32
    %mul3A_102 = arith.muli %add3A, %mul3A_101 : i32
    "tpu.region"() ({
      %run_scoped3A = tpu.sem_alloc : memref<!tpu.dma_semaphore, #tpu.memory_space<semaphore_mem>>
      %dma_start3A_103 = tpu.memref_slice %arg4[%mul3A_102] : memref<512xf32, #tpu.memory_space<hbm>> -> memref<16xf32, #tpu.memory_space<hbm>>
      %dma_start3A_104 = tpu.memref_slice %arg4[%mul3A_102] : memref<512xf32, #tpu.memory_space<hbm>> -> memref<16xf32, #tpu.memory_space<hbm>>
      tpu.enqueue_dma source(%arg14 : memref<16xf32, #tpu.memory_space<vmem>>) target(%dma_start3A_104 : memref<16xf32, #tpu.memory_space<hbm>>) target_semaphore(%run_scoped3A : memref<!tpu.dma_semaphore, #tpu.memory_space<semaphore_mem>>)
      %dma_wait3A = tpu.memref_slice %arg4[%mul3A_102] : memref<512xf32, #tpu.memory_space<hbm>> -> memref<16xf32, #tpu.memory_space<hbm>>
      %dma_wait3A_105 = tpu.memref_slice %arg4[%mul3A_102] : memref<512xf32, #tpu.memory_space<hbm>> -> memref<16xf32, #tpu.memory_space<hbm>>
      tpu.wait_dma2 semaphore(%run_scoped3A : memref<!tpu.dma_semaphore, #tpu.memory_space<semaphore_mem>>) src(%arg14 : memref<16xf32, #tpu.memory_space<vmem>>) dst(%dma_wait3A_105 : memref<16xf32, #tpu.memory_space<hbm>>)
      tpu.yield
    }) : () -> ()
    return
  }
}

module attributes {stable_mosaic.version = 14 : i64} {
  func.func @_tc_body(%arg0: i32, %arg1: memref<2000x1024xf32, #tpu.memory_space<vmem>>, %arg2: memref<1x1024xi32, #tpu.memory_space<vmem>>, %arg3: memref<1x2xf32, #tpu.memory_space<vmem>>) attributes {dimension_semantics = [#tpu.dimension_semantics<arbitrary>], iteration_bounds = array<i64: 26>, scalar_prefetch = 0 : i64, scratch_operands = 0 : i64, tpu.core_type = #tpu.core_type<tc>, window_params = [{transform_indices = @transform_0, window_bounds = array<i64: 2000, 1024>}, {pipeline_mode = #tpu.pipeline_mode<synchronous>, transform_indices = @transform_1, window_bounds = array<i64: 1, 1024>}, {pipeline_mode = #tpu.pipeline_mode<synchronous>, transform_indices = @transform_2, window_bounds = array<i64: 1, 2>}]} {
    %eq3A = arith.constant 0 : i32
    %eq3A_0 = arith.cmpi eq, %arg0, %eq3A : i32
    %convert_element_type3A = arith.extui %eq3A_0 : i1 to i32
    %cond3A = arith.constant 0 : i32
    %cond3A_1 = arith.cmpi ne, %convert_element_type3A, %cond3A : i32
    scf.if %cond3A_1 {
      %broadcast_in_dim3A_39 = arith.constant 0.000000e+00 : f32
      %broadcast_in_dim3A_40 = vector.broadcast %broadcast_in_dim3A_39 : f32 to vector<1x2xf32>
      %swap3A_41 = arith.constant 0 : index
      %swap3A_42 = arith.constant 0 : index
      %swap3A_43 = vector.load %arg3[%swap3A_41, %swap3A_42] : memref<1x2xf32, #tpu.memory_space<vmem>>, vector<1x2xf32>
      tpu.vector_store %arg3[%swap3A_41, %swap3A_42], %broadcast_in_dim3A_40 {strides = array<i32>} : memref<1x2xf32, #tpu.memory_space<vmem>>, vector<1x2xf32>,
    } else {
    }
    %get3A = arith.constant 0 : index
    %get3A_2 = arith.constant 0 : index
    %get3A_3 = vector.load %arg1[%get3A, %get3A_2] : memref<2000x1024xf32, #tpu.memory_space<vmem>>, vector<2000x1024xf32>
    %get3A_4 = arith.constant 0 : index
    %get3A_5 = arith.constant 0 : index
    %get3A_6 = vector.load %arg2[%get3A_4, %get3A_5] : memref<1x1024xi32, #tpu.memory_space<vmem>>, vector<1x1024xi32>
    %ne3A = arith.constant 0 : i32
    %ne3A_7 = vector.broadcast %ne3A : i32 to vector<1x1024xi32>
    %ne3A_8 = arith.cmpi ne, %get3A_6, %ne3A_7 : vector<1x1024xi32>
    %jit3A = arith.constant 1.000000e+00 : f32
    %jit3A_9 = arith.constant 0.000000e+00 : f32
    %broadcast_in_dim3A = vector.broadcast %jit3A : f32 to vector<1x1024xf32>
    %broadcast_in_dim3A_10 = vector.broadcast %jit3A_9 : f32 to vector<1x1024xf32>
    %select_n3A = arith.select %ne3A_8, %broadcast_in_dim3A, %broadcast_in_dim3A_10 : vector<1x1024xi1>, vector<1x1024xf32>
    %mul3A = vector.broadcast %select_n3A : vector<1x1024xf32> to vector<2000x1024xf32>
    %mul3A_11 = arith.mulf %get3A_3, %mul3A : vector<2000x1024xf32>
    %reduce_sum3A = vector.shape_cast %mul3A_11 : vector<2000x1024xf32> to vector<1x2000x1024xf32>
    %reduce_sum3A_12 = arith.constant dense<0.000000e+00> : vector<1xf32>
    %reduce_sum3A_13 = vector.multi_reduction <add>, %reduce_sum3A, %reduce_sum3A_12 [1, 2] : vector<1x2000x1024xf32> to vector<1xf32>
    %reduce_sum3A_14 = vector.shape_cast %reduce_sum3A_13 : vector<1xf32> to vector<1x1x1xf32>
    %reduce_sum3A_15 = vector.extract %reduce_sum3A_14[0, 0, 0] : f32 from vector<1x1x1xf32>
    %iota3A = tpu.iota {dimensions = array<i32: 0>} : vector<2000x1024xi32>
    %add3A = arith.constant 48000 : i32
    %add3A_16 = vector.broadcast %add3A : i32 to vector<2000x1024xi32>
    %add3A_17 = arith.addi %iota3A, %add3A_16 : vector<2000x1024xi32>
    %mul3A_18 = arith.constant 2000 : i32
    %mul3A_19 = arith.muli %arg0, %mul3A_18 : i32
    %add3A_20 = vector.broadcast %mul3A_19 : i32 to vector<2000x1024xi32>
    %add3A_21 = arith.addi %add3A_17, %add3A_20 : vector<2000x1024xi32>
    %eq3A_22 = vector.broadcast %get3A_6 : vector<1x1024xi32> to vector<2000x1024xi32>
    %eq3A_23 = arith.cmpi eq, %add3A_21, %eq3A_22 : vector<2000x1024xi32>
    %jit3A_24 = arith.constant 0.000000e+00 : f32
    %broadcast_in_dim3A_25 = vector.broadcast %jit3A_24 : f32 to vector<2000x1024xf32>
    %select_n3A_26 = arith.select %eq3A_23, %get3A_3, %broadcast_in_dim3A_25 : vector<2000x1024xi1>, vector<2000x1024xf32>
    %reduce_sum3A_27 = vector.shape_cast %select_n3A_26 : vector<2000x1024xf32> to vector<1x2000x1024xf32>
    %reduce_sum3A_28 = arith.constant dense<0.000000e+00> : vector<1xf32>
    %reduce_sum3A_29 = vector.multi_reduction <add>, %reduce_sum3A_27, %reduce_sum3A_28 [1, 2] : vector<1x2000x1024xf32> to vector<1xf32>
    %reduce_sum3A_30 = vector.shape_cast %reduce_sum3A_29 : vector<1xf32> to vector<1x1x1xf32>
    %reduce_sum3A_31 = vector.extract %reduce_sum3A_30[0, 0, 0] : f32 from vector<1x1x1xf32>
    %get3A_32 = arith.constant 0 : index
    %get3A_33 = arith.constant 0 : index
    %get3A_34 = vector.load %arg3[%get3A_32, %get3A_33] : memref<1x2xf32, #tpu.memory_space<vmem>>, vector<1x2xf32>
    %reshape3A = vector.broadcast %reduce_sum3A_15 : f32 to vector<1x1xf32>
    %reshape3A_35 = vector.broadcast %reduce_sum3A_31 : f32 to vector<1x1xf32>
    %concatenate3A = tpu.concatenate %reshape3A, %reshape3A_35 in 1 : vector<1x1xf32>, vector<1x1xf32> -> vector<1x2xf32>
    %add3A_36 = arith.addf %get3A_34, %concatenate3A : vector<1x2xf32>
    %swap3A = arith.constant 0 : index
    %swap3A_37 = arith.constant 0 : index
    %swap3A_38 = vector.load %arg3[%swap3A, %swap3A_37] : memref<1x2xf32, #tpu.memory_space<vmem>>, vector<1x2xf32>
    tpu.vector_store %arg3[%swap3A, %swap3A_37], %add3A_36 {strides = array<i32>} : memref<1x2xf32, #tpu.memory_space<vmem>>, vector<1x2xf32>,
    return
  }
  func.func @transform_0(%arg0: i32) -> (i32, i32) {
    %add3A = arith.constant 24 : i32
    %add3A_0 = arith.addi %add3A, %arg0 : i32
    %c0_i32 = arith.constant 0 : i32
    %c0_i32_1 = arith.constant 0 : i32
    return %add3A_0, %c0_i32 : i32, i32
  }
  func.func @transform_1(%arg0: i32) -> (i32, i32) {
    %c0_i32 = arith.constant 0 : i32
    %c0_i32_0 = arith.constant 0 : i32
    %c0_i32_1 = arith.constant 0 : i32
    return %c0_i32, %c0_i32_0 : i32, i32
  }
  func.func @transform_2(%arg0: i32) -> (i32, i32) {
    %c0_i32 = arith.constant 0 : i32
    %c0_i32_0 = arith.constant 0 : i32
    %c0_i32_1 = arith.constant 0 : i32
    return %c0_i32, %c0_i32_0 : i32, i32
  }
}

</mosaic_0001>

<sc_bundles>
// kernel: kernel.4.cloned.1.call-start
scs
__scs_entry_jumppad:
0x0: {  	(pc) =	sbr.rel $0x88, $3  }
0x1: {  	(tag) =	ssettag $0x0;
	lr =	simm.s32 $0x1  }
0x2: {  	[smem:$0x3F9F] =	sst lr;
	_ =	strace $0xD0000000  }
0x3: {  	_ = 	snop  }
0x4: {  	_ = 	snop  }
0x5: {  	_ = 	snop  }
0x6: {  	_ = 	snop  }
0x7: {  	_ = 	snop  }
__scs_overlays_trampoline_lowered:
0x8: {  	[smem:$0x3FAE] =	sst s0  }
0x9: {  	[smem:$0x3FAF] =	sst s1  }
0xa: {  	[smem:$0x3FB0] =	sst s2  }
0xb: {  	[smem:$0x3FB1] =	sst s3  }
0xc: {  	[smem:$0x3FB2] =	sst s4  }
0xd: {  	[smem:$0x3FB3] =	sst s5  }
0xe: {  	[smem:$0x3FB4] =	sst s6  }
0xf: {  	[smem:$0x3FB5] =	sst s7  }
0x10: {  	[smem:$0x3FB6] =	sst s8  }
0x11: {  	[smem:$0x3FB7] =	sst s9;
	s0 =	simm.s32 @!p0 $0x0  }
0x12: {  	s1 =	sld [smem:$0x3F9D];
	s0 =	simm.s32 @p0 $0x1  }
0x13: {  	[smem:$0x3FB8] =	sst s0;
	s0 =	simm.s32 @!p1 $0x0  }
0x14: {  	s2 =	sld [smem:$0x3F9C];
	s0 =	simm.s32 @p1 $0x1  }
0x15: {  	[smem:$0x3FB9] =	sst s0;
	s0 =	simm.s32 @!p2 $0x0  }
0x16: {  	s3 =	sld [smem:$0x3FDB];
	s0 =	simm.s32 @p2 $0x1  }
0x17: {  	s4 =	simm.s32 $0x1BF5;
	[smem:$0x3FBB] =	sst s0  }
0x18: {  	s0 =	sld [smem:$0x3F9E];
	_ =	swait.ge [sflag:s4], $0x0  }
0x19: {  	s7 =	sld [smem:$0x3F9F]  }
0x1a: {  	s8 =	sadd.s32 $0xFFFFE003, lr  }
0x1b: {  	s9 =	sadd.s32 $0xFFFFFEF7, lr;
	s5 =	simm.s32 $0xFFFFFFFF;
	p2 =	slt.u32 s8, $0xFFFFF086  }
0x1c: {  	p1 =	slt.u32 s9, $0xF7A;
	s5 =	simm.s32 @!p2 $0x0  }
0x1d: {  	s5 =	simm.s32 @p1 $0x1;
	p0 =	seq.s32 s7, s2  }
0x1e: {  	s7 =	smul.u32 @!p0 $0xF7A, s2;
	p2 =	seq.s32 @!p0 s5, $0x0  }
0x1f: {  	s9 =	smul.u32 $0xF7A, s1;
	s8 =	simm.s32 @!p0 $0x1BF5;
	p2 =	por !p2, p0  }
0x20: {  	[sflag:s8] =	ssyncset.s32 @!p0 $0xFFFFF086;
	s6 =	sadd.s32 @!p0 s3, s7;
	s7 =	simm.s32 @!p0 $0x108  }
0x21: {  	s3 =	sadd.s32 s3, s9;
	s6 =	sadd.s32 @!p0 $0x88, s6;
	s7 =	simm.s32 @p2 $0x1082  }
0x22: {  	[simem:s7], [sflag:s8] =	dma.local @!p0 [hbm:s6], $0xF7A  }
0x23: {  	s9 =	sor.u32 $0xD0000000, s2;
	s6 =	simm.s32 $0x108;
	_ =	swait.ge @!p0 [sflag:s8], $0x0  }
0x24: {  	s3 =	sadd.s32 $0x88, s3;
	s6 =	simm.s32 @!p1 $0x1082;
	[sflag:s4] =	ssyncset.s32 $0xFFFFF086  }
0x25: {  	[simem:s6], [sflag:s4] =	dma.local [hbm:s3], $0xF7A  }
0x26: {  	[smem:$0x3F9F] =	sst s1;
	(tag) =	ssettag s2;
	_ =	strace s9  }
0x27: {  	s1 =	sld [smem:$0x3FAF]  }
0x28: {  	s2 =	sld [smem:$0x3FB0]  }
0x29: {  	s4 =	sld [smem:$0x3FB2]  }
0x2a: {  	p0 =	seq.s32 s5, $0x0;
	s5 =	sld [smem:$0x3FB3]  }
0x2b: {  	s6 =	sld [smem:$0x3FB4]  }
0x2c: {  	s7 =	sld [smem:$0x3FB5]  }
0x2d: {  	s3 =	simm.s32 $0x108;
	s8 =	sld [smem:$0x3FB6]  }
0x2e: {  	s3 =	simm.s32 @!p0 $0x1082;
	s9 =	sld [smem:$0x3FB7]  }
0x2f: {  	lr =	sadd.s32 s0, s3;
	s0 =	sld [smem:$0x3FAE]  }
0x30: {  	s3 =	sld [smem:$0x3FB1]  }
0x31: {  	[smem:$0x3FBA] =	sst s10  }
0x32: {  	s10 =	sld [smem:$0x3FB8];
	_ =	sdelay $0x3  }
0x33: {  	p0 =	seq.s32 s10, $0x1;
	s10 =	sld [smem:$0x3FBA];
	_ =	sdelay $0x3  }
0x34: {  	[smem:$0x3FBA] =	sst s10  }
0x35: {  	s10 =	sld [smem:$0x3FB9];
	_ =	sdelay $0x3  }
0x36: {  	p1 =	seq.s32 s10, $0x1;
	s10 =	sld [smem:$0x3FBA];
	_ =	sdelay $0x3  }
0x37: {  	[smem:$0x3FBA] =	sst s10  }
0x38: {  	s10 =	sld [smem:$0x3FBB]  }
0x39: {  	_ = 	snop;
	(pc) =	sbr.ind lr, $3  }
0x3a: {  	_ = 	snop  }
0x3b: {  	_ = 	snop  }
0x3c: {  	p2 =	seq.s32 s10, $0x1;
	s10 =	sld [smem:$0x3FBA]  }
0x3d: {  	_ =	shalt  }
0x3e: {  	_ =	shalt  }
0x3f: {  	_ =	shalt  }
0x40: {  	_ =	shalt  }
0x41: {  	_ =	shalt  }
0x42: {  	_ =	shalt  }
0x43: {  	_ =	shalt  }
0x44: {  	_ =	shalt  }
0x45: {  	_ =	shalt  }
0x46: {  	_ =	shalt  }
0x47: {  	_ =	shalt  }
0x48: {  	_ =	shalt  }
0x49: {  	_ =	shalt  }
0x4a: {  	_ =	shalt  }
0x4b: {  	_ =	shalt  }
0x4c: {  	_ =	shalt  }
0x4d: {  	_ =	shalt  }
0x4e: {  	_ =	shalt  }
0x4f: {  	_ =	shalt  }
0x50: {  	_ =	shalt  }
0x51: {  	_ =	shalt  }
0x52: {  	_ =	shalt  }
0x53: {  	_ =	shalt  }
0x54: {  	_ =	shalt  }
0x55: {  	_ =	shalt  }
0x56: {  	_ =	shalt  }
0x57: {  	_ =	shalt  }
0x58: {  	_ =	shalt  }
0x59: {  	_ =	shalt  }
0x5a: {  	_ =	shalt  }
0x5b: {  	_ =	shalt  }
0x5c: {  	_ =	shalt  }
0x5d: {  	_ =	shalt  }
0x5e: {  	_ =	shalt  }
0x5f: {  	_ =	shalt  }
0x60: {  	_ =	shalt  }
0x61: {  	_ =	shalt  }
0x62: {  	_ =	shalt  }
0x63: {  	_ =	shalt  }
0x64: {  	_ =	shalt  }
0x65: {  	_ =	shalt  }
0x66: {  	_ =	shalt  }
0x67: {  	_ =	shalt  }
0x68: {  	_ =	shalt  }
0x69: {  	_ =	shalt  }
0x6a: {  	_ =	shalt  }
0x6b: {  	_ =	shalt  }
0x6c: {  	_ =	shalt  }
0x6d: {  	_ =	shalt  }
0x6e: {  	_ =	shalt  }
0x6f: {  	_ =	shalt  }
0x70: {  	_ =	shalt  }
0x71: {  	_ =	shalt  }
0x72: {  	_ =	shalt  }
0x73: {  	_ =	shalt  }
0x74: {  	_ =	shalt  }
0x75: {  	_ =	shalt  }
0x76: {  	_ =	shalt  }
0x77: {  	_ =	shalt  }
0x78: {  	_ =	shalt  }
0x79: {  	_ =	shalt  }
0x7a: {  	_ =	shalt  }
0x7b: {  	_ =	shalt  }
0x7c: {  	_ =	shalt  }
0x7d: {  	_ =	shalt  }
0x7e: {  	_ =	shalt  }
0x7f: {  	_ =	shalt  }
0x80: {  	_ =	shalt  }
0x81: {  	_ =	shalt  }
0x82: {  	_ =	shalt  }
0x83: {  	_ =	shalt  }
0x84: {  	_ =	shalt  }
0x85: {  	_ =	shalt  }
0x86: {  	_ =	shalt  }
0x87: {  	_ =	shalt  }
.Lfunc_end0:
.L_simem_size_0:
called_computation_lowered:
.L_overlay_start_0:
0x88: {  	s2 =	sld [smem:$0x3FD9]  }
0x89: {  	s3 =	sld [smem:$0x3FFE];
	_ =	sdelay $0x1  }
0x8a: {  	s1 =	srdreg.scid  }
0x8b: {  	s0 =	sand.u32 $0x1, s1  }
0x8c: {  	s17 =	sshll.u32 s0, $0xA;
	s2 =	sadd.s32 s3, s2  }
0x8d: {  	s2 =	sadd.s32 s2, s17  }
0x8e: {  	[smem:$0x3FC6] =	sst s2  }
0x8f: {  	_ = 	snop  }
0x90: {  	s2 =	sld [smem:$0x3FC9]  }
0x91: {  	s18 =	sld [smem:$0x3FC8];
	(tm) =	ssettm $0x1  }
0x92: {  	s4 =	sld [smem:$0x3FFB];
	_ =	sdelay $0x3  }
0x93: {  	_ =	strace s4  }
0x94: {  	s4 =	sld [smem:$0x3FFC];
	_ =	sdelay $0x3  }
0x95: {  	_ =	strace s4  }
0x96: {  	s4 =	sld [smem:$0x3FFD];
	_ =	sdelay $0x3  }
0x97: {  	_ =	strace s4  }
0x98: {  	_ =	strace $0x8FFFFFFF  }
0x99: {  	s19 =	sld [smem:$0x3FDB];
	_ =	sdelay $0x1  }
0x9a: {  	s5 =	simm.s32 $_scs_section_size  }
0x9b: {  	s6 =	simm.s32 $_size__tile_overlayer_lowered;
	s7 =	simm.s32 $_tile_overlayer_lowered  }
0x9c: {  	s22 =	simm.s32 $0x1BFF;
	s21 =	sshll.u32 s7, $0x1;
	s4 =	sadd.s32 s5, s19  }
0x9d: {  	s8 =	simm.s32 $0x0;
	s20 =	sshll.u32 s6, $0x1;
	s6 =	sadd.s32 s21, s4  }
0x9e: {  	[timem:s8], [sflag:s22] =	dma.local [hbm:s6], s20  }
0x9f: {  	_ =	swait.ge [sflag:s22], s20  }
0xa0: {  	s5 =	ssub.s32 $0x0, s20;
	[sflag:s22] =	ssyncset.done $0x0  }
0xa1: {  	[sflag:s22] =	ssyncadd.s32 s5;
	_ =	sdelay $0x1  }
0xa2: {  	s23 =	simm.s32 $0x1B8B  }
0xa3: {  	_ =	swait.ge [sflag:s23], $0x1  }
0xa4: {  	[sflag:s23] =	ssyncset.done $0x0  }
0xa5: {  	s25 =	simm.s32 $0x1B8E;
	s24 =	sld [smem:$0x3FFE];
	[sflag:s23] =	ssyncadd.s32 $0xFFFFFFFF  }
0xa6: {  	s26 =	simm.s32 $execute0_lowered;
	[smem:$0x3FD2] =	sst s25  }
0xa7: {  	s6 =	sshll.u32 s26, $0x1;
	_ =	strace $0x80000046;
	[dreg:$0x1] =	wrdreg $0xFFFFFFFF  }
0xa8: {  	s28 =	simm.s32 $_size_execute0_lowered;
	s4 =	sadd.s32 s4, s6;
	[dreg:$0x0] =	wrdreg $0x0  }
0xa9: {  	s6 =	sshll.u32 s28, $0x1;
	[dreg:$0x2] =	wrdreg s4  }
0xaa: {  	[dreg:$0x3] =	wrdreg s6  }
0xab: {  	[dreg:$0x4] =	wrdreg $0xC0  }
0xac: {  	_ =	task [dreg:s8], $0x5FFFF  }
0xad: {  	[dreg:$0x1] =	wrdreg $0xFFFFFFFF  }
0xae: {  	[dreg:$0x0] =	wrdreg $0x60  }
0xaf: {  	[dreg:$0x2] =	wrdreg s2  }
0xb0: {  	[dreg:$0x3] =	wrdreg s18  }
0xb1: {  	[dreg:$0x4] =	wrdreg s24  }
0xb2: {  	[dreg:$0x5] =	wrdreg $0x9  }
0xb3: {  	_ =	task.clear_ibuf [dreg:s8], $0x6FFFF;
	_ =	strace $0x90000046  }
0xb4: {  	s29 =	simm.s32 $0x9;
	_ =	strace $0x80000048  }
0xb5: {  	_ =	swait.ge [sflag:s29], $0x1  }
0xb6: {  	[sflag:s29] =	ssyncadd.s32 $0xFFFFFFFF  }
0xb7: {  	_ =	strace $0x90000048  }
0xb8: {  	_ =	sfence  }
0xb9: {  	s30 =	sld [smem:$0x0];
	_ =	sdelay $0x2  }
0xba: {  	s31 =	sshll.u32 s1, $0xD;
	s1 =	sshrl.u32 s1, $0x2  }
0xbb: {  	s3 =	sand.u32 $0x4000, s31;
	s1 =	sadd.s32 s1, s30  }
0xbc: {  	s0 =	sor.u32 s3, s0;
	s1 =	sshll.u32 s1, $0x11  }
0xbd: {  	s0 =	sor.u32 s1, s0  }
0xbe: {  	s0 =	sadd.s32 $0x8F2B, s0  }
0xbf: {  	[sflag:s0] =	ssyncadd.remote.s32 $0x1  }
0xc0: {  	_ =	sfence.sel $0xFFFF  }
0xc1: {  	[dreg:$0x0] =	wrdreg $0xFFFFFFFF;
	(pc) =	sbr.abs _section_cstart, $3  }
0xc2: {  	[dreg:$0x1] =	wrdreg $0xFFFFFFFF  }
0xc3: {  	_ =	task.clear_ibuf [dreg:s8], $0x2FFFF;
	_ =	strace $0x9FFFFFFF  }
0xc4: {  	(tm) =	ssettm $0x7FFFFFFF  }
0xc5: {  	_ =	shalt  }
tec
execute0_lowered:
.L_overlay_start_1:
0x0: {  	(tag) =	ssettag $0x1  }
0x1: {  	s5 =	rddreg [dreg:$0x0];
	s0 =	srdreg.scid  }
0x2: {  	s3 =	stileid.u32;
	s1 =	rddreg [dreg:$0x2]  }
0x3: {  	s4 =	simm.s32 $0x0;
	s15 =	simm.s32 $0x2F;
	s16 =	simm.s32 $0x8000  }
0x4: {  	s0 =	sand.u32 $0x1, s0;
	s2 =	sshll.u32 s3, $0x1;
	[smem:$0x7FF] =	sst s4  }
0x5: {  	p0 =	slt.u32 s3, $0xE;
	s6 =	sor.u32 s0, s2;
	s0 =	ssub.s32 $0x2, s0  }
0x6: {  	_ =	strace $0x80000047;
	s15 =	simm.s32 @!p0 $0x2E;
	[dreg:$0x4] =	wrdreg s6  }
0x7: {  	s28 =	sshll.u32 s6, $0xC;
	s30 =	sshll.u32 s6, $0xF;
	[dreg:$0x5] =	wrdreg s15  }
0x8: {  	s2 =	sshll.u32 s6, $0x1;
	s29 =	sadd.s32 s5, s28;
	[dreg:$0x7] =	wrdreg s30  }
0x9: {  	s26 =	sshrl.u32 s0, $0x1;
	s31 =	sadd.s32 $0x20000, s29;
	[dreg:$0x6] =	wrdreg s29  }
0xa: {  	s1 =	sadd.s32 s2, s1;
	s2 =	sadd.s32 $0x40000, s29;
	[dreg:$0x8] =	wrdreg s31  }
0xb: {  	s0 =	ssub.s32 s0, s26;
	s1 =	sadd.s32 $0x400, s1;
	[dreg:$0x9] =	wrdreg s2  }
0xc: {  	v1 =	vimm.f32 $0.0e+00;
	v2 =	vimm.s32 $0x0;
	s17 =	simm.s32 $0x10000;
	v0 =	vmov s6;
	s0 =	smax.u32 s0, $0x1;
	[dreg:$0xa] =	wrdreg s1  }
0xd: {  	v3 =	vimm.s32 $0x1;
	v4 =	vlaneseq.u32;
	vm0 =	veq.s32 v0, $0x0;
	[dreg:$0xb] =	wrdreg s0;
	s2 =	simm.s32 $0x4;
	s1 =	simm.s32 $0x0  }
.LBB2_1:
0xe: {  	[dreg:$0xc] =	wrdreg s1  }
0xf: {  	s0 =	rddreg [dreg:$0x1];
	s31 =	simm.s32 $0x18000  }
0x10: {  	[tilespmem:s31], [sflag:$0x4] =	stream.linear.gather [hbm4b:s0+s4], $0x400, $0x38;
	[tilespmem:$0x18A80] =	vst v63  }
0x11: {  	_ =	swait.ge [sflag:s2], $0x400  }
0x12: {  	[sflag:s2] =	ssyncset.done $0x0  }
0x13: {  	[sflag:s2] =	ssyncadd.s32 $0xFFFFFC00  }
0x14: {  	[tilespmem:$0x18880] =	vst v1  }
0x15: {  	[tilespmem:$0x18900] =	vst v1  }
0x16: {  	[tilespmem:$0x18980] =	vst v1  }
0x17: {  	[tilespmem:$0x18800] =	vst v2  }
0x18: {  	[tilespmem:$0x18810] =	vst v2  }
0x19: {  	[tilespmem:$0x18820] =	vst v2  }
0x1a: {  	[tilespmem:$0x18830] =	vst v2  }
0x1b: {  	[tilespmem:$0x18840] =	vst v2  }
0x1c: {  	[tilespmem:$0x18850] =	vst v2  }
0x1d: {  	[tilespmem:$0x18860] =	vst v2  }
0x1e: {  	s1 =	simm.s32 $0x40;
	s0 =	simm.s32 $0x0;
	s2 =	simm.s32 $0x18800;
	[tilespmem:$0x18870] =	vst v2  }
.LBB2_2:
0x1f: {  	p0 =	sne.s32 s1, $0xFC0;
	v5 =	vld [tilespmem:s0+$0x18000];
	_ =	sdelay $0x4  }
0x20: {  	v6 =	vshrl.u32 v5, $0x5  }
0x21: {  	v6 =	vand.u32 $0x1F, v6  }
0x22: {  	vm1 =	vlt.s32 v5, $0xBB80;
	vm2 =	veq.s32 v6, v0  }
0x23: {  	vm3 =	vne.s32 v5, $0x0;
	vm1 =	vmand vm1, vm2  }
0x24: {  	vm1 =	vmand vm3, vm1  }
0x25: {  	v5 =	vshrl.u32 v5, $0xA  }
.Ltmp0:
0x26: {  	(pc) =	sbr.rel @p0 .LBB2_2-.Ltmp0, $4  }
0x27: {  	_ = 	snop  }
0x28: {  	v6 =	vsel vm3, $0x3F800000, v1  }
0x29: {  	[tilespmem:s0+$0x18400] =	vst v6  }
0x2a: {  	s0 =	sshra.s32 s1, $0x2;
	s1 =	sadd.s32 $0x40, s1;
	[tilespmem:v5+s2+$0x0] =	vst.idx.msk vm1, v3  }
0x2b: {  	v5 =	vld [tilespmem:s0+$0x18000];
	_ =	sdelay $0x4  }
0x2c: {  	v6 =	vshrl.u32 v5, $0x5  }
0x2d: {  	v6 =	vand.u32 $0x1F, v6  }
0x2e: {  	vm1 =	vlt.s32 v5, $0xBB80;
	vm2 =	veq.s32 v6, v0  }
0x2f: {  	vm3 =	vne.s32 v5, $0x0;
	vm1 =	vmand vm1, vm2  }
0x30: {  	vm1 =	vmand vm3, vm1  }
0x31: {  	v5 =	vshrl.u32 v5, $0xA;
	_ =	sdelay $0x2  }
0x32: {  	v6 =	vsel vm3, $0x3F800000, v1  }
0x33: {  	[tilespmem:s0+$0x18400] =	vst v6  }
0x34: {  	s6 =	simm.s32 $0x0;
	s29 =	rddreg [dreg:$0x6];
	[tilespmem:v5+s2+$0x0] =	vst.idx.msk vm1, v3  }
0x35: {  	[tilespmem:s6], [sflag:$0x1] =	stream.linear.gather [hbm4b:s29+s6], $0x8000, $0x38;
	[tilespmem:$0x18A80] =	vst v63  }
.Ltmp1:
0x36: {  	_ = 	snop;
	(pc) =	sbr.rel .LBB2_4-.Ltmp1, $4  }
0x37: {  	s30 =	rddreg [dreg:$0x8]  }
0x38: {  	[tilespmem:s16], [sflag:$0x2] =	stream.linear.gather [hbm4b:s30+s6], $0x8000, $0x38;
	[tilespmem:$0x18A80] =	vst v63  }
0x39: {  	s31 =	rddreg [dreg:$0x9]  }
0x3a: {  	[tilespmem:s17], [sflag:$0x3] =	stream.linear.gather [hbm4b:s31+s6], $0x8000, $0x38;
	[tilespmem:$0x18A80] =	vst v63  }
.LBB2_27:
0x3b: {  	s0 =	sadd.s32 $0x3, s6  }
0x3c: {  	p0 =	sge.u32 s0, s15  }
0x3d: {  	s1 =	rddreg [dreg:$0x7];
	s0 =	sshll.u32 @!p0 s0, $0x14  }
0x3e: {  	s0 =	sor.u32 @!p0 s1, s0  }
0x3f: {  	s1 =	rddreg [dreg:$0x0];
	s0 =	sshrl.u32 @!p0 s0, $0x3  }
0x40: {  	s2 =	simm.s32 @!p0 $0x8000;
	s0 =	sadd.s32 @!p0 s1, s0;
	s1 =	simm.s32 @!p0 $0x0  }
0x41: {  	[tilespmem:s2], [sflag:$0x2] =	stream.linear.gather @!p0 [hbm4b:s0+s1], $0x8000, $0x38;
	[tilespmem:$0x18A80] =	vst v63  }
.LBB2_39:
0x42: {  	s6 =	sadd.s32 $0x1, s6  }
0x43: {  	p0 =	sne.s32 s6, s15  }
.Ltmp2:
0x44: {  	_ = 	snop;
	(pc) =	sbr.rel @!p0 .LBB2_40-.Ltmp2, $1  }
0x45: {  	_ =	sdelay $0x3  }
.LBB2_4:
0x46: {  	s0 =	smulhi.u32 $0xAAAAAAAB, s6;
	_ =	sdelay $0x1  }
0x47: {  	s0 =	sshrl.u32 s0, $0x1  }
0x48: {  	s0 =	smul.u32 $0x3, s0;
	_ =	sdelay $0x1  }
0x49: {  	s0 =	ssub.s32 s6, s0  }
0x4a: {  	p0 =	seq.s32 s0, $0x2  }
.Ltmp3:
0x4b: {  	_ = 	snop;
	(pc) =	sbr.rel @p0 .LBB2_28-.Ltmp3, $4  }
0x4c: {  	_ = 	snop  }
0x4d: {  	s1 =	sshll.u32 s6, $0x5;
	s2 =	rddreg [dreg:$0x4]  }
0x4e: {  	[dreg:$0xd] =	wrdreg s6;
	s1 =	sor.u32 s2, s1  }
0x4f: {  	[dreg:$0xe] =	wrdreg s1  }
0x50: {  	p0 =	seq.s32 s0, $0x1  }
.Ltmp4:
0x51: {  	_ = 	snop;
	(pc) =	sbr.rel @!p0 .LBB2_6-.Ltmp4, $1  }
0x52: {  	_ =	sdelay $0x3  }
0x53: {  	s0 =	simm.s32 $0x2  }
0x54: {  	s25 =	simm.s32 $0x0;
	s28 =	simm.s32 $0x0;
	_ =	swait.ge [sflag:s0], $0x8000  }
0x55: {  	s26 =	simm.s32 $0x18400;
	s2 =	sand.u32 $0x60, s28;
	[sflag:s0] =	ssyncset.done $0x0  }
0x56: {  	s30 =	sand.u32 $0x1C00, s25;
	s18 =	sor.u32 s25, s28;
	[sflag:s0] =	ssyncadd.s32 $0xFFFF8000  }
0x57: {  	s8 =	sor.u32 $0xE000, s30;
	s29 =	sor.u32 $0x10, s2;
	s0 =	sor.u32 $0x380, s18;
	v17 =	vld [tilespmem:s26+$0x0]  }
0x58: {  	s10 =	sor.u32 $0xE100, s30;
	s19 =	sor.u32 s29, s8;
	v6 =	vld [tilespmem:s0+$0x8000]  }
0x59: {  	s7 =	sor.u32 $0xE180, s30;
	s21 =	sor.u32 s29, s10;
	v7 =	vld [tilespmem:s19+$0x0]  }
0x5a: {  	s3 =	sor.u32 $0xE200, s30;
	s1 =	sor.u32 s29, s7;
	v9 =	vld [tilespmem:s21+$0x0]  }
0x5b: {  	s14 =	sor.u32 $0xC100, s30;
	s22 =	sor.u32 s29, s3;
	v10 =	vld [tilespmem:s1+$0x0]  }
0x5c: {  	s11 =	sor.u32 $0xC200, s30;
	s31 =	sor.u32 s29, s14;
	v11 =	vld [tilespmem:s22+$0x0]  }
0x5d: {  	s9 =	sor.u32 $0xC280, s30;
	s6 =	sor.u32 s29, s11;
	v21 =	vld [tilespmem:s31+$0x0]  }
0x5e: {  	s12 =	sor.u32 s29, s9;
	v23 =	vld [tilespmem:s6+$0x0]  }
0x5f: {  	s8 =	sor.u32 s2, s8;
	v24 =	vld [tilespmem:s12+$0x0]  }
0x60: {  	s18 =	sor.u32 $0xE080, s30;
	s3 =	sor.u32 s2, s3;
	v31 =	vld [tilespmem:s8+$0x0]  }
0x61: {  	s20 =	sor.u32 s29, s18;
	v63 =	vld [tilespmem:s3+$0x0]  }
0x62: {  	s18 =	sor.u32 s2, s18;
	v8 =	vld [tilespmem:s20+$0x0]  }
0x63: {  	s0 =	sor.u32 $0xE280, s30;
	s3 =	sor.u32 s2, s9;
	v32 =	vld [tilespmem:s18+$0x0]  }
0x64: {  	s19 =	sor.u32 $0xC000, s30;
	s23 =	sor.u32 s29, s0;
	v53 =	vld [tilespmem:s3+$0x0]  }
0x65: {  	s21 =	sor.u32 $0xA000, s30;
	s5 =	sor.u32 s29, s19;
	v12 =	vld [tilespmem:s23+$0x0]  }
0x66: {  	s6 =	sor.u32 $0xA100, s30;
	s15 =	sor.u32 s29, s21;
	v19 =	vld [tilespmem:s5+$0x0]  }
0x67: {  	s1 =	sor.u32 $0xA200, s30;
	s12 =	sor.u32 s29, s6;
	v25 =	vld [tilespmem:s15+$0x0]  }
0x68: {  	s31 =	sor.u32 s29, s1;
	v27 =	vld [tilespmem:s12+$0x0]  }
0x69: {  	s19 =	sor.u32 s2, s19;
	v29 =	vld [tilespmem:s31+$0x0]  }
0x6a: {  	s20 =	sor.u32 $0xC080, s30;
	s0 =	sor.u32 s2, s0;
	v33 =	vld [tilespmem:s19+$0x0]  }
0x6b: {  	s22 =	sor.u32 $0xA080, s30;
	s24 =	sor.u32 s29, s20;
	v50 =	vld [tilespmem:s0+$0x0]  }
0x6c: {  	s23 =	sor.u32 s29, s22;
	v20 =	vld [tilespmem:s24+$0x0]  }
0x6d: {  	s20 =	sor.u32 s2, s20;
	v26 =	vld [tilespmem:s23+$0x0];
	s23 =	sand.u32 $0x380, s28  }
0x6e: {  	s13 =	sor.u32 $0xC180, s30;
	v34 =	vld [tilespmem:s20+$0x0];
	s23 =	sor.u32 s29, s23  }
0x6f: {  	s5 =	sor.u32 s29, s13;
	s12 =	sor.u32 $0xA280, s30;
	v5 =	vld [tilespmem:s23+$0x18400]  }
0x70: {  	v22 =	vld [tilespmem:s5+$0x0];
	s5 =	sor.u32 $0xA180, s30;
	s15 =	sor.u32 s29, s12;
	v18 =	vmul.f32 v6, v17  }
0x71: {  	s24 =	sor.u32 s29, s5;
	v30 =	vld [tilespmem:s15+$0x0];
	v31 =	vmul.f32 v31, v17;
	v56 =	vmul.f32 v63, v17  }
0x72: {  	s5 =	sor.u32 s2, s5;
	v28 =	vld [tilespmem:s24+$0x0];
	v32 =	vmul.f32 v32, v17;
	v61 =	vmul.f32 v53, v17  }
0x73: {  	s15 =	sor.u32 s2, s22;
	s22 =	sor.u32 s2, s13;
	v42 =	vld [tilespmem:s5+$0x0];
	v33 =	vmul.f32 v33, v17;
	v58 =	vmul.f32 v50, v17  }
0x74: {  	s23 =	sor.u32 $0x8000, s30;
	s24 =	sor.u32 s2, s21;
	v44 =	vld [tilespmem:s22+$0x0];
	v34 =	vmul.f32 v34, v17;
	v13 =	vmul.f32 v7, v5  }
0x75: {  	v35 =	vld [tilespmem:s24+$0x0];
	s20 =	sor.u32 s2, s23;
	v14 =	vmul.f32 v8, v5;
	v15 =	vmul.f32 v9, v5  }
0x76: {  	s31 =	sor.u32 s29, s23;
	v41 =	vld [tilespmem:s20+$0x180];
	v16 =	vmul.f32 v10, v5;
	v6 =	vmul.f32 v11, v5  }
0x77: {  	v7 =	vmul.f32 v12, v5;
	v12 =	vld [tilespmem:s31+$0x100];
	v39 =	vmul.f32 v22, v5  }
0x78: {  	v8 =	vmul.f32 v23, v5;
	v22 =	vld [tilespmem:s31+$0x200];
	v23 =	vmul.f32 v25, v5  }
0x79: {  	v25 =	vmul.f32 v26, v5;
	v26 =	vmul.f32 v27, v5;
	v27 =	vld [tilespmem:s20+$0x0]  }
0x7a: {  	v19 =	vmul.f32 v19, v5;
	v10 =	vmul.f32 v29, v5;
	v29 =	vld [tilespmem:s20+$0x80]  }
0x7b: {  	v20 =	vmul.f32 v20, v5;
	v11 =	vmul.f32 v30, v5;
	v30 =	vld [tilespmem:s20+$0x100]  }
0x7c: {  	s6 =	sor.u32 s2, s6;
	v9 =	vmul.f32 v24, v5;
	v24 =	vld [tilespmem:s15+$0x0];
	v42 =	vmul.f32 v42, v17  }
0x7d: {  	v40 =	vmul.f32 v12, v5;
	v12 =	vmul.f32 v22, v5;
	v22 =	vld [tilespmem:s6+$0x0]  }
0x7e: {  	s21 =	sor.u32 s2, s14;
	v36 =	vld [tilespmem:s31+$0x0];
	v49 =	vmul.f32 v44, v17;
	v35 =	vmul.f32 v35, v17  }
0x7f: {  	v46 =	vimm.f32 $0.0e+00;
	v43 =	vld [tilespmem:s21+$0x0];
	s23 =	sor.u32 s2, s10;
	v27 =	vmul.f32 v27, v17;
	v29 =	vmul.f32 v29, v17  }
0x80: {  	s24 =	sor.u32 s2, s7;
	v45 =	vld [tilespmem:s23+$0x0];
	v18 =	vadd.f32 v18, v46;
	v41 =	vmul.f32 v41, v17;
	v30 =	vmul.f32 v30, v17  }
0x81: {  	v47 =	vld [tilespmem:s24+$0x0];
	v24 =	vmul.f32 v24, v17;
	v27 =	vadd.f32 v27, v46;
	v29 =	vadd.f32 v29, v46  }
0x82: {  	v37 =	vld [tilespmem:s31+$0x80];
	v41 =	vadd.f32 v41, v46;
	v30 =	vadd.f32 v30, v46;
	v22 =	vmul.f32 v22, v17  }
0x83: {  	v38 =	vld [tilespmem:s31+$0x180];
	v36 =	vmul.f32 v36, v5;
	v27 =	vadd.f32 v35, v27;
	v24 =	vadd.f32 v24, v29  }
0x84: {  	v29 =	vmul.f32 v43, v17;
	v22 =	vadd.f32 v22, v30;
	v30 =	vadd.f32 v42, v41  }
0x85: {  	v48 =	vld [tilespmem:s31+$0x280];
	s31 =	sor.u32 s2, s11;
	v52 =	vmul.f32 v45, v17;
	v27 =	vadd.f32 v33, v27;
	v24 =	vadd.f32 v34, v24  }
0x86: {  	s1 =	sor.u32 s2, s1;
	v51 =	vld [tilespmem:s31+$0x0];
	v54 =	vmul.f32 v47, v17;
	v29 =	vadd.f32 v29, v22;
	v30 =	vadd.f32 v49, v30  }
0x87: {  	v55 =	vld [tilespmem:s1+$0x0];
	s5 =	sand.u32 $0x3, s25;
	v37 =	vmul.f32 v37, v5;
	v27 =	vadd.f32 v31, v27;
	v24 =	vadd.f32 v32, v24  }
0x88: {  	s0 =	sshll.u32 s5, $0x5;
	v57 =	vld [tilespmem:s20+$0x200];
	v38 =	vmul.f32 v38, v5;
	s6 =	sor.u32 s2, s12;
	v29 =	vadd.f32 v52, v29;
	v30 =	vadd.f32 v54, v30  }
0x89: {  	s7 =	sadd.s32 $0x0, s0;
	v21 =	vmul.f32 v21, v5;
	v31 =	vld [tilespmem:s6+$0x0];
	v27 =	vadd.f32 v36, v27;
	v24 =	vadd.f32 v37, v24  }
0x8a: {  	s8 =	sor.u32 $0xA300, s30;
	v59 =	vld [tilespmem:s20+$0x280];
	s0 =	sor.u32 $0x300, s7;
	v28 =	vmul.f32 v28, v5;
	v29 =	vadd.f32 v40, v29;
	v30 =	vadd.f32 v38, v30  }
0x8b: {  	s10 =	sor.u32 s2, s8;
	v60 =	vld [tilespmem:s0+$0x8000];
	s11 =	sor.u32 $0xA380, s30;
	v33 =	vmul.f32 v51, v17;
	v23 =	vadd.f32 v23, v27;
	v24 =	vadd.f32 v25, v24  }
0x8c: {  	s13 =	sor.u32 $0xC300, s30;
	s12 =	sor.u32 s2, s11;
	v22 =	vmul.f32 v48, v5;
	v27 =	vld [tilespmem:s10+$0x0];
	v26 =	vadd.f32 v26, v29;
	v28 =	vadd.f32 v28, v30  }
0x8d: {  	s14 =	sor.u32 s2, s13;
	s15 =	sor.u32 $0xC380, s30;
	v19 =	vadd.f32 v19, v23;
	v20 =	vadd.f32 v20, v24;
	v23 =	vmul.f32 v57, v17;
	v30 =	vld [tilespmem:s12+$0x0]  }
0x8e: {  	s19 =	sor.u32 $0xE300, s30;
	s18 =	sor.u32 s2, s15;
	v24 =	vld [tilespmem:s14+$0x0];
	v29 =	vmul.f32 v31, v17;
	v21 =	vadd.f32 v21, v26;
	v26 =	vadd.f32 v39, v28  }
0x8f: {  	s0 =	sor.u32 $0xE380, s30;
	s20 =	sor.u32 s2, s19;
	v31 =	vld [tilespmem:s18+$0x0];
	v13 =	vadd.f32 v13, v19;
	v14 =	vadd.f32 v14, v20;
	v28 =	vmul.f32 v59, v17  }
0x90: {  	s1 =	sadd.s32 $0x10, s7;
	s2 =	sor.u32 s2, s0;
	v19 =	vld [tilespmem:s20+$0x0];
	v20 =	vmul.f32 v60, v17;
	v15 =	vadd.f32 v15, v21;
	v16 =	vadd.f32 v16, v26  }
0x91: {  	s21 =	sor.u32 $0x300, s1;
	v62 =	vld [tilespmem:s2+$0x0];
	v25 =	vmul.f32 v55, v17;
	v21 =	vadd.f32 v23, v46;
	v26 =	vadd.f32 v28, v46  }
0x92: {  	s1 =	sor.u32 $0x380, s1;
	v63 =	vld [tilespmem:s21+$0x8000];
	v27 =	vmul.f32 v27, v17;
	v28 =	vadd.f32 v20, v46;
	v30 =	vmul.f32 v30, v17  }
0x93: {  	s22 =	sor.u32 s29, s8;
	v23 =	vld [tilespmem:s1+$0x8000];
	v24 =	vmul.f32 v24, v17;
	v21 =	vadd.f32 v25, v21;
	v25 =	vadd.f32 v29, v26  }
0x94: {  	s23 =	sor.u32 s29, s11;
	v20 =	vld [tilespmem:s22+$0x0];
	v26 =	vadd.f32 v27, v28;
	v29 =	vmul.f32 v31, v17;
	v28 =	vadd.f32 v30, v18  }
0x95: {  	s24 =	sor.u32 s29, s13;
	v18 =	vld [tilespmem:s23+$0x0];
	v21 =	vadd.f32 v33, v21;
	v30 =	vadd.f32 v61, v25;
	v25 =	vmul.f32 v19, v17  }
0x96: {  	s31 =	sor.u32 s29, s15;
	v19 =	vld [tilespmem:s24+$0x0];
	v27 =	vadd.f32 v24, v26;
	v28 =	vadd.f32 v29, v28;
	v29 =	vmul.f32 v62, v17  }
0x97: {  	s30 =	simm.s32 $0x100;
	s1 =	sor.u32 s29, s19;
	v24 =	vmul.f32 v63, v5;
	v17 =	vadd.f32 v56, v21;
	v26 =	vadd.f32 v58, v30;
	v21 =	vld [tilespmem:s31+$0x0]  }
.LBB2_18:
0x98: {  	s28 =	sadd.s32 $0x20, s28;
	v25 =	vadd.f32 v25, v27;
	v27 =	vadd.f32 v29, v28;
	v23 =	vmul.f32 v23, v5;
	v28 =	vld [tilespmem:s1+$0x0];
	s0 =	sor.u32 s29, s0;
	s26 =	sadd.s32 $0x20, s26  }
0x99: {  	s2 =	sand.u32 $0x1C00, s30;
	s31 =	sand.u32 $0x60, s28;
	s1 =	sor.u32 s30, s28;
	v12 =	vadd.f32 v12, v17;
	v22 =	vadd.f32 v22, v26;
	v20 =	vmul.f32 v20, v5;
	v26 =	vld [tilespmem:s0+$0x0]  }
0x9a: {  	s22 =	sor.u32 $0xE000, s2;
	v17 =	vld [tilespmem:s26+$0x0];
	s0 =	sor.u32 $0x380, s1;
	s29 =	sor.u32 $0x10, s31;
	v24 =	vadd.f32 v24, v25;
	v23 =	vadd.f32 v23, v27;
	v18 =	vmul.f32 v18, v5  }
0x9b: {  	p0 =	slt.u32 s28, $0x3E0;
	s1 =	sor.u32 $0xE080, s2;
	v25 =	vld [tilespmem:s0+$0x8000];
	s0 =	sor.u32 s29, s22;
	v10 =	vadd.f32 v10, v12;
	v11 =	vadd.f32 v11, v22;
	v12 =	vmul.f32 v19, v5  }
0x9c: {  	s13 =	sor.u32 $0xE100, s2;
	v22 =	vld [tilespmem:s0+$0x0];
	s0 =	sor.u32 s29, s1;
	v19 =	vadd.f32 v20, v24;
	v18 =	vadd.f32 v18, v23;
	v20 =	vmul.f32 v21, v5  }
0x9d: {  	s19 =	sor.u32 $0xE180, s2;
	s3 =	sor.u32 s29, s13;
	v24 =	vld [tilespmem:s0+$0x0];
	v8 =	vadd.f32 v8, v10;
	v9 =	vadd.f32 v9, v11;
	v10 =	vmul.f32 v28, v5  }
0x9e: {  	s5 =	sor.u32 s29, s19;
	s0 =	sor.u32 $0xE200, s2;
	v11 =	vld [tilespmem:s3+$0x0];
	v12 =	vadd.f32 v12, v19;
	v21 =	vadd.f32 v20, v18;
	v5 =	vmul.f32 v26, v5  }
0x9f: {  	s3 =	sor.u32 $0xE280, s2;
	s6 =	sor.u32 s29, s0;
	v26 =	vld [tilespmem:s5+$0x0];
	v18 =	vadd.f32 v6, v8;
	v19 =	vadd.f32 v7, v9  }
0xa0: {  	s5 =	sor.u32 $0xC000, s2;
	v6 =	vld [tilespmem:s6+$0x0];
	s6 =	sor.u32 s29, s3;
	v20 =	vadd.f32 v10, v12;
	v21 =	vadd.f32 v5, v21  }
0xa1: {  	s8 =	sor.u32 $0xC080, s2;
	s7 =	sor.u32 s29, s5;
	v7 =	vld [tilespmem:s6+$0x0]  }
0xa2: {  	s14 =	sor.u32 $0xC100, s2;
	s6 =	sor.u32 s29, s8;
	v8 =	vld [tilespmem:s7+$0x0]  }
0xa3: {  	s7 =	sor.u32 $0xC180, s2;
	v9 =	vld [tilespmem:s6+$0x0];
	s6 =	sor.u32 s29, s14  }
0xa4: {  	s10 =	sor.u32 $0xC200, s2;
	v10 =	vld [tilespmem:s6+$0x0];
	s6 =	sor.u32 s29, s7  }
0xa5: {  	s9 =	sor.u32 $0xC280, s2;
	v12 =	vld [tilespmem:s6+$0x0];
	s6 =	sor.u32 s29, s10  }
0xa6: {  	s24 =	sor.u32 $0xA000, s2;
	s11 =	sor.u32 s29, s9;
	v32 =	vld [tilespmem:s6+$0x0]  }
0xa7: {  	s12 =	sor.u32 s29, s24;
	s6 =	sor.u32 $0xA080, s2;
	v33 =	vld [tilespmem:s11+$0x0]  }
0xa8: {  	s21 =	sor.u32 $0xA100, s2;
	s11 =	sor.u32 s29, s6;
	v34 =	vld [tilespmem:s12+$0x0]  }
0xa9: {  	s20 =	sor.u32 $0xA180, s2;
	v35 =	vld [tilespmem:s11+$0x0];
	s11 =	sor.u32 s29, s21  }
0xaa: {  	s12 =	sor.u32 $0xA200, s2;
	v36 =	vld [tilespmem:s11+$0x0];
	s11 =	sor.u32 s29, s20  }
0xab: {  	s18 =	sand.u32 $0x380, s28;
	s23 =	sor.u32 s29, s12;
	v37 =	vld [tilespmem:s11+$0x0]  }
0xac: {  	s18 =	sor.u32 s29, s18;
	s11 =	sor.u32 $0xA280, s2;
	v38 =	vld [tilespmem:s23+$0x0]  }
0xad: {  	s23 =	sor.u32 $0x8000, s2;
	s15 =	sor.u32 s29, s11;
	v5 =	vld [tilespmem:s18+$0x18400]  }
0xae: {  	s18 =	sor.u32 s29, s23;
	v39 =	vld [tilespmem:s15+$0x0]  }
0xaf: {  	v40 =	vld [tilespmem:s18+$0x0]  }
0xb0: {  	v41 =	vld [tilespmem:s18+$0x80]  }
0xb1: {  	v42 =	vld [tilespmem:s18+$0x100]  }
0xb2: {  	v23 =	vmul.f32 v25, v17;
	v43 =	vld [tilespmem:s18+$0x180];
	v25 =	vmul.f32 v22, v5  }
0xb3: {  	s15 =	sor.u32 s31, s22;
	v27 =	vmul.f32 v24, v5;
	v24 =	vmul.f32 v11, v5;
	v22 =	vld [tilespmem:s18+$0x200]  }
0xb4: {  	s1 =	sor.u32 s31, s1;
	v26 =	vmul.f32 v26, v5;
	v6 =	vmul.f32 v6, v5;
	v44 =	vld [tilespmem:s15+$0x0]  }
0xb5: {  	s5 =	sor.u32 s31, s5;
	v29 =	vmul.f32 v8, v5;
	v7 =	vmul.f32 v7, v5;
	v45 =	vld [tilespmem:s1+$0x0]  }
0xb6: {  	v31 =	vmul.f32 v9, v5;
	v28 =	vmul.f32 v10, v5;
	s1 =	sor.u32 s31, s8;
	v46 =	vld [tilespmem:s5+$0x0]  }
0xb7: {  	v30 =	vmul.f32 v12, v5;
	v8 =	vmul.f32 v32, v5;
	s5 =	sor.u32 s31, s24;
	v47 =	vld [tilespmem:s1+$0x0]  }
0xb8: {  	v34 =	vmul.f32 v34, v5;
	v9 =	vmul.f32 v33, v5;
	v32 =	vld [tilespmem:s5+$0x0];
	s5 =	sor.u32 s31, s6  }
0xb9: {  	v35 =	vmul.f32 v35, v5;
	v36 =	vmul.f32 v36, v5;
	s1 =	sor.u32 s31, s23;
	v33 =	vld [tilespmem:s5+$0x0]  }
0xba: {  	v37 =	vmul.f32 v37, v5;
	v10 =	vmul.f32 v38, v5;
	v48 =	vld [tilespmem:s1+$0x0]  }
0xbb: {  	v11 =	vmul.f32 v39, v5;
	v40 =	vmul.f32 v40, v5;
	v38 =	vld [tilespmem:s1+$0x80]  }
0xbc: {  	v41 =	vmul.f32 v41, v5;
	v42 =	vmul.f32 v42, v5;
	v39 =	vld [tilespmem:s1+$0x100]  }
0xbd: {  	v43 =	vmul.f32 v43, v5;
	v12 =	vmul.f32 v22, v5;
	s5 =	sor.u32 s31, s21;
	v49 =	vld [tilespmem:s1+$0x180]  }
0xbe: {  	v44 =	vmul.f32 v44, v17;
	v45 =	vmul.f32 v45, v17;
	v22 =	vld [tilespmem:s5+$0x0];
	s5 =	sor.u32 s31, s20  }
0xbf: {  	v46 =	vmul.f32 v46, v17;
	v47 =	vmul.f32 v47, v17;
	v50 =	vld [tilespmem:s5+$0x0];
	s5 =	sor.u32 s31, s14  }
0xc0: {  	v32 =	vmul.f32 v32, v17;
	v33 =	vmul.f32 v33, v17;
	v51 =	vld [tilespmem:s5+$0x0];
	s5 =	sor.u32 s31, s7  }
0xc1: {  	v48 =	vmul.f32 v48, v17;
	v38 =	vmul.f32 v38, v17;
	v52 =	vld [tilespmem:s5+$0x0];
	s5 =	sor.u32 s31, s13  }
0xc2: {  	v39 =	vmul.f32 v39, v17;
	v49 =	vmul.f32 v49, v17;
	v53 =	vld [tilespmem:s5+$0x0];
	s5 =	sor.u32 s31, s19  }
0xc3: {  	v13 =	vadd.f32 v48, v13;
	v14 =	vadd.f32 v38, v14;
	v22 =	vmul.f32 v22, v17;
	v38 =	vld [tilespmem:s5+$0x0]  }
0xc4: {  	s0 =	sor.u32 s31, s0;
	v15 =	vadd.f32 v39, v15;
	v16 =	vadd.f32 v49, v16;
	v39 =	vmul.f32 v50, v17;
	v48 =	vld [tilespmem:s18+$0x280]  }
0xc5: {  	v13 =	vadd.f32 v32, v13;
	v14 =	vadd.f32 v33, v14;
	v32 =	vmul.f32 v51, v17;
	v33 =	vld [tilespmem:s0+$0x0];
	s0 =	sor.u32 s31, s3  }
0xc6: {  	v15 =	vadd.f32 v22, v15;
	s3 =	sor.u32 s31, s10;
	v16 =	vadd.f32 v39, v16;
	v22 =	vmul.f32 v52, v17;
	v39 =	vld [tilespmem:s0+$0x0]  }
0xc7: {  	v13 =	vadd.f32 v46, v13;
	v14 =	vadd.f32 v47, v14;
	s0 =	sor.u32 s31, s9;
	v46 =	vld [tilespmem:s3+$0x0];
	v47 =	vmul.f32 v53, v17  }
0xc8: {  	s25 =	sadd.s32 $0x1, s25;
	s3 =	sor.u32 s31, s12;
	v15 =	vadd.f32 v32, v15;
	v16 =	vadd.f32 v22, v16;
	v32 =	vld [tilespmem:s0+$0x0];
	v38 =	vmul.f32 v38, v17  }
0xc9: {  	v13 =	vadd.f32 v44, v13;
	s0 =	sand.u32 $0x3, s25;
	v14 =	vadd.f32 v45, v14;
	v49 =	vld [tilespmem:s3+$0x0];
	s3 =	sor.u32 s31, s11;
	v22 =	vmul.f32 v48, v5  }
0xca: {  	s0 =	sshll.u32 s0, $0x5;
	v15 =	vadd.f32 v47, v15;
	v44 =	vld [tilespmem:s3+$0x0];
	v16 =	vadd.f32 v38, v16;
	v33 =	vmul.f32 v33, v17  }
0xcb: {  	v13 =	vadd.f32 v40, v13;
	s3 =	sadd.s32 s0, s30;
	v14 =	vadd.f32 v41, v14;
	v38 =	vld [tilespmem:s1+$0x200];
	v39 =	vmul.f32 v39, v17  }
0xcc: {  	s0 =	sor.u32 $0x300, s3;
	v15 =	vadd.f32 v42, v15;
	v40 =	vld [tilespmem:s1+$0x280];
	s1 =	sor.u32 $0xA300, s2;
	v41 =	vmul.f32 v46, v17;
	v16 =	vadd.f32 v43, v16  }
0xcd: {  	s5 =	sor.u32 $0xA380, s2;
	v13 =	vadd.f32 v34, v13;
	v14 =	vadd.f32 v35, v14;
	v42 =	vld [tilespmem:s0+$0x8000];
	s0 =	sor.u32 s31, s1;
	v32 =	vmul.f32 v32, v17  }
0xce: {  	s6 =	sor.u32 $0xC300, s2;
	v15 =	vadd.f32 v36, v15;
	v34 =	vmul.f32 v49, v17;
	v35 =	vld [tilespmem:s0+$0x0];
	s0 =	sor.u32 s31, s5;
	v16 =	vadd.f32 v37, v16  }
0xcf: {  	s7 =	sor.u32 $0xC380, s2;
	v13 =	vadd.f32 v29, v13;
	v14 =	vadd.f32 v31, v14;
	v36 =	vmul.f32 v44, v17;
	v37 =	vld [tilespmem:s0+$0x0];
	s0 =	sor.u32 s31, s6  }
0xd0: {  	s8 =	sor.u32 $0xE300, s2;
	v15 =	vadd.f32 v28, v15;
	v29 =	vmul.f32 v38, v17;
	v31 =	vld [tilespmem:s0+$0x0];
	s0 =	sor.u32 s31, s7;
	v16 =	vadd.f32 v30, v16  }
0xd1: {  	s9 =	sor.u32 s31, s8;
	v13 =	vadd.f32 v25, v13;
	v14 =	vadd.f32 v27, v14;
	v28 =	vmul.f32 v40, v17;
	v30 =	vld [tilespmem:s0+$0x0];
	s0 =	sor.u32 $0xE380, s2  }
0xd2: {  	s3 =	sadd.s32 $0x10, s3;
	v15 =	vadd.f32 v24, v15;
	v25 =	vmul.f32 v42, v17;
	v27 =	vld [tilespmem:s9+$0x0];
	s2 =	sor.u32 s31, s0;
	v16 =	vadd.f32 v26, v16  }
0xd3: {  	v18 =	vadd.f32 v29, v18;
	v19 =	vadd.f32 v28, v19;
	v24 =	vmul.f32 v35, v17;
	v26 =	vld [tilespmem:s2+$0x0];
	s2 =	sor.u32 $0x300, s3  }
0xd4: {  	v21 =	vadd.f32 v23, v21;
	v20 =	vadd.f32 v25, v20;
	v25 =	vmul.f32 v37, v17;
	v35 =	vld [tilespmem:s2+$0x8000];
	s2 =	sor.u32 $0x380, s3  }
.Ltmp5:
0xd5: {  	s1 =	sor.u32 s29, s1;
	v18 =	vadd.f32 v34, v18;
	v19 =	vadd.f32 v36, v19;
	v28 =	vmul.f32 v31, v17;
	v23 =	vld [tilespmem:s2+$0x8000];
	(pc) =	sbr.rel @p0 .LBB2_18-.Ltmp5, $4  }
0xd6: {  	v24 =	vadd.f32 v24, v20;
	v21 =	vadd.f32 v25, v21;
	v29 =	vmul.f32 v30, v17;
	v20 =	vld [tilespmem:s1+$0x0];
	s1 =	sor.u32 s29, s5  }
0xd7: {  	v30 =	vadd.f32 v41, v18;
	v31 =	vadd.f32 v32, v19;
	v25 =	vmul.f32 v27, v17;
	v18 =	vld [tilespmem:s1+$0x0];
	s1 =	sor.u32 s29, s6  }
0xd8: {  	v27 =	vadd.f32 v28, v24;
	v28 =	vadd.f32 v29, v21;
	v29 =	vmul.f32 v26, v17;
	v19 =	vld [tilespmem:s1+$0x0];
	s1 =	sor.u32 s29, s7  }
0xd9: {  	s30 =	sadd.s32 $0x100, s30;
	v17 =	vadd.f32 v33, v30;
	v26 =	vadd.f32 v39, v31;
	v24 =	vmul.f32 v35, v5;
	v21 =	vld [tilespmem:s1+$0x0];
	s1 =	sor.u32 s29, s8  }
0xda: {  	v25 =	vadd.f32 v25, v27;
	v50 =	vadd.f32 v29, v28;
	v23 =	vmul.f32 v23, v5;
	v51 =	vld [tilespmem:s1+$0x0];
	s0 =	sor.u32 s29, s0  }
0xdb: {  	v12 =	vadd.f32 v12, v17;
	v52 =	vadd.f32 v22, v26;
	v20 =	vmul.f32 v20, v5;
	v53 =	vld [tilespmem:s0+$0x0]  }
0xdc: {  	v24 =	vadd.f32 v24, v25;
	v23 =	vadd.f32 v23, v50;
	v18 =	vmul.f32 v18, v5  }
0xdd: {  	v10 =	vadd.f32 v10, v12;
	v11 =	vadd.f32 v11, v52;
	v54 =	vmul.f32 v19, v5  }
0xde: {  	v55 =	vadd.f32 v20, v24;
	v18 =	vadd.f32 v18, v23;
	v56 =	vmul.f32 v21, v5  }
0xdf: {  	v8 =	vadd.f32 v8, v10;
	v9 =	vadd.f32 v9, v11;
	v57 =	vmul.f32 v51, v5  }
0xe0: {  	v58 =	vadd.f32 v54, v55;
	v59 =	vadd.f32 v56, v18;
	v5 =	vmul.f32 v53, v5  }
0xe1: {  	v6 =	vadd.f32 v6, v8;
	v7 =	vadd.f32 v7, v9  }
0xe2: {  	v60 =	vadd.f32 v57, v58;
	v5 =	vadd.f32 v5, v59  }
0xe3: {  	v61 =	vadd.f32 v14, v13;
	v62 =	vadd.f32 v16, v15  }
0xe4: {  	v6 =	vadd.f32 v7, v6;
	v5 =	vadd.f32 v5, v60  }
0xe5: {  	v7 =	vld [tilespmem:$0x18880]  }
0xe6: {  	v63 =	vadd.f32 v62, v61;
	v5 =	vadd.f32 v5, v6;
	_ =	sdelay $0x1  }
0xe7: {  	v5 =	vadd.f32 v5, v63;
	_ =	sdelay $0x1  }
0xe8: {  	v5 =	vadd.f32 v7, v5  }
0xe9: {  	s6 =	rddreg [dreg:$0xd]  }
0xea: {  	s29 =	sand.u32 $0x7FFFFFF0, s6;
	[tilespmem:$0x18880] =	vst v5  }
0xeb: {  	v5 =	vld [tilespmem:s29+$0x18800];
	_ =	sdelay $0x2  }
0xec: {  	s30 =	sand.u32 $0xF, s6  }
0xed: {  	v6 =	vmov s30  }
0xee: {  	vm2 =	veq.s32 v6, v4;
	vm1 =	vne.s32 v5, $0x0  }
0xef: {  	vm1 =	vmand vm2, vm1  }
0xf0: {  	v5 =	vsel vm1, $0x3F800000, v1  }
0xf1: {  	(xrf0) =	vmax.scan.msk.f32 $0xffff, v5;
	_ =	sdelay $0x5  }
0xf2: {  	v5, _, _ =	vpop (xrf0)  }
0xf3: {  	(v2sf) =	vpush v5, $0xF;
	_ =	sdelay $0xe  }
0xf4: {  	s31 =	spop (v2sf)  }
0xf5: {  	p0 =	sgt.f32 s31, $0.0e+00  }
.Ltmp6:
0xf6: {  	_ = 	snop;
	(pc) =	sbr.rel @!p0 .LBB2_23-.Ltmp6, $3  }
0xf7: {  	_ =	sdelay $0x1  }
0xf8: {  	s15 =	rddreg [dreg:$0x5]  }
0xf9: {  	s3 =	rddreg [dreg:$0xe]  }
0xfa: {  	s0 =	simm.s32 $0x18000  }
0xfb: {  	v5 =	vmov s3;
	s1 =	simm.s32 $0x0;
	s2 =	simm.s32 $0x10;
	v6 =	vld [tilespmem:s0+$0x0]  }
.LBB2_21:
0xfc: {  	p0 =	sne.s32 s2, $0x3F0;
	_ =	sdelay $0x1  }
0xfd: {  	v7 =	vmov s1  }
0xfe: {  	v8 =	vor.u32 s1, v4;
	s1 =	smov.u32 s2;
	v7 =	vshll.u32 v7, $0x3  }
0xff: {  	v8 =	vand.u32 $0x7F, v8;
	v7 =	vand.u32 $0x1C00, v7;
	v9 =	vshll.u32 v6, $0xA  }
0x100: {  	v7 =	vor.u32 v7, v8;
	v10 =	vshll.u32 v6, $0x7;
	v9 =	vand.u32 $0x6000, v9  }
0x101: {  	v8 =	vand.u32 $0x380, v10;
	v7 =	vor.u32 v9, v7  }
0x102: {  	v7 =	vor.u32 v8, v7;
	_ =	sdelay $0x4  }
0x103: {  	v7 =	vld.idx.msk [tilespmem:v7+s16+$0x0], $0xffff;
	_ =	sdelay $0x1  }
0x104: {  	v8 =	vld [tilespmem:$0x18900]  }
0x105: {  	v9 =	vshrl.u32 v6, $0x5  }
0x106: {  	vm1 =	vne.s32 v6, $0x0;
	vm2 =	veq.s32 v9, v5  }
0x107: {  	vm1 =	vmand vm1, vm2  }
.Ltmp7:
0x108: {  	v6 =	vnsel vm1, $0x0, v7;
	(pc) =	sbr.rel @p0 .LBB2_21-.Ltmp7, $3  }
0x109: {  	v6 =	vadd.f32 v6, v8;
	_ =	sdelay $0x1  }
0x10a: {  	s0 =	sadd.s32 $0x10, s0;
	[tilespmem:$0x18900] =	vst v6  }
0x10b: {  	s2 =	sadd.s32 $0x10, s2;
	v6 =	vld [tilespmem:s0+$0x0]  }
0x10c: {  	_ =	sdelay $0x1  }
0x10d: {  	v7 =	vmov s1  }
0x10e: {  	v8 =	vor.u32 s1, v4;
	v7 =	vshll.u32 v7, $0x3  }
0x10f: {  	v8 =	vand.u32 $0x7F, v8;
	v7 =	vand.u32 $0x1C00, v7;
	v9 =	vshll.u32 v6, $0xA  }
0x110: {  	v7 =	vor.u32 v7, v8;
	v10 =	vshll.u32 v6, $0x7;
	v9 =	vand.u32 $0x6000, v9  }
0x111: {  	v61 =	vand.u32 $0x380, v10;
	v7 =	vor.u32 v9, v7  }
0x112: {  	v7 =	vor.u32 v61, v7;
	_ =	sdelay $0x4  }
0x113: {  	v7 =	vld.idx.msk [tilespmem:v7+s16+$0x0], $0xffff  }
0x114: {  	v62 =	vld [tilespmem:$0x18900]  }
0x115: {  	v63 =	vshrl.u32 v6, $0x5  }
0x116: {  	vm1 =	vne.s32 v6, $0x0;
	vm2 =	veq.s32 v63, v5  }
0x117: {  	vm1 =	vmand vm1, vm2  }
0x118: {  	v5 =	vnsel vm1, $0x0, v7  }
0x119: {  	v5 =	vadd.f32 v5, v62;
	_ =	sdelay $0x1  }
0x11a: {  	[tilespmem:$0x18900] =	vst v5  }
.LBB2_23:
0x11b: {  	p0 =	sne.s32 s3, $0x0  }
.Ltmp8:
0x11c: {  	_ = 	snop;
	(pc) =	sbr.rel @p0 .LBB2_27-.Ltmp8, $1  }
0x11d: {  	_ =	sdelay $0x3  }
0x11e: {  	s0 =	simm.s32 $0x0  }
0x11f: {  	s1 =	sand.u32 $0x7000, s0  }
0x120: {  	s2 =	simm.s32 $0x18400;
	s0 =	sand.u32 $0x70, s0;
	s1 =	sshrl.u32 s1, $0x2  }
0x121: {  	v5 =	vld [tilespmem:s2+$0x0];
	s0 =	sor.u32 s0, s1  }
0x122: {  	v6 =	vld [tilespmem:s0+$0x8000];
	_ =	sdelay $0x1  }
0x123: {  	v7 =	vld [tilespmem:$0x18980];
	_ =	sdelay $0x2  }
0x124: {  	v5 =	vmul.f32 v5, v6;
	_ =	sdelay $0x1  }
0x125: {  	s3 =	simm.s32 $0x10;
	s1 =	simm.s32 $0x200;
	v5 =	vadd.f32 v5, v7  }
0x126: {  	s2 =	simm.s32 $0x20;
	s5 =	sand.u32 $0x7000, s1;
	s0 =	simm.s32 $0x18410  }
.LBB2_25:
0x127: {  	p0 =	sne.s32 s2, $0x3F0;
	s3 =	sand.u32 $0x70, s3;
	s5 =	sshrl.u32 s5, $0x2;
	[tilespmem:$0x18980] =	vst v5  }
0x128: {  	s5 =	sor.u32 s3, s5;
	v6 =	vld [tilespmem:s0+$0x0];
	s3 =	smov.u32 s2  }
0x129: {  	v7 =	vld [tilespmem:s5+$0x8000];
	_ =	sdelay $0x3  }
.Ltmp9:
0x12a: {  	(pc) =	sbr.rel @p0 .LBB2_25-.Ltmp9, $3  }
0x12b: {  	v6 =	vmul.f32 v6, v7;
	_ =	sdelay $0x1  }
0x12c: {  	s1 =	sadd.s32 $0x200, s1;
	v5 =	vadd.f32 v6, v5  }
0x12d: {  	s2 =	sadd.s32 $0x10, s2;
	s0 =	sadd.s32 $0x10, s0;
	s5 =	sand.u32 $0x7000, s1  }
0x12e: {  	s1 =	sand.u32 $0x70, s3;
	s2 =	sshrl.u32 s5, $0x2;
	[tilespmem:$0x18980] =	vst v5  }
0x12f: {  	s1 =	sor.u32 s1, s2;
	v6 =	vld [tilespmem:s0+$0x0]  }
0x130: {  	v7 =	vld [tilespmem:s1+$0x8000];
	_ =	sdelay $0x4  }
.Ltmp10:
0x131: {  	v6 =	vmul.f32 v6, v7;
	(pc) =	sbr.rel .LBB2_27-.Ltmp10, $3  }
0x132: {  	_ = 	snop  }
0x133: {  	v5 =	vadd.f32 v6, v5;
	_ =	sdelay $0x1  }
0x134: {  	[tilespmem:$0x18980] =	vst v5  }
.LBB2_28:
0x135: {  	s0 =	simm.s32 $0x3  }
0x136: {  	s25 =	simm.s32 $0x0;
	s28 =	simm.s32 $0x0;
	_ =	swait.ge [sflag:s0], $0x8000  }
0x137: {  	s26 =	simm.s32 $0x18400;
	s2 =	sand.u32 $0x60, s28;
	[sflag:s0] =	ssyncset.done $0x0  }
0x138: {  	s30 =	sand.u32 $0x1C00, s25;
	s15 =	sor.u32 s25, s28;
	[sflag:s0] =	ssyncadd.s32 $0xFFFF8000  }
0x139: {  	s8 =	sor.u32 $0x16000, s30;
	s29 =	sor.u32 $0x10, s2;
	s0 =	sor.u32 $0x380, s15;
	v17 =	vld [tilespmem:s26+$0x0]  }
0x13a: {  	s10 =	sor.u32 $0x16100, s30;
	s18 =	sor.u32 s29, s8;
	v6 =	vld [tilespmem:s0+$0x10000]  }
0x13b: {  	s7 =	sor.u32 $0x16180, s30;
	s20 =	sor.u32 s29, s10;
	v7 =	vld [tilespmem:s18+$0x0]  }
0x13c: {  	s3 =	sor.u32 $0x16200, s30;
	s1 =	sor.u32 s29, s7;
	v9 =	vld [tilespmem:s20+$0x0]  }
0x13d: {  	s14 =	sor.u32 $0x14100, s30;
	s21 =	sor.u32 s29, s3;
	v10 =	vld [tilespmem:s1+$0x0]  }
0x13e: {  	s13 =	sor.u32 $0x14180, s30;
	s24 =	sor.u32 s29, s14;
	v11 =	vld [tilespmem:s21+$0x0]  }
0x13f: {  	s9 =	sor.u32 $0x14280, s30;
	s31 =	sor.u32 s29, s13;
	v21 =	vld [tilespmem:s24+$0x0]  }
0x140: {  	s6 =	sor.u32 s29, s9;
	v22 =	vld [tilespmem:s31+$0x0]  }
0x141: {  	s8 =	sor.u32 s2, s8;
	v24 =	vld [tilespmem:s6+$0x0]  }
0x142: {  	s15 =	sor.u32 $0x16080, s30;
	s3 =	sor.u32 s2, s3;
	v31 =	vld [tilespmem:s8+$0x0]  }
0x143: {  	s19 =	sor.u32 s29, s15;
	v63 =	vld [tilespmem:s3+$0x0]  }
0x144: {  	s15 =	sor.u32 s2, s15;
	v8 =	vld [tilespmem:s19+$0x0]  }
0x145: {  	s0 =	sor.u32 $0x16280, s30;
	s3 =	sor.u32 s2, s9;
	v32 =	vld [tilespmem:s15+$0x0]  }
0x146: {  	s18 =	sor.u32 $0x14000, s30;
	s22 =	sor.u32 s29, s0;
	v53 =	vld [tilespmem:s3+$0x0]  }
0x147: {  	s20 =	sor.u32 $0x12000, s30;
	s5 =	sor.u32 s29, s18;
	v12 =	vld [tilespmem:s22+$0x0]  }
0x148: {  	s1 =	sor.u32 $0x12200, s30;
	s12 =	sor.u32 s29, s20;
	v19 =	vld [tilespmem:s5+$0x0]  }
0x149: {  	s24 =	sor.u32 s29, s1;
	v25 =	vld [tilespmem:s12+$0x0]  }
0x14a: {  	s18 =	sor.u32 s2, s18;
	v29 =	vld [tilespmem:s24+$0x0]  }
0x14b: {  	s19 =	sor.u32 $0x14080, s30;
	s0 =	sor.u32 s2, s0;
	v33 =	vld [tilespmem:s18+$0x0]  }
0x14c: {  	s11 =	sor.u32 $0x14200, s30;
	s23 =	sor.u32 s29, s19;
	v50 =	vld [tilespmem:s0+$0x0]  }
0x14d: {  	s21 =	sor.u32 $0x12080, s30;
	s5 =	sor.u32 s29, s11;
	v20 =	vld [tilespmem:s23+$0x0]  }
0x14e: {  	s22 =	sor.u32 s29, s21;
	v23 =	vld [tilespmem:s5+$0x0]  }
0x14f: {  	s24 =	sor.u32 s2, s20;
	v26 =	vld [tilespmem:s22+$0x0]  }
0x150: {  	s22 =	sand.u32 $0x380, s28;
	v35 =	vld [tilespmem:s24+$0x0];
	s24 =	sor.u32 s2, s7  }
0x151: {  	s6 =	sor.u32 $0x12100, s30;
	s22 =	sor.u32 s29, s22;
	v47 =	vld [tilespmem:s24+$0x0]  }
0x152: {  	s12 =	sor.u32 s29, s6;
	s5 =	sor.u32 $0x12180, s30;
	v5 =	vld [tilespmem:s22+$0x18400];
	v18 =	vmul.f32 v6, v17  }
0x153: {  	v27 =	vld [tilespmem:s12+$0x0];
	s12 =	sor.u32 $0x12280, s30;
	s23 =	sor.u32 s29, s5;
	v31 =	vmul.f32 v31, v17;
	v56 =	vmul.f32 v63, v17  }
0x154: {  	s31 =	sor.u32 s29, s12;
	v28 =	vld [tilespmem:s23+$0x0];
	v32 =	vmul.f32 v32, v17;
	v61 =	vmul.f32 v53, v17  }
0x155: {  	s5 =	sor.u32 s2, s5;
	v30 =	vld [tilespmem:s31+$0x0];
	v33 =	vmul.f32 v33, v17;
	v58 =	vmul.f32 v50, v17  }
0x156: {  	s22 =	sor.u32 s2, s19;
	s23 =	sor.u32 $0x10000, s30;
	v42 =	vld [tilespmem:s5+$0x0];
	v35 =	vmul.f32 v35, v17;
	v54 =	vmul.f32 v47, v17  }
0x157: {  	v34 =	vld [tilespmem:s22+$0x0];
	s20 =	sor.u32 s2, s23;
	v13 =	vmul.f32 v7, v5;
	v14 =	vmul.f32 v8, v5  }
0x158: {  	s31 =	sor.u32 s29, s23;
	v41 =	vld [tilespmem:s20+$0x180];
	v15 =	vmul.f32 v9, v5;
	v16 =	vmul.f32 v10, v5  }
0x159: {  	v7 =	vmul.f32 v12, v5;
	v12 =	vld [tilespmem:s31+$0x100];
	v39 =	vmul.f32 v22, v5  }
0x15a: {  	v8 =	vmul.f32 v23, v5;
	v22 =	vld [tilespmem:s31+$0x200];
	v23 =	vmul.f32 v25, v5  }
0x15b: {  	v25 =	vmul.f32 v26, v5;
	v26 =	vmul.f32 v27, v5;
	v27 =	vld [tilespmem:s20+$0x0]  }
0x15c: {  	v6 =	vmul.f32 v11, v5;
	v10 =	vmul.f32 v29, v5;
	v29 =	vld [tilespmem:s20+$0x80]  }
0x15d: {  	s19 =	sor.u32 s2, s21;
	v19 =	vmul.f32 v19, v5;
	v11 =	vmul.f32 v30, v5;
	v30 =	vld [tilespmem:s20+$0x100]  }
0x15e: {  	s6 =	sor.u32 s2, s6;
	v20 =	vmul.f32 v20, v5;
	v9 =	vmul.f32 v24, v5;
	v24 =	vld [tilespmem:s19+$0x0]  }
0x15f: {  	s22 =	sor.u32 s2, s13;
	v40 =	vmul.f32 v12, v5;
	v12 =	vmul.f32 v22, v5;
	v22 =	vld [tilespmem:s6+$0x0]  }
0x160: {  	s21 =	sor.u32 s2, s14;
	v44 =	vld [tilespmem:s22+$0x0];
	v42 =	vmul.f32 v42, v17;
	v34 =	vmul.f32 v34, v17  }
0x161: {  	v46 =	vimm.f32 $0.0e+00;
	v43 =	vld [tilespmem:s21+$0x0];
	v27 =	vmul.f32 v27, v17;
	v29 =	vmul.f32 v29, v17  }
0x162: {  	s23 =	sor.u32 s2, s10;
	v36 =	vld [tilespmem:s31+$0x0];
	v18 =	vadd.f32 v18, v46;
	v41 =	vmul.f32 v41, v17;
	v30 =	vmul.f32 v30, v17  }
0x163: {  	v45 =	vld [tilespmem:s23+$0x0];
	v24 =	vmul.f32 v24, v17;
	v27 =	vadd.f32 v27, v46;
	v29 =	vadd.f32 v29, v46  }
0x164: {  	v37 =	vld [tilespmem:s31+$0x80];
	v41 =	vadd.f32 v41, v46;
	v30 =	vadd.f32 v30, v46;
	v22 =	vmul.f32 v22, v17  }
0x165: {  	v38 =	vld [tilespmem:s31+$0x180];
	v49 =	vmul.f32 v44, v17;
	v27 =	vadd.f32 v35, v27;
	v24 =	vadd.f32 v24, v29  }
0x166: {  	v29 =	vmul.f32 v43, v17;
	v22 =	vadd.f32 v22, v30;
	v30 =	vadd.f32 v42, v41  }
0x167: {  	v48 =	vld [tilespmem:s31+$0x280];
	s31 =	sor.u32 s2, s11;
	v36 =	vmul.f32 v36, v5;
	v27 =	vadd.f32 v33, v27;
	v24 =	vadd.f32 v34, v24  }
0x168: {  	s1 =	sor.u32 s2, s1;
	v51 =	vld [tilespmem:s31+$0x0];
	v52 =	vmul.f32 v45, v17;
	v29 =	vadd.f32 v29, v22;
	v30 =	vadd.f32 v49, v30  }
0x169: {  	v55 =	vld [tilespmem:s1+$0x0];
	s5 =	sand.u32 $0x3, s25;
	v37 =	vmul.f32 v37, v5;
	v27 =	vadd.f32 v31, v27;
	v24 =	vadd.f32 v32, v24  }
0x16a: {  	s0 =	sshll.u32 s5, $0x5;
	v57 =	vld [tilespmem:s20+$0x200];
	v38 =	vmul.f32 v38, v5;
	s6 =	sor.u32 s2, s12;
	v29 =	vadd.f32 v52, v29;
	v30 =	vadd.f32 v54, v30  }
0x16b: {  	s7 =	sadd.s32 $0x0, s0;
	v21 =	vmul.f32 v21, v5;
	v31 =	vld [tilespmem:s6+$0x0];
	v27 =	vadd.f32 v36, v27;
	v24 =	vadd.f32 v37, v24  }
0x16c: {  	s8 =	sor.u32 $0x12300, s30;
	v59 =	vld [tilespmem:s20+$0x280];
	s0 =	sor.u32 $0x300, s7;
	v28 =	vmul.f32 v28, v5;
	v29 =	vadd.f32 v40, v29;
	v30 =	vadd.f32 v38, v30  }
0x16d: {  	s10 =	sor.u32 s2, s8;
	v60 =	vld [tilespmem:s0+$0x10000];
	s11 =	sor.u32 $0x12380, s30;
	v33 =	vmul.f32 v51, v17;
	v23 =	vadd.f32 v23, v27;
	v24 =	vadd.f32 v25, v24  }
0x16e: {  	s13 =	sor.u32 $0x14300, s30;
	s12 =	sor.u32 s2, s11;
	v22 =	vmul.f32 v48, v5;
	v27 =	vld [tilespmem:s10+$0x0];
	v26 =	vadd.f32 v26, v29;
	v28 =	vadd.f32 v28, v30  }
0x16f: {  	s15 =	sor.u32 $0x14380, s30;
	s14 =	sor.u32 s2, s13;
	v19 =	vadd.f32 v19, v23;
	v20 =	vadd.f32 v20, v24;
	v23 =	vmul.f32 v57, v17;
	v30 =	vld [tilespmem:s12+$0x0]  }
0x170: {  	s18 =	sor.u32 s2, s15;
	s19 =	sor.u32 $0x16300, s30;
	v24 =	vld [tilespmem:s14+$0x0];
	v29 =	vmul.f32 v31, v17;
	v21 =	vadd.f32 v21, v26;
	v26 =	vadd.f32 v39, v28  }
0x171: {  	s0 =	sor.u32 $0x16380, s30;
	s20 =	sor.u32 s2, s19;
	v31 =	vld [tilespmem:s18+$0x0];
	v13 =	vadd.f32 v13, v19;
	v14 =	vadd.f32 v14, v20;
	v28 =	vmul.f32 v59, v17  }
0x172: {  	s1 =	sadd.s32 $0x10, s7;
	s2 =	sor.u32 s2, s0;
	v19 =	vld [tilespmem:s20+$0x0];
	v20 =	vmul.f32 v60, v17;
	v15 =	vadd.f32 v15, v21;
	v16 =	vadd.f32 v16, v26  }
0x173: {  	s21 =	sor.u32 $0x300, s1;
	v62 =	vld [tilespmem:s2+$0x0];
	v25 =	vmul.f32 v55, v17;
	v21 =	vadd.f32 v23, v46;
	v26 =	vadd.f32 v28, v46  }
0x174: {  	s1 =	sor.u32 $0x380, s1;
	v63 =	vld [tilespmem:s21+$0x10000];
	v27 =	vmul.f32 v27, v17;
	v28 =	vadd.f32 v20, v46;
	v30 =	vmul.f32 v30, v17  }
0x175: {  	s22 =	sor.u32 s29, s8;
	v23 =	vld [tilespmem:s1+$0x10000];
	v24 =	vmul.f32 v24, v17;
	v21 =	vadd.f32 v25, v21;
	v25 =	vadd.f32 v29, v26  }
0x176: {  	s23 =	sor.u32 s29, s11;
	v20 =	vld [tilespmem:s22+$0x0];
	v26 =	vadd.f32 v27, v28;
	v29 =	vmul.f32 v31, v17;
	v28 =	vadd.f32 v30, v18  }
0x177: {  	s24 =	sor.u32 s29, s13;
	v18 =	vld [tilespmem:s23+$0x0];
	v21 =	vadd.f32 v33, v21;
	v30 =	vadd.f32 v61, v25;
	v25 =	vmul.f32 v19, v17  }
0x178: {  	s31 =	sor.u32 s29, s15;
	v19 =	vld [tilespmem:s24+$0x0];
	v27 =	vadd.f32 v24, v26;
	v28 =	vadd.f32 v29, v28;
	v29 =	vmul.f32 v62, v17  }
0x179: {  	s30 =	simm.s32 $0x100;
	s1 =	sor.u32 s29, s19;
	v24 =	vmul.f32 v63, v5;
	v17 =	vadd.f32 v56, v21;
	v26 =	vadd.f32 v58, v30;
	v21 =	vld [tilespmem:s31+$0x0]  }
.LBB2_29:
0x17a: {  	s28 =	sadd.s32 $0x20, s28;
	v25 =	vadd.f32 v25, v27;
	v27 =	vadd.f32 v29, v28;
	v23 =	vmul.f32 v23, v5;
	v28 =	vld [tilespmem:s1+$0x0];
	s0 =	sor.u32 s29, s0;
	s26 =	sadd.s32 $0x20, s26  }
0x17b: {  	s2 =	sand.u32 $0x1C00, s30;
	s31 =	sand.u32 $0x60, s28;
	s1 =	sor.u32 s30, s28;
	v12 =	vadd.f32 v12, v17;
	v22 =	vadd.f32 v22, v26;
	v20 =	vmul.f32 v20, v5;
	v26 =	vld [tilespmem:s0+$0x0]  }
0x17c: {  	s22 =	sor.u32 $0x16000, s2;
	v17 =	vld [tilespmem:s26+$0x0];
	s0 =	sor.u32 $0x380, s1;
	s29 =	sor.u32 $0x10, s31;
	v24 =	vadd.f32 v24, v25;
	v23 =	vadd.f32 v23, v27;
	v18 =	vmul.f32 v18, v5  }
0x17d: {  	p0 =	slt.u32 s28, $0x3E0;
	s1 =	sor.u32 $0x16080, s2;
	v25 =	vld [tilespmem:s0+$0x10000];
	s0 =	sor.u32 s29, s22;
	v10 =	vadd.f32 v10, v12;
	v11 =	vadd.f32 v11, v22;
	v12 =	vmul.f32 v19, v5  }
0x17e: {  	s13 =	sor.u32 $0x16100, s2;
	v22 =	vld [tilespmem:s0+$0x0];
	s0 =	sor.u32 s29, s1;
	v19 =	vadd.f32 v20, v24;
	v18 =	vadd.f32 v18, v23;
	v20 =	vmul.f32 v21, v5  }
0x17f: {  	s19 =	sor.u32 $0x16180, s2;
	s3 =	sor.u32 s29, s13;
	v24 =	vld [tilespmem:s0+$0x0];
	v8 =	vadd.f32 v8, v10;
	v9 =	vadd.f32 v9, v11;
	v10 =	vmul.f32 v28, v5  }
0x180: {  	s5 =	sor.u32 s29, s19;
	s0 =	sor.u32 $0x16200, s2;
	v11 =	vld [tilespmem:s3+$0x0];
	v12 =	vadd.f32 v12, v19;
	v21 =	vadd.f32 v20, v18;
	v5 =	vmul.f32 v26, v5  }
0x181: {  	s3 =	sor.u32 $0x16280, s2;
	s6 =	sor.u32 s29, s0;
	v26 =	vld [tilespmem:s5+$0x0];
	v18 =	vadd.f32 v6, v8;
	v19 =	vadd.f32 v7, v9  }
0x182: {  	s5 =	sor.u32 $0x14000, s2;
	v6 =	vld [tilespmem:s6+$0x0];
	s6 =	sor.u32 s29, s3;
	v20 =	vadd.f32 v10, v12;
	v21 =	vadd.f32 v5, v21  }
0x183: {  	s8 =	sor.u32 $0x14080, s2;
	s7 =	sor.u32 s29, s5;
	v7 =	vld [tilespmem:s6+$0x0]  }
0x184: {  	s14 =	sor.u32 $0x14100, s2;
	s6 =	sor.u32 s29, s8;
	v8 =	vld [tilespmem:s7+$0x0]  }
0x185: {  	s7 =	sor.u32 $0x14180, s2;
	v9 =	vld [tilespmem:s6+$0x0];
	s6 =	sor.u32 s29, s14  }
0x186: {  	s10 =	sor.u32 $0x14200, s2;
	v10 =	vld [tilespmem:s6+$0x0];
	s6 =	sor.u32 s29, s7  }
0x187: {  	s9 =	sor.u32 $0x14280, s2;
	v12 =	vld [tilespmem:s6+$0x0];
	s6 =	sor.u32 s29, s10  }
0x188: {  	s24 =	sor.u32 $0x12000, s2;
	s11 =	sor.u32 s29, s9;
	v32 =	vld [tilespmem:s6+$0x0]  }
0x189: {  	s12 =	sor.u32 s29, s24;
	s6 =	sor.u32 $0x12080, s2;
	v33 =	vld [tilespmem:s11+$0x0]  }
0x18a: {  	s21 =	sor.u32 $0x12100, s2;
	s11 =	sor.u32 s29, s6;
	v34 =	vld [tilespmem:s12+$0x0]  }
0x18b: {  	s20 =	sor.u32 $0x12180, s2;
	v35 =	vld [tilespmem:s11+$0x0];
	s11 =	sor.u32 s29, s21  }
0x18c: {  	s12 =	sor.u32 $0x12200, s2;
	v36 =	vld [tilespmem:s11+$0x0];
	s11 =	sor.u32 s29, s20  }
0x18d: {  	s15 =	sand.u32 $0x380, s28;
	s18 =	sor.u32 s29, s12;
	v37 =	vld [tilespmem:s11+$0x0]  }
0x18e: {  	s15 =	sor.u32 s29, s15;
	s11 =	sor.u32 $0x12280, s2;
	v38 =	vld [tilespmem:s18+$0x0]  }
0x18f: {  	s23 =	sor.u32 $0x10000, s2;
	v5 =	vld [tilespmem:s15+$0x18400];
	s15 =	sor.u32 s29, s11  }
0x190: {  	s18 =	sor.u32 s29, s23;
	v39 =	vld [tilespmem:s15+$0x0]  }
0x191: {  	v40 =	vld [tilespmem:s18+$0x0]  }
0x192: {  	v41 =	vld [tilespmem:s18+$0x80]  }
0x193: {  	v42 =	vld [tilespmem:s18+$0x100]  }
0x194: {  	v23 =	vmul.f32 v25, v17;
	v43 =	vld [tilespmem:s18+$0x180];
	v25 =	vmul.f32 v22, v5  }
0x195: {  	s15 =	sor.u32 s31, s22;
	v27 =	vmul.f32 v24, v5;
	v24 =	vmul.f32 v11, v5;
	v22 =	vld [tilespmem:s18+$0x200]  }
0x196: {  	s1 =	sor.u32 s31, s1;
	v26 =	vmul.f32 v26, v5;
	v6 =	vmul.f32 v6, v5;
	v44 =	vld [tilespmem:s15+$0x0]  }
0x197: {  	s5 =	sor.u32 s31, s5;
	v29 =	vmul.f32 v8, v5;
	v7 =	vmul.f32 v7, v5;
	v45 =	vld [tilespmem:s1+$0x0]  }
0x198: {  	v31 =	vmul.f32 v9, v5;
	v28 =	vmul.f32 v10, v5;
	s1 =	sor.u32 s31, s8;
	v46 =	vld [tilespmem:s5+$0x0]  }
0x199: {  	v30 =	vmul.f32 v12, v5;
	v8 =	vmul.f32 v32, v5;
	s5 =	sor.u32 s31, s24;
	v47 =	vld [tilespmem:s1+$0x0]  }
0x19a: {  	v34 =	vmul.f32 v34, v5;
	v9 =	vmul.f32 v33, v5;
	v32 =	vld [tilespmem:s5+$0x0];
	s5 =	sor.u32 s31, s6  }
0x19b: {  	v35 =	vmul.f32 v35, v5;
	v36 =	vmul.f32 v36, v5;
	s1 =	sor.u32 s31, s23;
	v33 =	vld [tilespmem:s5+$0x0]  }
0x19c: {  	v37 =	vmul.f32 v37, v5;
	v10 =	vmul.f32 v38, v5;
	v48 =	vld [tilespmem:s1+$0x0]  }
0x19d: {  	v11 =	vmul.f32 v39, v5;
	v40 =	vmul.f32 v40, v5;
	v38 =	vld [tilespmem:s1+$0x80]  }
0x19e: {  	v41 =	vmul.f32 v41, v5;
	v42 =	vmul.f32 v42, v5;
	v39 =	vld [tilespmem:s1+$0x100]  }
0x19f: {  	v43 =	vmul.f32 v43, v5;
	v12 =	vmul.f32 v22, v5;
	s5 =	sor.u32 s31, s21;
	v49 =	vld [tilespmem:s1+$0x180]  }
0x1a0: {  	v44 =	vmul.f32 v44, v17;
	v45 =	vmul.f32 v45, v17;
	v22 =	vld [tilespmem:s5+$0x0];
	s5 =	sor.u32 s31, s20  }
0x1a1: {  	v46 =	vmul.f32 v46, v17;
	v47 =	vmul.f32 v47, v17;
	v50 =	vld [tilespmem:s5+$0x0];
	s5 =	sor.u32 s31, s14  }
0x1a2: {  	v32 =	vmul.f32 v32, v17;
	v33 =	vmul.f32 v33, v17;
	v51 =	vld [tilespmem:s5+$0x0];
	s5 =	sor.u32 s31, s7  }
0x1a3: {  	v48 =	vmul.f32 v48, v17;
	v38 =	vmul.f32 v38, v17;
	v52 =	vld [tilespmem:s5+$0x0];
	s5 =	sor.u32 s31, s13  }
0x1a4: {  	v39 =	vmul.f32 v39, v17;
	v49 =	vmul.f32 v49, v17;
	v53 =	vld [tilespmem:s5+$0x0];
	s5 =	sor.u32 s31, s19  }
0x1a5: {  	v13 =	vadd.f32 v48, v13;
	v14 =	vadd.f32 v38, v14;
	v22 =	vmul.f32 v22, v17;
	v38 =	vld [tilespmem:s5+$0x0]  }
0x1a6: {  	s0 =	sor.u32 s31, s0;
	v15 =	vadd.f32 v39, v15;
	v16 =	vadd.f32 v49, v16;
	v39 =	vmul.f32 v50, v17;
	v48 =	vld [tilespmem:s18+$0x280]  }
0x1a7: {  	v13 =	vadd.f32 v32, v13;
	v14 =	vadd.f32 v33, v14;
	v32 =	vmul.f32 v51, v17;
	v33 =	vld [tilespmem:s0+$0x0];
	s0 =	sor.u32 s31, s3  }
0x1a8: {  	v15 =	vadd.f32 v22, v15;
	s3 =	sor.u32 s31, s10;
	v16 =	vadd.f32 v39, v16;
	v22 =	vmul.f32 v52, v17;
	v39 =	vld [tilespmem:s0+$0x0]  }
0x1a9: {  	v13 =	vadd.f32 v46, v13;
	v14 =	vadd.f32 v47, v14;
	s0 =	sor.u32 s31, s9;
	v46 =	vld [tilespmem:s3+$0x0];
	v47 =	vmul.f32 v53, v17  }
0x1aa: {  	s25 =	sadd.s32 $0x1, s25;
	s3 =	sor.u32 s31, s12;
	v15 =	vadd.f32 v32, v15;
	v16 =	vadd.f32 v22, v16;
	v32 =	vld [tilespmem:s0+$0x0];
	v38 =	vmul.f32 v38, v17  }
0x1ab: {  	v13 =	vadd.f32 v44, v13;
	s0 =	sand.u32 $0x3, s25;
	v14 =	vadd.f32 v45, v14;
	v49 =	vld [tilespmem:s3+$0x0];
	s3 =	sor.u32 s31, s11;
	v22 =	vmul.f32 v48, v5  }
0x1ac: {  	s0 =	sshll.u32 s0, $0x5;
	v15 =	vadd.f32 v47, v15;
	v44 =	vld [tilespmem:s3+$0x0];
	v16 =	vadd.f32 v38, v16;
	v33 =	vmul.f32 v33, v17  }
0x1ad: {  	v13 =	vadd.f32 v40, v13;
	s3 =	sadd.s32 s0, s30;
	v14 =	vadd.f32 v41, v14;
	v38 =	vld [tilespmem:s1+$0x200];
	v39 =	vmul.f32 v39, v17  }
0x1ae: {  	s0 =	sor.u32 $0x300, s3;
	v15 =	vadd.f32 v42, v15;
	v40 =	vld [tilespmem:s1+$0x280];
	s1 =	sor.u32 $0x12300, s2;
	v41 =	vmul.f32 v46, v17;
	v16 =	vadd.f32 v43, v16  }
0x1af: {  	s5 =	sor.u32 $0x12380, s2;
	v13 =	vadd.f32 v34, v13;
	v14 =	vadd.f32 v35, v14;
	v42 =	vld [tilespmem:s0+$0x10000];
	s0 =	sor.u32 s31, s1;
	v32 =	vmul.f32 v32, v17  }
0x1b0: {  	s6 =	sor.u32 $0x14300, s2;
	v15 =	vadd.f32 v36, v15;
	v34 =	vmul.f32 v49, v17;
	v35 =	vld [tilespmem:s0+$0x0];
	s0 =	sor.u32 s31, s5;
	v16 =	vadd.f32 v37, v16  }
0x1b1: {  	s7 =	sor.u32 $0x14380, s2;
	v13 =	vadd.f32 v29, v13;
	v14 =	vadd.f32 v31, v14;
	v36 =	vmul.f32 v44, v17;
	v37 =	vld [tilespmem:s0+$0x0];
	s0 =	sor.u32 s31, s6  }
0x1b2: {  	s8 =	sor.u32 $0x16300, s2;
	v15 =	vadd.f32 v28, v15;
	v29 =	vmul.f32 v38, v17;
	v31 =	vld [tilespmem:s0+$0x0];
	s0 =	sor.u32 s31, s7;
	v16 =	vadd.f32 v30, v16  }
0x1b3: {  	s9 =	sor.u32 s31, s8;
	v13 =	vadd.f32 v25, v13;
	v14 =	vadd.f32 v27, v14;
	v28 =	vmul.f32 v40, v17;
	v30 =	vld [tilespmem:s0+$0x0];
	s0 =	sor.u32 $0x16380, s2  }
0x1b4: {  	s3 =	sadd.s32 $0x10, s3;
	v15 =	vadd.f32 v24, v15;
	v25 =	vmul.f32 v42, v17;
	v27 =	vld [tilespmem:s9+$0x0];
	s2 =	sor.u32 s31, s0;
	v16 =	vadd.f32 v26, v16  }
0x1b5: {  	v18 =	vadd.f32 v29, v18;
	v19 =	vadd.f32 v28, v19;
	v24 =	vmul.f32 v35, v17;
	v26 =	vld [tilespmem:s2+$0x0];
	s2 =	sor.u32 $0x300, s3  }
0x1b6: {  	v21 =	vadd.f32 v23, v21;
	v20 =	vadd.f32 v25, v20;
	v25 =	vmul.f32 v37, v17;
	v35 =	vld [tilespmem:s2+$0x10000];
	s2 =	sor.u32 $0x380, s3  }
.Ltmp11:
0x1b7: {  	s1 =	sor.u32 s29, s1;
	v18 =	vadd.f32 v34, v18;
	v19 =	vadd.f32 v36, v19;
	v28 =	vmul.f32 v31, v17;
	v23 =	vld [tilespmem:s2+$0x10000];
	(pc) =	sbr.rel @p0 .LBB2_29-.Ltmp11, $4  }
0x1b8: {  	v24 =	vadd.f32 v24, v20;
	v21 =	vadd.f32 v25, v21;
	v29 =	vmul.f32 v30, v17;
	v20 =	vld [tilespmem:s1+$0x0];
	s1 =	sor.u32 s29, s5  }
0x1b9: {  	v30 =	vadd.f32 v41, v18;
	v31 =	vadd.f32 v32, v19;
	v25 =	vmul.f32 v27, v17;
	v18 =	vld [tilespmem:s1+$0x0];
	s1 =	sor.u32 s29, s6  }
0x1ba: {  	v27 =	vadd.f32 v28, v24;
	v28 =	vadd.f32 v29, v21;
	v29 =	vmul.f32 v26, v17;
	v19 =	vld [tilespmem:s1+$0x0];
	s1 =	sor.u32 s29, s7  }
0x1bb: {  	s30 =	sadd.s32 $0x100, s30;
	v17 =	vadd.f32 v33, v30;
	v26 =	vadd.f32 v39, v31;
	v24 =	vmul.f32 v35, v5;
	v21 =	vld [tilespmem:s1+$0x0];
	s1 =	sor.u32 s29, s8  }
0x1bc: {  	v25 =	vadd.f32 v25, v27;
	v50 =	vadd.f32 v29, v28;
	v23 =	vmul.f32 v23, v5;
	v51 =	vld [tilespmem:s1+$0x0];
	s0 =	sor.u32 s29, s0  }
0x1bd: {  	v12 =	vadd.f32 v12, v17;
	v52 =	vadd.f32 v22, v26;
	v20 =	vmul.f32 v20, v5;
	v53 =	vld [tilespmem:s0+$0x0]  }
0x1be: {  	v24 =	vadd.f32 v24, v25;
	v23 =	vadd.f32 v23, v50;
	v18 =	vmul.f32 v18, v5  }
0x1bf: {  	v10 =	vadd.f32 v10, v12;
	v11 =	vadd.f32 v11, v52;
	v54 =	vmul.f32 v19, v5  }
0x1c0: {  	v55 =	vadd.f32 v20, v24;
	v18 =	vadd.f32 v18, v23;
	v56 =	vmul.f32 v21, v5  }
0x1c1: {  	v8 =	vadd.f32 v8, v10;
	v9 =	vadd.f32 v9, v11;
	v57 =	vmul.f32 v51, v5  }
0x1c2: {  	v58 =	vadd.f32 v54, v55;
	v59 =	vadd.f32 v56, v18;
	v5 =	vmul.f32 v53, v5  }
0x1c3: {  	v6 =	vadd.f32 v6, v8;
	v7 =	vadd.f32 v7, v9  }
0x1c4: {  	v60 =	vadd.f32 v57, v58;
	v5 =	vadd.f32 v5, v59  }
0x1c5: {  	v61 =	vadd.f32 v14, v13;
	v62 =	vadd.f32 v16, v15  }
0x1c6: {  	v6 =	vadd.f32 v7, v6;
	v5 =	vadd.f32 v5, v60  }
0x1c7: {  	v7 =	vld [tilespmem:$0x18880]  }
0x1c8: {  	v63 =	vadd.f32 v62, v61;
	v5 =	vadd.f32 v5, v6;
	_ =	sdelay $0x1  }
0x1c9: {  	v5 =	vadd.f32 v5, v63;
	_ =	sdelay $0x1  }
0x1ca: {  	v5 =	vadd.f32 v7, v5  }
0x1cb: {  	s6 =	rddreg [dreg:$0xd]  }
0x1cc: {  	s29 =	sand.u32 $0x7FFFFFF0, s6;
	[tilespmem:$0x18880] =	vst v5  }
0x1cd: {  	v5 =	vld [tilespmem:s29+$0x18800];
	_ =	sdelay $0x2  }
0x1ce: {  	s30 =	sand.u32 $0xF, s6  }
0x1cf: {  	v6 =	vmov s30  }
0x1d0: {  	vm2 =	veq.s32 v6, v4;
	vm1 =	vne.s32 v5, $0x0  }
0x1d1: {  	vm1 =	vmand vm2, vm1  }
0x1d2: {  	v5 =	vsel vm1, $0x3F800000, v1  }
0x1d3: {  	(xrf0) =	vmax.scan.msk.f32 $0xffff, v5;
	_ =	sdelay $0x5  }
0x1d4: {  	v5, _, _ =	vpop (xrf0)  }
0x1d5: {  	(v2sf) =	vpush v5, $0xF;
	_ =	sdelay $0xe  }
0x1d6: {  	s31 =	spop (v2sf)  }
0x1d7: {  	p0 =	sgt.f32 s31, $0.0e+00  }
.Ltmp12:
0x1d8: {  	_ = 	snop;
	(pc) =	sbr.rel @!p0 .LBB2_34-.Ltmp12, $3  }
0x1d9: {  	_ =	sdelay $0x1  }
0x1da: {  	s15 =	rddreg [dreg:$0x5]  }
0x1db: {  	s3 =	rddreg [dreg:$0xe]  }
0x1dc: {  	s0 =	simm.s32 $0x18000  }
0x1dd: {  	v5 =	vmov s3;
	s1 =	simm.s32 $0x0;
	s2 =	simm.s32 $0x10;
	v6 =	vld [tilespmem:s0+$0x0]  }
.LBB2_32:
0x1de: {  	p0 =	sne.s32 s2, $0x3F0;
	_ =	sdelay $0x1  }
0x1df: {  	v7 =	vmov s1  }
0x1e0: {  	v8 =	vor.u32 s1, v4;
	s1 =	smov.u32 s2;
	v7 =	vshll.u32 v7, $0x3  }
0x1e1: {  	v8 =	vand.u32 $0x7F, v8;
	v7 =	vand.u32 $0x1C00, v7;
	v9 =	vshll.u32 v6, $0xA  }
0x1e2: {  	v7 =	vor.u32 v7, v8;
	v10 =	vshll.u32 v6, $0x7;
	v9 =	vand.u32 $0x6000, v9  }
0x1e3: {  	v8 =	vand.u32 $0x380, v10;
	v7 =	vor.u32 v9, v7  }
0x1e4: {  	v7 =	vor.u32 v8, v7;
	_ =	sdelay $0x4  }
0x1e5: {  	v7 =	vld.idx.msk [tilespmem:v7+s17+$0x0], $0xffff;
	_ =	sdelay $0x1  }
0x1e6: {  	v8 =	vld [tilespmem:$0x18900]  }
0x1e7: {  	v9 =	vshrl.u32 v6, $0x5  }
0x1e8: {  	vm1 =	vne.s32 v6, $0x0;
	vm2 =	veq.s32 v9, v5  }
0x1e9: {  	vm1 =	vmand vm1, vm2  }
.Ltmp13:
0x1ea: {  	v6 =	vnsel vm1, $0x0, v7;
	(pc) =	sbr.rel @p0 .LBB2_32-.Ltmp13, $3  }
0x1eb: {  	v6 =	vadd.f32 v6, v8;
	_ =	sdelay $0x1  }
0x1ec: {  	s0 =	sadd.s32 $0x10, s0;
	[tilespmem:$0x18900] =	vst v6  }
0x1ed: {  	s2 =	sadd.s32 $0x10, s2;
	v6 =	vld [tilespmem:s0+$0x0]  }
0x1ee: {  	_ =	sdelay $0x1  }
0x1ef: {  	v7 =	vmov s1  }
0x1f0: {  	v8 =	vor.u32 s1, v4;
	v7 =	vshll.u32 v7, $0x3  }
0x1f1: {  	v8 =	vand.u32 $0x7F, v8;
	v7 =	vand.u32 $0x1C00, v7;
	v9 =	vshll.u32 v6, $0xA  }
0x1f2: {  	v7 =	vor.u32 v7, v8;
	v10 =	vshll.u32 v6, $0x7;
	v9 =	vand.u32 $0x6000, v9  }
0x1f3: {  	v61 =	vand.u32 $0x380, v10;
	v7 =	vor.u32 v9, v7  }
0x1f4: {  	v7 =	vor.u32 v61, v7;
	_ =	sdelay $0x4  }
0x1f5: {  	v7 =	vld.idx.msk [tilespmem:v7+s17+$0x0], $0xffff  }
0x1f6: {  	v62 =	vld [tilespmem:$0x18900]  }
0x1f7: {  	v63 =	vshrl.u32 v6, $0x5  }
0x1f8: {  	vm1 =	vne.s32 v6, $0x0;
	vm2 =	veq.s32 v63, v5  }
0x1f9: {  	vm1 =	vmand vm1, vm2  }
0x1fa: {  	v5 =	vnsel vm1, $0x0, v7  }
0x1fb: {  	v5 =	vadd.f32 v5, v62;
	_ =	sdelay $0x1  }
0x1fc: {  	[tilespmem:$0x18900] =	vst v5  }
.LBB2_34:
0x1fd: {  	p0 =	sne.s32 s3, $0x0  }
.Ltmp14:
0x1fe: {  	_ = 	snop;
	(pc) =	sbr.rel @p0 .LBB2_38-.Ltmp14, $1  }
0x1ff: {  	_ =	sdelay $0x3  }
0x200: {  	s0 =	simm.s32 $0x0  }
0x201: {  	s1 =	sand.u32 $0x7000, s0  }
0x202: {  	s2 =	simm.s32 $0x18400;
	s0 =	sand.u32 $0x70, s0;
	s1 =	sshrl.u32 s1, $0x2  }
0x203: {  	v5 =	vld [tilespmem:s2+$0x0];
	s0 =	sor.u32 s0, s1  }
0x204: {  	v6 =	vld [tilespmem:s0+$0x10000];
	_ =	sdelay $0x1  }
0x205: {  	v7 =	vld [tilespmem:$0x18980];
	_ =	sdelay $0x2  }
0x206: {  	v5 =	vmul.f32 v5, v6;
	_ =	sdelay $0x1  }
0x207: {  	s3 =	simm.s32 $0x10;
	s1 =	simm.s32 $0x200;
	v5 =	vadd.f32 v5, v7  }
0x208: {  	s2 =	simm.s32 $0x20;
	s5 =	sand.u32 $0x7000, s1;
	s0 =	simm.s32 $0x18410  }
.LBB2_36:
0x209: {  	p0 =	sne.s32 s2, $0x3F0;
	s3 =	sand.u32 $0x70, s3;
	s5 =	sshrl.u32 s5, $0x2;
	[tilespmem:$0x18980] =	vst v5  }
0x20a: {  	s5 =	sor.u32 s3, s5;
	v6 =	vld [tilespmem:s0+$0x0];
	s3 =	smov.u32 s2  }
0x20b: {  	v7 =	vld [tilespmem:s5+$0x10000];
	_ =	sdelay $0x3  }
.Ltmp15:
0x20c: {  	(pc) =	sbr.rel @p0 .LBB2_36-.Ltmp15, $3  }
0x20d: {  	v6 =	vmul.f32 v6, v7;
	_ =	sdelay $0x1  }
0x20e: {  	s1 =	sadd.s32 $0x200, s1;
	v5 =	vadd.f32 v6, v5  }
0x20f: {  	s2 =	sadd.s32 $0x10, s2;
	s0 =	sadd.s32 $0x10, s0;
	s5 =	sand.u32 $0x7000, s1  }
0x210: {  	s1 =	sand.u32 $0x70, s3;
	s2 =	sshrl.u32 s5, $0x2;
	[tilespmem:$0x18980] =	vst v5  }
0x211: {  	s1 =	sor.u32 s1, s2;
	v6 =	vld [tilespmem:s0+$0x0]  }
0x212: {  	v7 =	vld [tilespmem:s1+$0x10000];
	_ =	sdelay $0x4  }
0x213: {  	v6 =	vmul.f32 v6, v7;
	_ =	sdelay $0x1  }
0x214: {  	v5 =	vadd.f32 v6, v5;
	_ =	sdelay $0x1  }
0x215: {  	[tilespmem:$0x18980] =	vst v5  }
.LBB2_38:
0x216: {  	s0 =	sadd.s32 $0x3, s6  }
0x217: {  	p0 =	sge.u32 s0, s15  }
.Ltmp16:
0x218: {  	s1 =	rddreg [dreg:$0x7];
	s0 =	sshll.u32 @!p0 s0, $0x14;
	(pc) =	sbr.rel .LBB2_39-.Ltmp16, $4  }
0x219: {  	s0 =	sor.u32 @!p0 s1, s0  }
0x21a: {  	s1 =	rddreg [dreg:$0x0];
	s0 =	sshrl.u32 @!p0 s0, $0x3  }
0x21b: {  	s2 =	simm.s32 @!p0 $0x10000;
	s0 =	sadd.s32 @!p0 s1, s0;
	s1 =	simm.s32 @!p0 $0x0  }
0x21c: {  	[tilespmem:s2], [sflag:$0x3] =	stream.linear.gather @!p0 [hbm4b:s0+s1], $0x8000, $0x38;
	[tilespmem:$0x18A80] =	vst v63  }
.LBB2_6:
0x21d: {  	s0 =	simm.s32 $0x1  }
0x21e: {  	s25 =	simm.s32 $0x0;
	_ =	swait.ge [sflag:s0], $0x8000  }
0x21f: {  	s26 =	simm.s32 $0x0;
	s28 =	simm.s32 $0x18400;
	[sflag:s0] =	ssyncset.done $0x0  }
0x220: {  	s2 =	sand.u32 $0x60, s26;
	s30 =	sand.u32 $0x1C00, s25;
	[sflag:s0] =	ssyncadd.s32 $0xFFFF8000  }
0x221: {  	s8 =	sor.u32 s2, s30;
	v15 =	vld [tilespmem:s28+$0x0]  }
0x222: {  	v6 =	vld [tilespmem:s8+$0x0]  }
0x223: {  	v7 =	vld [tilespmem:s8+$0x80]  }
0x224: {  	v8 =	vld [tilespmem:s8+$0x100]  }
0x225: {  	v9 =	vld [tilespmem:s8+$0x180]  }
0x226: {  	s1 =	sor.u32 s25, s26;
	v10 =	vld [tilespmem:s8+$0x200]  }
0x227: {  	s9 =	sor.u32 $0x380, s1;
	s6 =	sor.u32 $0x6000, s30;
	s29 =	sor.u32 $0x10, s2;
	v11 =	vld [tilespmem:s8+$0x280]  }
0x228: {  	s5 =	sor.u32 $0x6080, s30;
	s10 =	sor.u32 s29, s6;
	v12 =	vld [tilespmem:s9+$0x0]  }
0x229: {  	s1 =	sor.u32 $0x6100, s30;
	s11 =	sor.u32 s29, s5;
	v13 =	vld [tilespmem:s10+$0x0]  }
0x22a: {  	s3 =	sor.u32 $0x6200, s30;
	s12 =	sor.u32 s29, s1;
	v14 =	vld [tilespmem:s11+$0x0]  }
0x22b: {  	s13 =	sor.u32 s29, s3;
	v16 =	vld [tilespmem:s12+$0x0]  }
0x22c: {  	s6 =	sor.u32 s2, s6;
	v21 =	vld [tilespmem:s13+$0x0]  }
0x22d: {  	s0 =	sor.u32 $0x6280, s30;
	s5 =	sor.u32 s2, s5;
	v39 =	vld [tilespmem:s6+$0x0]  }
0x22e: {  	s18 =	sor.u32 $0x4000, s30;
	s14 =	sor.u32 s29, s0;
	v40 =	vld [tilespmem:s5+$0x0]  }
0x22f: {  	s9 =	sor.u32 s29, s18;
	v22 =	vld [tilespmem:s14+$0x0]  }
0x230: {  	s10 =	sor.u32 $0x6180, s30;
	s6 =	sor.u32 s2, s18;
	v23 =	vld [tilespmem:s9+$0x0]  }
0x231: {  	s8 =	sor.u32 $0x4080, s30;
	s7 =	sor.u32 s29, s10;
	v41 =	vld [tilespmem:s6+$0x0]  }
0x232: {  	s13 =	sor.u32 $0x4180, s30;
	s19 =	sor.u32 s29, s8;
	v20 =	vld [tilespmem:s7+$0x0]  }
0x233: {  	s14 =	sor.u32 $0x4100, s30;
	s11 =	sor.u32 s29, s13;
	v24 =	vld [tilespmem:s19+$0x0]  }
0x234: {  	s9 =	sor.u32 $0x4200, s30;
	s20 =	sor.u32 s29, s14;
	v26 =	vld [tilespmem:s11+$0x0]  }
0x235: {  	s23 =	sand.u32 $0x380, s26;
	s21 =	sor.u32 s29, s9;
	v25 =	vld [tilespmem:s20+$0x0]  }
0x236: {  	s7 =	sor.u32 $0x4280, s30;
	s11 =	sor.u32 s29, s23;
	v27 =	vld [tilespmem:s21+$0x0]  }
0x237: {  	s19 =	sor.u32 $0x2000, s30;
	s22 =	sor.u32 s29, s7;
	v5 =	vld [tilespmem:s11+$0x18400]  }
0x238: {  	s20 =	sor.u32 $0x2080, s30;
	s12 =	sor.u32 s29, s19;
	v28 =	vld [tilespmem:s22+$0x0]  }
0x239: {  	s21 =	sor.u32 $0x2100, s30;
	v29 =	vld [tilespmem:s12+$0x0];
	s24 =	sor.u32 s29, s20  }
0x23a: {  	s31 =	sor.u32 s29, s21;
	v30 =	vld [tilespmem:s24+$0x0]  }
0x23b: {  	s5 =	sor.u32 s29, s30;
	s22 =	sor.u32 $0x2180, s30;
	v31 =	vld [tilespmem:s31+$0x0];
	v32 =	vmul.f32 v6, v15;
	v33 =	vmul.f32 v7, v15  }
0x23c: {  	s12 =	sor.u32 $0x2200, s30;
	s24 =	sor.u32 s29, s22;
	v35 =	vmul.f32 v8, v15;
	v19 =	vmul.f32 v11, v15;
	v11 =	vld [tilespmem:s5+$0x0]  }
0x23d: {  	s11 =	sor.u32 $0x2280, s30;
	s23 =	sor.u32 s29, s12;
	v36 =	vmul.f32 v9, v15;
	v18 =	vmul.f32 v10, v15;
	v34 =	vld [tilespmem:s24+$0x0]  }
0x23e: {  	s31 =	sor.u32 s29, s11;
	v17 =	vmul.f32 v12, v15;
	v59 =	vmul.f32 v40, v15;
	v37 =	vld [tilespmem:s23+$0x0]  }
0x23f: {  	s18 =	sor.u32 s2, s8;
	s8 =	sor.u32 s2, s22;
	v38 =	vld [tilespmem:s31+$0x0];
	v41 =	vmul.f32 v41, v15;
	v12 =	vmul.f32 v13, v5  }
0x240: {  	s31 =	sor.u32 s2, s21;
	v58 =	vld [tilespmem:s8+$0x0];
	v13 =	vmul.f32 v14, v5;
	v14 =	vmul.f32 v16, v5  }
0x241: {  	s23 =	sor.u32 s2, s19;
	s19 =	sor.u32 s2, s13;
	v57 =	vld [tilespmem:s31+$0x0];
	v16 =	vmul.f32 v20, v5;
	v6 =	vmul.f32 v21, v5  }
0x242: {  	s24 =	sor.u32 s2, s20;
	s20 =	sor.u32 s2, s10;
	v60 =	vld [tilespmem:s19+$0x0];
	v20 =	vmul.f32 v23, v5;
	v7 =	vmul.f32 v22, v5  }
0x243: {  	v47 =	vld [tilespmem:s20+$0x0];
	v23 =	vmul.f32 v24, v5;
	v24 =	vmul.f32 v25, v5  }
0x244: {  	v21 =	vld [tilespmem:s5+$0x80];
	v25 =	vmul.f32 v26, v5;
	v8 =	vmul.f32 v27, v5  }
0x245: {  	v46 =	vimm.f32 $0.0e+00;
	v27 =	vmul.f32 v29, v5;
	v9 =	vmul.f32 v28, v5;
	v28 =	vld [tilespmem:s23+$0x0]  }
0x246: {  	v32 =	vadd.f32 v32, v46;
	v29 =	vmul.f32 v30, v5;
	v30 =	vmul.f32 v31, v5;
	v31 =	vld [tilespmem:s24+$0x0]  }
0x247: {  	v33 =	vadd.f32 v33, v46;
	v22 =	vld [tilespmem:s5+$0x100];
	v42 =	vmul.f32 v11, v5;
	v34 =	vmul.f32 v34, v5  }
0x248: {  	v35 =	vadd.f32 v35, v46;
	v26 =	vld [tilespmem:s18+$0x0];
	s18 =	sor.u32 s2, s14;
	v10 =	vmul.f32 v37, v5;
	v11 =	vmul.f32 v38, v5  }
0x249: {  	s1 =	sor.u32 s2, s1;
	v36 =	vadd.f32 v36, v46;
	v38 =	vmul.f32 v58, v15;
	v43 =	vmul.f32 v21, v5;
	v21 =	vld [tilespmem:s18+$0x0]  }
0x24a: {  	v45 =	vld [tilespmem:s1+$0x0];
	v18 =	vadd.f32 v18, v46;
	v37 =	vmul.f32 v57, v15;
	v49 =	vmul.f32 v60, v15  }
0x24b: {  	v48 =	vld [tilespmem:s5+$0x180];
	s21 =	sor.u32 s2, s3;
	v19 =	vadd.f32 v19, v46;
	v28 =	vmul.f32 v28, v15;
	v31 =	vmul.f32 v31, v15  }
0x24c: {  	v51 =	vld [tilespmem:s21+$0x0];
	v17 =	vadd.f32 v17, v46;
	v53 =	vmul.f32 v47, v15;
	v44 =	vmul.f32 v22, v5  }
0x24d: {  	s0 =	sor.u32 s2, s0;
	v61 =	vld [tilespmem:s5+$0x200];
	v26 =	vmul.f32 v26, v15;
	v28 =	vadd.f32 v28, v32;
	v31 =	vadd.f32 v31, v33  }
0x24e: {  	v54 =	vld [tilespmem:s0+$0x0];
	s24 =	sor.u32 s2, s7;
	v63 =	vadd.f32 v38, v36;
	v62 =	vadd.f32 v37, v35;
	v21 =	vmul.f32 v21, v15  }
0x24f: {  	v56 =	vld [tilespmem:s24+$0x0];
	v22 =	vmul.f32 v39, v15;
	v28 =	vadd.f32 v41, v28;
	v26 =	vadd.f32 v26, v31  }
0x250: {  	v50 =	vld [tilespmem:s5+$0x280];
	s22 =	sor.u32 s2, s9;
	s23 =	sand.u32 $0x3, s25;
	v52 =	vadd.f32 v49, v63;
	v31 =	vmul.f32 v45, v15;
	v21 =	vadd.f32 v21, v62  }
0x251: {  	v55 =	vld [tilespmem:s22+$0x0];
	s31 =	sor.u32 s2, s12;
	s0 =	sshll.u32 s23, $0x5;
	v38 =	vmul.f32 v51, v15;
	v22 =	vadd.f32 v22, v28;
	v26 =	vadd.f32 v59, v26  }
0x252: {  	s6 =	sor.u32 s2, s11;
	s5 =	sadd.s32 $0x0, s0;
	v57 =	vld [tilespmem:s31+$0x0];
	v33 =	vadd.f32 v53, v52;
	v28 =	vmul.f32 v48, v5;
	v31 =	vadd.f32 v31, v21  }
0x253: {  	s8 =	sor.u32 $0x2300, s30;
	s7 =	sor.u32 $0x300, s5;
	v36 =	vmul.f32 v54, v15;
	v59 =	vld [tilespmem:s6+$0x0];
	v58 =	vadd.f32 v42, v22;
	v26 =	vadd.f32 v43, v26  }
0x254: {  	s10 =	sor.u32 $0x2380, s30;
	s9 =	sor.u32 s2, s8;
	v60 =	vld [tilespmem:s7+$0x0];
	v62 =	vmul.f32 v56, v15;
	v28 =	vadd.f32 v28, v33;
	v31 =	vadd.f32 v44, v31  }
0x255: {  	s11 =	sor.u32 s2, s10;
	s12 =	sor.u32 $0x4300, s30;
	v21 =	vmul.f32 v61, v5;
	v27 =	vadd.f32 v27, v58;
	v26 =	vadd.f32 v29, v26;
	v29 =	vld [tilespmem:s9+$0x0]  }
0x256: {  	s13 =	sor.u32 s2, s12;
	s14 =	sor.u32 $0x4380, s30;
	v22 =	vmul.f32 v50, v5;
	v28 =	vadd.f32 v34, v28;
	v30 =	vadd.f32 v30, v31;
	v31 =	vld [tilespmem:s11+$0x0]  }
0x257: {  	s19 =	sor.u32 $0x6300, s30;
	s18 =	sor.u32 s2, s14;
	v61 =	vmul.f32 v55, v15;
	v20 =	vadd.f32 v20, v27;
	v27 =	vld [tilespmem:s13+$0x0];
	v23 =	vadd.f32 v23, v26  }
0x258: {  	s20 =	sor.u32 s2, s19;
	s0 =	sor.u32 $0x6380, s30;
	v25 =	vadd.f32 v25, v28;
	v28 =	vmul.f32 v59, v15;
	v24 =	vadd.f32 v24, v30;
	v30 =	vld [tilespmem:s18+$0x0]  }
0x259: {  	s1 =	sadd.s32 $0x10, s5;
	s2 =	sor.u32 s2, s0;
	v12 =	vadd.f32 v12, v20;
	v20 =	vmul.f32 v60, v15;
	v13 =	vadd.f32 v13, v23;
	v23 =	vld [tilespmem:s20+$0x0]  }
0x25a: {  	s21 =	sor.u32 $0x300, s1;
	v26 =	vmul.f32 v57, v15;
	v14 =	vadd.f32 v14, v24;
	v24 =	vmul.f32 v29, v15;
	v29 =	vld [tilespmem:s2+$0x0]  }
0x25b: {  	s1 =	sor.u32 $0x380, s1;
	v63 =	vld [tilespmem:s21+$0x0];
	v16 =	vadd.f32 v16, v25;
	v25 =	vadd.f32 v20, v46;
	v31 =	vmul.f32 v31, v15  }
0x25c: {  	s22 =	sor.u32 s29, s8;
	v19 =	vadd.f32 v28, v19;
	v26 =	vadd.f32 v26, v18;
	v20 =	vld [tilespmem:s1+$0x0];
	v27 =	vmul.f32 v27, v15  }
0x25d: {  	s23 =	sor.u32 s29, s10;
	v18 =	vld [tilespmem:s22+$0x0];
	v24 =	vadd.f32 v24, v25;
	v28 =	vadd.f32 v31, v17;
	v30 =	vmul.f32 v30, v15  }
0x25e: {  	s24 =	sor.u32 s29, s12;
	v26 =	vadd.f32 v61, v26;
	v17 =	vld [tilespmem:s23+$0x0];
	v31 =	vadd.f32 v62, v19;
	v25 =	vmul.f32 v23, v15  }
0x25f: {  	s31 =	sor.u32 s29, s14;
	v19 =	vld [tilespmem:s24+$0x0];
	v27 =	vadd.f32 v27, v24;
	v28 =	vadd.f32 v30, v28;
	v29 =	vmul.f32 v29, v15  }
0x260: {  	s30 =	simm.s32 $0x0;
	s1 =	sor.u32 s29, s19;
	v24 =	vmul.f32 v63, v5;
	v23 =	vld [tilespmem:s31+$0x0];
	v15 =	vadd.f32 v38, v26;
	v26 =	vadd.f32 v36, v31  }
.LBB2_7:
0x261: {  	s26 =	sadd.s32 $0x20, s26;
	v25 =	vadd.f32 v25, v27;
	v27 =	vadd.f32 v29, v28;
	v20 =	vmul.f32 v20, v5;
	v28 =	vld [tilespmem:s1+$0x0];
	s0 =	sor.u32 s29, s0;
	s25 =	sadd.s32 $0x100, s25  }
0x262: {  	s28 =	sadd.s32 $0x20, s28;
	s31 =	sand.u32 $0x60, s26;
	s2 =	sand.u32 $0x1C00, s25;
	v21 =	vadd.f32 v21, v15;
	v22 =	vadd.f32 v22, v26;
	v18 =	vmul.f32 v18, v5;
	v26 =	vld [tilespmem:s0+$0x0]  }
0x263: {  	p0 =	slt.u32 s26, $0x3E0;
	v15 =	vld [tilespmem:s28+$0x0];
	s0 =	sor.u32 s31, s2;
	v24 =	vadd.f32 v24, v25;
	v20 =	vadd.f32 v20, v27;
	v17 =	vmul.f32 v17, v5  }
0x264: {  	v25 =	vld [tilespmem:s0+$0x0];
	v10 =	vadd.f32 v10, v21;
	v11 =	vadd.f32 v11, v22;
	v19 =	vmul.f32 v19, v5  }
0x265: {  	v21 =	vld [tilespmem:s0+$0x80];
	v18 =	vadd.f32 v18, v24;
	v17 =	vadd.f32 v17, v20;
	v20 =	vmul.f32 v23, v5  }
0x266: {  	v22 =	vld [tilespmem:s0+$0x100];
	v8 =	vadd.f32 v8, v10;
	v9 =	vadd.f32 v9, v11;
	v10 =	vmul.f32 v28, v5  }
0x267: {  	v11 =	vld [tilespmem:s0+$0x180];
	v19 =	vadd.f32 v19, v18;
	v20 =	vadd.f32 v20, v17;
	v5 =	vmul.f32 v26, v5  }
0x268: {  	s1 =	sor.u32 s25, s26;
	v23 =	vld [tilespmem:s0+$0x200];
	v17 =	vadd.f32 v6, v8;
	v18 =	vadd.f32 v7, v9  }
0x269: {  	s14 =	sor.u32 $0x6000, s2;
	s29 =	sor.u32 $0x10, s31;
	v6 =	vld [tilespmem:s0+$0x280];
	s0 =	sor.u32 $0x380, s1;
	v19 =	vadd.f32 v10, v19;
	v20 =	vadd.f32 v5, v20  }
0x26a: {  	s18 =	sor.u32 $0x6080, s2;
	v7 =	vld [tilespmem:s0+$0x0];
	s0 =	sor.u32 s29, s14  }
0x26b: {  	s19 =	sor.u32 $0x6100, s2;
	v8 =	vld [tilespmem:s0+$0x0];
	s0 =	sor.u32 s29, s18  }
0x26c: {  	s13 =	sor.u32 $0x6180, s2;
	v9 =	vld [tilespmem:s0+$0x0];
	s0 =	sor.u32 s29, s19  }
0x26d: {  	s3 =	sor.u32 $0x6200, s2;
	s1 =	sor.u32 s29, s13;
	v10 =	vld [tilespmem:s0+$0x0]  }
0x26e: {  	s0 =	sor.u32 $0x6280, s2;
	v28 =	vld [tilespmem:s1+$0x0];
	s1 =	sor.u32 s29, s3  }
0x26f: {  	s21 =	sor.u32 $0x4000, s2;
	v30 =	vld [tilespmem:s1+$0x0];
	s1 =	sor.u32 s29, s0  }
0x270: {  	s20 =	sor.u32 $0x4080, s2;
	s5 =	sor.u32 s29, s21;
	v32 =	vld [tilespmem:s1+$0x0]  }
0x271: {  	s7 =	sor.u32 $0x4100, s2;
	v31 =	vld [tilespmem:s5+$0x0];
	s5 =	sor.u32 s29, s20  }
0x272: {  	s1 =	sor.u32 $0x4180, s2;
	v33 =	vld [tilespmem:s5+$0x0];
	s5 =	sor.u32 s29, s7  }
0x273: {  	s10 =	sor.u32 $0x4200, s2;
	v34 =	vld [tilespmem:s5+$0x0];
	s5 =	sor.u32 s29, s1  }
0x274: {  	s9 =	sor.u32 $0x4280, s2;
	v35 =	vld [tilespmem:s5+$0x0];
	s5 =	sor.u32 s29, s10  }
0x275: {  	s8 =	sor.u32 $0x2000, s2;
	s6 =	sor.u32 s29, s9;
	v36 =	vld [tilespmem:s5+$0x0]  }
0x276: {  	s11 =	sor.u32 s29, s8;
	s5 =	sor.u32 $0x2080, s2;
	v37 =	vld [tilespmem:s6+$0x0]  }
0x277: {  	s6 =	sand.u32 $0x380, s26;
	v38 =	vld [tilespmem:s11+$0x0];
	s11 =	sor.u32 s29, s5  }
0x278: {  	s24 =	sor.u32 $0x2100, s2;
	s12 =	sor.u32 s29, s6;
	v39 =	vld [tilespmem:s11+$0x0]  }
0x279: {  	s6 =	sor.u32 $0x2180, s2;
	s11 =	sor.u32 s29, s24;
	v5 =	vld [tilespmem:s12+$0x18400]  }
0x27a: {  	s22 =	sor.u32 s29, s6;
	s12 =	sor.u32 $0x2200, s2;
	v40 =	vld [tilespmem:s11+$0x0]  }
0x27b: {  	v41 =	vmul.f32 v25, v15;
	v21 =	vmul.f32 v21, v15;
	s11 =	sor.u32 $0x2280, s2;
	v42 =	vld [tilespmem:s22+$0x0];
	s22 =	sor.u32 s29, s12  }
0x27c: {  	v22 =	vmul.f32 v22, v15;
	v43 =	vmul.f32 v11, v15;
	s23 =	sor.u32 s29, s11;
	v11 =	vld [tilespmem:s22+$0x0]  }
0x27d: {  	v24 =	vmul.f32 v23, v15;
	v25 =	vmul.f32 v6, v15;
	s22 =	sor.u32 s29, s2;
	v44 =	vld [tilespmem:s23+$0x0]  }
0x27e: {  	v23 =	vmul.f32 v7, v15;
	v45 =	vld [tilespmem:s22+$0x0];
	v27 =	vmul.f32 v8, v5  }
0x27f: {  	v29 =	vmul.f32 v9, v5;
	v26 =	vmul.f32 v10, v5;
	v46 =	vld [tilespmem:s22+$0x80]  }
0x280: {  	s14 =	sor.u32 s31, s14;
	v28 =	vmul.f32 v28, v5;
	v6 =	vmul.f32 v30, v5;
	v47 =	vld [tilespmem:s22+$0x100]  }
0x281: {  	v31 =	vmul.f32 v31, v5;
	v7 =	vmul.f32 v32, v5;
	v48 =	vld [tilespmem:s14+$0x0];
	s14 =	sor.u32 s31, s18  }
0x282: {  	v33 =	vmul.f32 v33, v5;
	v30 =	vmul.f32 v34, v5;
	s18 =	sor.u32 s31, s21;
	v49 =	vld [tilespmem:s14+$0x0]  }
0x283: {  	v32 =	vmul.f32 v35, v5;
	v8 =	vmul.f32 v36, v5;
	s14 =	sor.u32 s31, s20;
	v34 =	vld [tilespmem:s18+$0x0]  }
0x284: {  	s8 =	sor.u32 s31, s8;
	v36 =	vmul.f32 v38, v5;
	v9 =	vmul.f32 v37, v5;
	v35 =	vld [tilespmem:s14+$0x0]  }
0x285: {  	s5 =	sor.u32 s31, s5;
	v38 =	vmul.f32 v39, v5;
	v39 =	vmul.f32 v40, v5;
	v37 =	vld [tilespmem:s8+$0x0]  }
0x286: {  	v42 =	vmul.f32 v42, v5;
	v10 =	vmul.f32 v11, v5;
	v40 =	vld [tilespmem:s5+$0x0];
	s5 =	sor.u32 s31, s24  }
0x287: {  	v11 =	vmul.f32 v44, v5;
	v45 =	vmul.f32 v45, v5;
	v50 =	vld [tilespmem:s5+$0x0];
	s5 =	sor.u32 s31, s6  }
0x288: {  	v46 =	vmul.f32 v46, v5;
	v47 =	vmul.f32 v47, v5;
	v44 =	vld [tilespmem:s5+$0x0];
	s5 =	sor.u32 s31, s7  }
0x289: {  	s1 =	sor.u32 s31, s1;
	v48 =	vmul.f32 v48, v15;
	v49 =	vmul.f32 v49, v15;
	v51 =	vld [tilespmem:s5+$0x0]  }
0x28a: {  	v34 =	vmul.f32 v34, v15;
	v35 =	vmul.f32 v35, v15;
	v52 =	vld [tilespmem:s1+$0x0];
	s1 =	sor.u32 s31, s19  }
0x28b: {  	v37 =	vmul.f32 v37, v15;
	v40 =	vmul.f32 v40, v15;
	v53 =	vld [tilespmem:s1+$0x0];
	s1 =	sor.u32 s31, s13  }
0x28c: {  	v12 =	vadd.f32 v41, v12;
	v13 =	vadd.f32 v21, v13;
	v21 =	vmul.f32 v50, v15;
	v41 =	vld [tilespmem:s1+$0x0]  }
0x28d: {  	v14 =	vadd.f32 v22, v14;
	v16 =	vadd.f32 v43, v16;
	v22 =	vmul.f32 v44, v15;
	v43 =	vld [tilespmem:s22+$0x180]  }
0x28e: {  	v12 =	vadd.f32 v37, v12;
	v13 =	vadd.f32 v40, v13;
	v37 =	vmul.f32 v51, v15;
	v40 =	vld [tilespmem:s22+$0x200]  }
0x28f: {  	s1 =	sor.u32 s31, s3;
	v14 =	vadd.f32 v21, v14;
	v16 =	vadd.f32 v22, v16;
	v21 =	vmul.f32 v52, v15;
	v22 =	vld [tilespmem:s22+$0x280]  }
0x290: {  	s0 =	sor.u32 s31, s0;
	v12 =	vadd.f32 v34, v12;
	v13 =	vadd.f32 v35, v13;
	v34 =	vmul.f32 v53, v15;
	v35 =	vld [tilespmem:s1+$0x0]  }
0x291: {  	s30 =	sadd.s32 $0x1, s30;
	v14 =	vadd.f32 v37, v14;
	s1 =	sor.u32 s31, s10;
	v16 =	vadd.f32 v21, v16;
	v21 =	vmul.f32 v41, v15;
	v37 =	vld [tilespmem:s0+$0x0]  }
0x292: {  	v12 =	vadd.f32 v48, v12;
	s0 =	sand.u32 $0x3, s30;
	v13 =	vadd.f32 v49, v13;
	v41 =	vld [tilespmem:s1+$0x0];
	s1 =	sor.u32 s31, s9;
	v43 =	vmul.f32 v43, v5  }
0x293: {  	s3 =	sor.u32 s31, s12;
	s0 =	sshll.u32 s0, $0x5;
	v14 =	vadd.f32 v34, v14;
	v44 =	vld [tilespmem:s1+$0x0];
	v16 =	vadd.f32 v21, v16;
	v21 =	vmul.f32 v40, v5  }
0x294: {  	v12 =	vadd.f32 v45, v12;
	s5 =	sadd.s32 s0, s25;
	s0 =	sor.u32 s31, s11;
	v13 =	vadd.f32 v46, v13;
	v34 =	vld [tilespmem:s3+$0x0];
	v22 =	vmul.f32 v22, v5  }
0x295: {  	s1 =	sor.u32 $0x2300, s2;
	s3 =	sor.u32 $0x300, s5;
	v14 =	vadd.f32 v47, v14;
	v40 =	vld [tilespmem:s0+$0x0];
	v35 =	vmul.f32 v35, v15;
	v16 =	vadd.f32 v43, v16  }
0x296: {  	v12 =	vadd.f32 v36, v12;
	s0 =	sor.u32 s31, s1;
	v13 =	vadd.f32 v38, v13;
	v43 =	vld [tilespmem:s3+$0x0];
	s3 =	sor.u32 $0x2380, s2;
	v37 =	vmul.f32 v37, v15  }
0x297: {  	s6 =	sor.u32 $0x4300, s2;
	v14 =	vadd.f32 v39, v14;
	v36 =	vld [tilespmem:s0+$0x0];
	s0 =	sor.u32 s31, s3;
	v38 =	vmul.f32 v41, v15;
	v16 =	vadd.f32 v42, v16  }
0x298: {  	s7 =	sor.u32 $0x4380, s2;
	v12 =	vadd.f32 v31, v12;
	v13 =	vadd.f32 v33, v13;
	v39 =	vld [tilespmem:s0+$0x0];
	v41 =	vmul.f32 v44, v15;
	s0 =	sor.u32 s31, s6  }
0x299: {  	s8 =	sor.u32 $0x6300, s2;
	v14 =	vadd.f32 v30, v14;
	v31 =	vmul.f32 v34, v15;
	v33 =	vld [tilespmem:s0+$0x0];
	s0 =	sor.u32 s31, s7;
	v16 =	vadd.f32 v32, v16  }
0x29a: {  	s9 =	sor.u32 s31, s8;
	v12 =	vadd.f32 v27, v12;
	v13 =	vadd.f32 v29, v13;
	v30 =	vmul.f32 v40, v15;
	v32 =	vld [tilespmem:s0+$0x0];
	s0 =	sor.u32 $0x6380, s2  }
0x29b: {  	s5 =	sadd.s32 $0x10, s5;
	v14 =	vadd.f32 v26, v14;
	v27 =	vmul.f32 v43, v15;
	v29 =	vld [tilespmem:s9+$0x0];
	s2 =	sor.u32 s31, s0;
	v16 =	vadd.f32 v28, v16  }
0x29c: {  	v17 =	vadd.f32 v24, v17;
	v18 =	vadd.f32 v25, v18;
	v24 =	vmul.f32 v36, v15;
	v26 =	vld [tilespmem:s2+$0x0];
	s2 =	sor.u32 $0x300, s5  }
0x29d: {  	v23 =	vadd.f32 v23, v20;
	v19 =	vadd.f32 v27, v19;
	v25 =	vmul.f32 v39, v15;
	v34 =	vld [tilespmem:s2+$0x0];
	s2 =	sor.u32 $0x380, s5  }
.Ltmp17:
0x29e: {  	s1 =	sor.u32 s29, s1;
	v17 =	vadd.f32 v31, v17;
	v27 =	vadd.f32 v30, v18;
	v28 =	vmul.f32 v33, v15;
	v20 =	vld [tilespmem:s2+$0x0];
	(pc) =	sbr.rel @p0 .LBB2_7-.Ltmp17, $4  }
0x29f: {  	v19 =	vadd.f32 v24, v19;
	v23 =	vadd.f32 v25, v23;
	v24 =	vmul.f32 v32, v15;
	v18 =	vld [tilespmem:s1+$0x0];
	s1 =	sor.u32 s29, s3  }
0x2a0: {  	v30 =	vadd.f32 v38, v17;
	v31 =	vadd.f32 v41, v27;
	v25 =	vmul.f32 v29, v15;
	v17 =	vld [tilespmem:s1+$0x0];
	s1 =	sor.u32 s29, s6  }
0x2a1: {  	v27 =	vadd.f32 v28, v19;
	v28 =	vadd.f32 v24, v23;
	v29 =	vmul.f32 v26, v15;
	v19 =	vld [tilespmem:s1+$0x0];
	s1 =	sor.u32 s29, s7  }
0x2a2: {  	v15 =	vadd.f32 v35, v30;
	v26 =	vadd.f32 v37, v31;
	v24 =	vmul.f32 v34, v5;
	v23 =	vld [tilespmem:s1+$0x0];
	s1 =	sor.u32 s29, s8  }
0x2a3: {  	v25 =	vadd.f32 v25, v27;
	v51 =	vadd.f32 v29, v28;
	v20 =	vmul.f32 v20, v5;
	v52 =	vld [tilespmem:s1+$0x0];
	s0 =	sor.u32 s29, s0  }
0x2a4: {  	v15 =	vadd.f32 v21, v15;
	v53 =	vadd.f32 v22, v26;
	v18 =	vmul.f32 v18, v5;
	v54 =	vld [tilespmem:s0+$0x0]  }
0x2a5: {  	v24 =	vadd.f32 v24, v25;
	v20 =	vadd.f32 v20, v51;
	v17 =	vmul.f32 v17, v5  }
0x2a6: {  	v10 =	vadd.f32 v10, v15;
	v11 =	vadd.f32 v11, v53;
	v55 =	vmul.f32 v19, v5  }
0x2a7: {  	v18 =	vadd.f32 v18, v24;
	v17 =	vadd.f32 v17, v20;
	v56 =	vmul.f32 v23, v5  }
0x2a8: {  	v8 =	vadd.f32 v8, v10;
	v9 =	vadd.f32 v9, v11;
	v57 =	vmul.f32 v52, v5  }
0x2a9: {  	v58 =	vadd.f32 v55, v18;
	v59 =	vadd.f32 v56, v17;
	v5 =	vmul.f32 v54, v5  }
0x2aa: {  	v6 =	vadd.f32 v6, v8;
	v7 =	vadd.f32 v7, v9  }
0x2ab: {  	v60 =	vadd.f32 v57, v58;
	v5 =	vadd.f32 v5, v59  }
0x2ac: {  	v61 =	vadd.f32 v13, v12;
	v62 =	vadd.f32 v16, v14  }
0x2ad: {  	v6 =	vadd.f32 v7, v6;
	v5 =	vadd.f32 v5, v60  }
0x2ae: {  	v7 =	vld [tilespmem:$0x18880]  }
0x2af: {  	v63 =	vadd.f32 v62, v61;
	v5 =	vadd.f32 v5, v6;
	_ =	sdelay $0x1  }
0x2b0: {  	v5 =	vadd.f32 v5, v63;
	_ =	sdelay $0x1  }
0x2b1: {  	v5 =	vadd.f32 v7, v5  }
0x2b2: {  	s6 =	rddreg [dreg:$0xd]  }
0x2b3: {  	s29 =	sand.u32 $0x7FFFFFF0, s6;
	[tilespmem:$0x18880] =	vst v5  }
0x2b4: {  	v5 =	vld [tilespmem:s29+$0x18800];
	_ =	sdelay $0x2  }
0x2b5: {  	s30 =	sand.u32 $0xF, s6  }
0x2b6: {  	v6 =	vmov s30  }
0x2b7: {  	vm2 =	veq.s32 v6, v4;
	vm1 =	vne.s32 v5, $0x0  }
0x2b8: {  	vm1 =	vmand vm2, vm1  }
0x2b9: {  	v5 =	vsel vm1, $0x3F800000, v1  }
0x2ba: {  	(xrf0) =	vmax.scan.msk.f32 $0xffff, v5;
	_ =	sdelay $0x5  }
0x2bb: {  	v5, _, _ =	vpop (xrf0)  }
0x2bc: {  	(v2sf) =	vpush v5, $0xF;
	_ =	sdelay $0xe  }
0x2bd: {  	s31 =	spop (v2sf)  }
0x2be: {  	p0 =	sgt.f32 s31, $0.0e+00  }
.Ltmp18:
0x2bf: {  	_ = 	snop;
	(pc) =	sbr.rel @!p0 .LBB2_12-.Ltmp18, $2  }
0x2c0: {  	_ =	sdelay $0x2  }
0x2c1: {  	s3 =	rddreg [dreg:$0xe]  }
0x2c2: {  	s0 =	simm.s32 $0x18000  }
0x2c3: {  	v5 =	vmov s3;
	s1 =	simm.s32 $0x0;
	s2 =	simm.s32 $0x10;
	v6 =	vld [tilespmem:s0+$0x0]  }
.LBB2_10:
0x2c4: {  	p0 =	sne.s32 s2, $0x3F0;
	_ =	sdelay $0x1  }
0x2c5: {  	v7 =	vmov s1  }
0x2c6: {  	v8 =	vor.u32 s1, v4;
	s1 =	smov.u32 s2;
	v7 =	vshll.u32 v7, $0x3  }
0x2c7: {  	v8 =	vand.u32 $0x7F, v8;
	v7 =	vand.u32 $0x1C00, v7;
	v9 =	vshll.u32 v6, $0xA  }
0x2c8: {  	v7 =	vor.u32 v7, v8;
	v10 =	vshll.u32 v6, $0x7;
	v9 =	vand.u32 $0x6000, v9  }
0x2c9: {  	v8 =	vand.u32 $0x380, v10;
	v7 =	vor.u32 v9, v7  }
0x2ca: {  	v7 =	vor.u32 v8, v7;
	_ =	sdelay $0x4  }
0x2cb: {  	v7 =	vld.idx.msk [tilespmem:v7+s4+$0x0], $0xffff;
	_ =	sdelay $0x1  }
0x2cc: {  	v8 =	vld [tilespmem:$0x18900]  }
0x2cd: {  	v9 =	vshrl.u32 v6, $0x5  }
0x2ce: {  	vm1 =	vne.s32 v6, $0x0;
	vm2 =	veq.s32 v9, v5  }
0x2cf: {  	vm1 =	vmand vm1, vm2  }
.Ltmp19:
0x2d0: {  	v6 =	vnsel vm1, $0x0, v7;
	(pc) =	sbr.rel @p0 .LBB2_10-.Ltmp19, $3  }
0x2d1: {  	v6 =	vadd.f32 v6, v8;
	_ =	sdelay $0x1  }
0x2d2: {  	s0 =	sadd.s32 $0x10, s0;
	[tilespmem:$0x18900] =	vst v6  }
0x2d3: {  	s2 =	sadd.s32 $0x10, s2;
	v6 =	vld [tilespmem:s0+$0x0]  }
0x2d4: {  	_ =	sdelay $0x1  }
0x2d5: {  	v7 =	vmov s1  }
0x2d6: {  	v8 =	vor.u32 s1, v4;
	v7 =	vshll.u32 v7, $0x3  }
0x2d7: {  	v8 =	vand.u32 $0x7F, v8;
	v7 =	vand.u32 $0x1C00, v7;
	v9 =	vshll.u32 v6, $0xA  }
0x2d8: {  	v7 =	vor.u32 v7, v8;
	v10 =	vshll.u32 v6, $0x7;
	v9 =	vand.u32 $0x6000, v9  }
0x2d9: {  	v61 =	vand.u32 $0x380, v10;
	v7 =	vor.u32 v9, v7  }
0x2da: {  	v7 =	vor.u32 v61, v7;
	_ =	sdelay $0x4  }
0x2db: {  	v7 =	vld.idx.msk [tilespmem:v7+s4+$0x0], $0xffff  }
0x2dc: {  	v62 =	vld [tilespmem:$0x18900]  }
0x2dd: {  	v63 =	vshrl.u32 v6, $0x5  }
0x2de: {  	vm1 =	vne.s32 v6, $0x0;
	vm2 =	veq.s32 v63, v5  }
0x2df: {  	vm1 =	vmand vm1, vm2  }
0x2e0: {  	v5 =	vnsel vm1, $0x0, v7  }
0x2e1: {  	v5 =	vadd.f32 v5, v62;
	_ =	sdelay $0x1  }
0x2e2: {  	[tilespmem:$0x18900] =	vst v5  }
.LBB2_12:
0x2e3: {  	p0 =	sne.s32 s3, $0x0  }
.Ltmp20:
0x2e4: {  	_ = 	snop;
	(pc) =	sbr.rel @p0 .LBB2_16-.Ltmp20, $1  }
0x2e5: {  	_ =	sdelay $0x3  }
0x2e6: {  	s0 =	simm.s32 $0x0  }
0x2e7: {  	s1 =	sand.u32 $0x7000, s0  }
0x2e8: {  	s2 =	simm.s32 $0x18400;
	s0 =	sand.u32 $0x70, s0;
	s1 =	sshrl.u32 s1, $0x2  }
0x2e9: {  	v5 =	vld [tilespmem:s2+$0x0];
	s0 =	sor.u32 s0, s1  }
0x2ea: {  	v6 =	vld [tilespmem:s0+$0x0];
	_ =	sdelay $0x1  }
0x2eb: {  	v7 =	vld [tilespmem:$0x18980];
	_ =	sdelay $0x2  }
0x2ec: {  	v5 =	vmul.f32 v5, v6;
	_ =	sdelay $0x1  }
0x2ed: {  	s3 =	simm.s32 $0x10;
	s1 =	simm.s32 $0x200;
	v5 =	vadd.f32 v5, v7  }
0x2ee: {  	s2 =	simm.s32 $0x20;
	s5 =	sand.u32 $0x7000, s1;
	s0 =	simm.s32 $0x18410  }
.LBB2_14:
0x2ef: {  	p0 =	sne.s32 s2, $0x3F0;
	s3 =	sand.u32 $0x70, s3;
	s5 =	sshrl.u32 s5, $0x2;
	[tilespmem:$0x18980] =	vst v5  }
0x2f0: {  	s5 =	sor.u32 s3, s5;
	v6 =	vld [tilespmem:s0+$0x0];
	s3 =	smov.u32 s2  }
0x2f1: {  	v7 =	vld [tilespmem:s5+$0x0];
	_ =	sdelay $0x3  }
.Ltmp21:
0x2f2: {  	(pc) =	sbr.rel @p0 .LBB2_14-.Ltmp21, $3  }
0x2f3: {  	v6 =	vmul.f32 v6, v7;
	_ =	sdelay $0x1  }
0x2f4: {  	s1 =	sadd.s32 $0x200, s1;
	v5 =	vadd.f32 v6, v5  }
0x2f5: {  	s2 =	sadd.s32 $0x10, s2;
	s0 =	sadd.s32 $0x10, s0;
	s5 =	sand.u32 $0x7000, s1  }
0x2f6: {  	s1 =	sand.u32 $0x70, s3;
	s2 =	sshrl.u32 s5, $0x2;
	[tilespmem:$0x18980] =	vst v5  }
0x2f7: {  	s1 =	sor.u32 s1, s2;
	v6 =	vld [tilespmem:s0+$0x0]  }
0x2f8: {  	v7 =	vld [tilespmem:s1+$0x0];
	_ =	sdelay $0x4  }
0x2f9: {  	v6 =	vmul.f32 v6, v7;
	_ =	sdelay $0x1  }
0x2fa: {  	v5 =	vadd.f32 v6, v5;
	_ =	sdelay $0x1  }
0x2fb: {  	[tilespmem:$0x18980] =	vst v5  }
.LBB2_16:
0x2fc: {  	s0 =	sadd.s32 $0x3, s6  }
0x2fd: {  	p0 =	sge.u32 s0, s15  }
.Ltmp22:
0x2fe: {  	s1 =	rddreg [dreg:$0x7];
	s0 =	sshll.u32 @!p0 s0, $0x14;
	(pc) =	sbr.rel .LBB2_39-.Ltmp22, $4  }
0x2ff: {  	s0 =	sor.u32 @!p0 s1, s0  }
0x300: {  	s1 =	rddreg [dreg:$0x0];
	s0 =	sshrl.u32 @!p0 s0, $0x3  }
0x301: {  	s0 =	sadd.s32 @!p0 s1, s0;
	s1 =	simm.s32 @!p0 $0x0  }
0x302: {  	[tilespmem:s1], [sflag:$0x1] =	stream.linear.gather @!p0 [hbm4b:s0+s1], $0x8000, $0x38;
	[tilespmem:$0x18A80] =	vst v63  }
.LBB2_40:
0x303: {  	s1 =	simm.s32 $0x0  }
0x304: {  	v5 =	vimm.f32 $0.0e+00;
	s0 =	simm.s32 $0x40;
	v6 =	vld [tilespmem:s1+$0x18400]  }
.LBB2_41:
0x305: {  	p0 =	sne.s32 s0, $0xFC0  }
.Ltmp23:
0x306: {  	_ = 	snop;
	(pc) =	sbr.rel @p0 .LBB2_41-.Ltmp23, $3  }
0x307: {  	_ =	sdelay $0x1  }
0x308: {  	s1 =	sshra.s32 s0, $0x2;
	s0 =	sadd.s32 $0x40, s0;
	v5 =	vadd.f32 v6, v5  }
0x309: {  	v6 =	vld [tilespmem:s1+$0x18400]  }
0x30a: {  	_ =	sdelay $0x1  }
0x30b: {  	v7 =	vld [tilespmem:$0x18880];
	_ =	sdelay $0x1  }
0x30c: {  	v5 =	vadd.f32 v6, v5;
	v6 =	vld [tilespmem:$0x18980];
	_ =	sdelay $0x1  }
0x30d: {  	v8 =	vld [tilespmem:$0x18900];
	v5 =	vmul.f32 $-1.476373550e+00, v5  }
0x30e: {  	v7 =	vmul.f32 $1.000020010e-06, v7  }
0x30f: {  	v5 =	vnsel vm0, $0x80000000, v5  }
0x310: {  	v5 =	vsub.f32 v5, v7;
	v6 =	vmul.f32 $1.000020010e-06, v6;
	_ =	sdelay $0x1  }
0x311: {  	v5 =	vadd.f32 v6, v5;
	v6 =	vmul.f32 $-8.999990220e-01, v8;
	_ =	sdelay $0x1  }
0x312: {  	v5 =	vadd.f32 v6, v5;
	_ =	sdelay $0x1  }
0x313: {  	s0 =	rddreg [dreg:$0xa];
	s1 =	simm.s32 $0x18A00;
	s2 =	simm.s32 $0x4;
	[tilespmem:$0x18A00] =	vst v5  }
0x314: {  	[hbm4b:s0+s4] =	stream.linear.scatter [tilespmem:s1], [sflag:$0x4], $0x10, $0x38;
	[tilespmem:$0x18A80] =	vst v63  }
0x315: {  	_ =	swait.ge [sflag:s2], $0x10  }
0x316: {  	s30 =	rddreg [dreg:$0xc]  }
0x317: {  	s31 =	rddreg [dreg:$0xb];
	s1 =	sadd.s32 $0x1, s30  }
0x318: {  	p0 =	sne.s32 s1, s31  }
.Ltmp24:
0x319: {  	_ = 	snop;
	(pc) =	sbr.rel @p0 .LBB2_1-.Ltmp24, $3  }
0x31a: {  	_ =	sdelay $0x1  }
0x31b: {  	[sflag:s2] =	ssyncset.done $0x0  }
0x31c: {  	[sflag:s2] =	ssyncadd.s32 $0xFFFFFFF0  }
0x31d: {  	_ =	sfence.sel $0x180000  }
0x31e: {  	[bflag:$0x0] =	sbarrier.arrive $0xFFFF  }
0x31f: {  	_ =	strace $0x90000047  }
0x320: {  	s0 =	stileid.u32;
	[bflag:$0x2] =	sbarrier.arrive $0xFFFF  }
0x321: {  	p0 =	sne.s32 s0, $0x0;
	s0 =	rddreg [dreg:$0x3]  }
0x322: {  	s0 =	sadd.s32 @!p0 $0x100000, s0  }
0x323: {  	[sflag:s0] =	ssyncadd.tile.s32 @!p0 $0x1;
	_ =	shalt  }
.Lfunc_end2:
_tile_overlayer_lowered:
.L_overlay_start_2:
0x324: {  	(tag) =	ssettag $0x2  }
0x325: {  	s0 =	rddreg [dreg:$0x0];
	s2 =	stileid.u32  }
0x326: {  	s1 =	rddreg [dreg:$0x1];
	p0 =	sne.s32 s2, $0x0  }
0x327: {  	s3 =	rddreg [dreg:$0x2];
	[bflag:$0x3] =	sbarrier.arrive $0xFFFF;
	s2 =	simm.s32 @!p0 $0x1C04  }
0x328: {  	[timem:s3], [sflag:s2] =	dma.local @!p0 [hbm:s0], s1  }
0x329: {  	s0 =	simm.s32 @!p0 $0x4  }
0x32a: {  	_ =	swait.ge @!p0 [sflag:s0], s1  }
0x32b: {  	s1 =	ssub.s32 @!p0 $0x0, s1;
	[sflag:s0] =	ssyncset.done @!p0 $0x0  }
0x32c: {  	[sflag:s0] =	ssyncadd.s32 @!p0 s1  }
0x32d: {  	[bflag:$0x3] =	sbarrier.arrive $0xFFFF  }
0x32e: {  	_ =	shalt  }

</sc_bundles>
